<compile_context>
chip_gen: v7x
topology: tpu7x:2x2x1
jax: 0.10.2.dev20260603
libtpu: 0.0.44.dev20260713+nightly
codegen_flags: <defaults>
</compile_context>

<pallas_src>
import functools

import jax
import jax.numpy as jnp
from jax import lax
from jax.experimental import pallas as pl
from jax.experimental.pallas import tpu as pltpu
from jax.experimental.pallas import tpu_sc as plsc

LEAKY = 0.001
NC = 2
NS = 16
CHUNK = 128


def _leaky(x):
    return jnp.maximum(x, LEAKY * x)



def _proj_body(enc_ref, wa_ref, wb_ref, c_ref, p_ref, q_ref):
    e = enc_ref[...]
    p_ref[...] = jnp.dot(e, wa_ref[...], preferred_element_type=jnp.float32) + c_ref[...]
    q_ref[...] = jnp.dot(e, wb_ref[...], preferred_element_type=jnp.float32)



def _edge_body(s_ref, dr_ref, w1_ref, b1_ref, w2_ref,
               b2_ref, w3_ref, b3_ref, wdl_ref, u0_ref, u1_ref):
    dr = dr_ref[...]
    dl2 = jnp.sum(dr * dr, axis=1, keepdims=True)
    dl = jnp.sqrt(jnp.maximum(dl2, 1e-12))
    h = s_ref[...] + dl * wdl_ref[...]
    x = _leaky(h)
    x = _leaky(jnp.dot(x, w1_ref[...], preferred_element_type=jnp.float32) + b1_ref[...])
    x = _leaky(jnp.dot(x, w2_ref[...], preferred_element_type=jnp.float32) + b2_ref[...])
    d8 = jnp.dot(x, w3_ref[...], preferred_element_type=jnp.float32) + b3_ref[...]
    dh = dr / dl
    u0_ref[...] = -0.5 * d8[:, 0:1] * dh
    u1_ref[...] = 0.5 * d8[:, 1:2] * dh



def _combine_body(ans_ref, part_ref, out_ref):
    p = part_ref[...]
    out_ref[...] = ans_ref[...] + jnp.sum(p, axis=0)


def kernel(coords, bonds, encoded, t, answer, W0, b0, W1, b1, W2, b2, W3, b3):
    N, T, _ = coords.shape
    E = bonds.shape[0]
    D = encoded.shape[1]
    NT = NC * NS
    ept = pl.cdiv(E, NT * CHUNK) * CHUNK
    e_pad = ept * NT
    nch = ept // CHUNK
    nch_slow = 24
    nch_fast = 2 * nch - nch_slow

    f32 = jnp.float32

    i0 = bonds[:, 0]
    i1 = bonds[:, 1]
    pad = e_pad - E
    i0p = jnp.pad(i0, (0, pad)).reshape(e_pad // CHUNK, CHUNK)
    i1p = jnp.pad(i1, (0, pad)).reshape(e_pad // CHUNK, CHUNK)
    coords4 = jnp.pad(coords.reshape(N, 3 * T), ((0, 0), (0, 1))).reshape(N * 4)
    ans4 = jnp.pad(answer.reshape(N, 3 * T), ((0, 0), (0, 1)))
    zeros4 = jnp.zeros((N, 4), f32)
    W0a = W0[:D]
    W0b = W0[D:2 * D]
    cvec = (b0 + t[0] * W0[2 * D]).reshape(1, D)
    wdl = W0[2 * D + 1].reshape(1, D)
    W3p = jnp.pad(W3, ((0, 0), (0, 8 - W3.shape[1])))
    b3p = jnp.pad(b3, (0, 8 - b3.shape[0])).reshape(1, 8)
    b1r = b1.reshape(1, D)
    b2r = b2.reshape(1, D)

    nb = 1000
    grid_a = N // nb
    P, Q = pl.pallas_call(
        _proj_body,
        grid=(grid_a,),
        in_specs=[
            pl.BlockSpec((nb, D), lambda i: (i, 0)),
            pl.BlockSpec((D, D), lambda i: (0, 0)),
            pl.BlockSpec((D, D), lambda i: (0, 0)),
            pl.BlockSpec((1, D), lambda i: (0, 0)),
        ],
        out_specs=[
            pl.BlockSpec((nb, D), lambda i: (i, 0)),
            pl.BlockSpec((nb, D), lambda i: (i, 0)),
        ],
        out_shape=[
            jax.ShapeDtypeStruct((N, D), f32),
            jax.ShapeDtypeStruct((N, D), f32),
        ],
    )(encoded, W0a, W0b, cvec)

    mesh = plsc.VectorSubcoreMesh(core_axis_name="c", subcore_axis_name="s",
                                  num_cores=NC, num_subcores=NS)

    @functools.partial(
        pl.kernel,
        out_type=jax.ShapeDtypeStruct((e_pad, D), f32),
        mesh=mesh,
        scratch_types=[
            pltpu.VMEM((nch_fast, CHUNK), jnp.int32),
            pltpu.VMEM((nch_fast, CHUNK), jnp.int32),
            pltpu.VMEM((2, CHUNK, D), f32),
            pltpu.VMEM((2, CHUNK, D), f32),
            pltpu.SemaphoreType.DMA,
            pltpu.SemaphoreType.DMA,
            pltpu.SemaphoreType.DMA,
            pltpu.SemaphoreType.DMA,
        ],
        compiler_params=pltpu.CompilerParams(needs_layout_passes=False),
    )
    def gather_kernel(p_hbm, q_hbm, i0_hbm, i1_hbm,
                      s_out,
                      i0m, i1m, gp, gq,
                      gsem0, gsem1, wsem0, wsem1):
        cid = lax.axis_index("c")
        sid = lax.axis_index("s")
        row0 = jnp.where(cid == 1, sid * nch_slow,
                         NS * nch_slow + sid * nch_fast)
        my_pairs = jnp.where(cid == 1, nch_slow // 2, nch_fast // 2)
        pltpu.sync_copy(i0_hbm.at[pl.ds(row0, nch_fast)], i0m)
        pltpu.sync_copy(i1_hbm.at[pl.ds(row0, nch_fast)], i1m)
        gsems = (gsem0, gsem1)
        wsems = (wsem0, wsem1)

        def start_chunk(j, s):
            return [
                pltpu.async_copy(p_hbm.at[i0m.at[j]], gp.at[s], gsems[s]),
                pltpu.async_copy(q_hbm.at[i1m.at[j]], gq.at[s], gsems[s]),
            ]

        def finish_chunk(j, s, gathers):
            base = pl.multiple_of((row0 + j) * CHUNK, CHUNK)
            for g in gathers:
                g.wait()

            def add_row(r, carry):
                for k in range(D // 16):
                    sl = pl.ds(k * 16, 16)
                    gp[s, r, sl] = gp[s, r, sl] + gq[s, r, sl]
                return carry

            lax.fori_loop(0, CHUNK, add_row, 0)
            return [
                pltpu.async_copy(gp.at[s], s_out.at[pl.ds(base, CHUNK)], wsems[s]),
            ]

        def body(t, carry):
            j0 = t * 2
            j1 = j0 + 1
            g0 = start_chunk(j0, 0)
            g1 = start_chunk(j1, 1)
            w0 = finish_chunk(j0, 0, g0)
            w1 = finish_chunk(j1, 1, g1)
            for w in w0 + w1:
                w.wait()
            return carry

        lax.fori_loop(0, my_pairs, body, 0)


    @functools.partial(
        pl.kernel,
        out_type=jax.ShapeDtypeStruct((e_pad, 4), f32),
        mesh=mesh,
        scratch_types=[
            pltpu.VMEM((nch, CHUNK), jnp.int32),
            pltpu.VMEM((nch, CHUNK), jnp.int32),
            pltpu.VMEM((CHUNK, 4), f32),
            pltpu.VMEM((N * 4,), f32),
        ],
        compiler_params=pltpu.CompilerParams(needs_layout_passes=False),
    )
    def dr_kernel(c4_hbm, i0_hbm, i1_hbm, dr_out, i0m, i1m, drs, cv):
        wid = lax.axis_index("c") * NS + lax.axis_index("s")
        tbase = wid * ept
        pltpu.sync_copy(i0_hbm.at[pl.ds(wid * nch, nch)], i0m)
        pltpu.sync_copy(i1_hbm.at[pl.ds(wid * nch, nch)], i1m)
        pltpu.sync_copy(c4_hbm, cv)

        def body(j, carry):
            base = pl.multiple_of(tbase + j * CHUNK, CHUNK)
            for g in range(CHUNK // 16):
                r0 = i0m[j, pl.ds(g * 16, 16)] * 4
                r1 = i1m[j, pl.ds(g * 16, 16)] * 4
                rows = jnp.arange(16, dtype=jnp.int32) + (g * 16)
                for c in range(4):
                    v0 = plsc.load_gather(cv, [r0 + c])
                    v1 = plsc.load_gather(cv, [r1 + c])
                    plsc.store_scatter(drs, [rows, jnp.full((16,), c, jnp.int32)],
                                       v0 - v1)
            pltpu.sync_copy(drs, dr_out.at[pl.ds(base, CHUNK)])
            return carry

        lax.fori_loop(0, nch, body, 0)

    S = gather_kernel(P, Q, i0p, i1p)
    DR = dr_kernel(coords4, i0p, i1p)

    eb = 4096
    grid_c = e_pad // eb
    U0, U1 = pl.pallas_call(
        _edge_body,
        grid=(grid_c,),
        in_specs=[
            pl.BlockSpec((eb, D), lambda i: (i, 0)),
            pl.BlockSpec((eb, 4), lambda i: (i, 0)),
            pl.BlockSpec((D, D), lambda i: (0, 0)),
            pl.BlockSpec((1, D), lambda i: (0, 0)),
            pl.BlockSpec((D, D), lambda i: (0, 0)),
            pl.BlockSpec((1, D), lambda i: (0, 0)),
            pl.BlockSpec((D, 8), lambda i: (0, 0)),
            pl.BlockSpec((1, 8), lambda i: (0, 0)),
            pl.BlockSpec((1, D), lambda i: (0, 0)),
        ],
        out_specs=[
            pl.BlockSpec((eb, 4), lambda i: (i, 0)),
            pl.BlockSpec((eb, 4), lambda i: (i, 0)),
        ],
        out_shape=[
            jax.ShapeDtypeStruct((e_pad, 4), f32),
            jax.ShapeDtypeStruct((e_pad, 4), f32),
        ],
    )(S, DR, W1, b1r, W2, b2r, W3p, b3p, wdl)

    z4f = zeros4.reshape(N * 4)

    @functools.partial(
        pl.kernel,
        out_type=jax.ShapeDtypeStruct((NT, N * 4), f32),
        mesh=mesh,
        scratch_types=[
            pltpu.VMEM((CHUNK,), jnp.int32),
            pltpu.VMEM((CHUNK,), jnp.int32),
            pltpu.VMEM((CHUNK, 4), f32),
            pltpu.VMEM((CHUNK, 4), f32),
            pltpu.VMEM((N * 4,), f32),
        ],
        compiler_params=pltpu.CompilerParams(needs_layout_passes=False),
    )
    def scatter_kernel(u0_hbm, u1_hbm, i0_hbm, i1_hbm, z4_hbm, part_hbm,
                       idx0v, idx1v, u0v, u1v, accl):
        cid = lax.axis_index("c")
        sid = lax.axis_index("s")
        wid = cid * NS + sid
        tbase = wid * ept
        pltpu.sync_copy(z4_hbm, accl)

        def scatter_chunk(idxv, uv):
            for g in range(CHUNK // 16):
                eidx = idxv[pl.ds(g * 16, 16)] * 4
                rows = jnp.arange(16, dtype=jnp.int32) + (g * 16)
                for c in range(3):
                    vals = plsc.load_gather(uv, [rows, jnp.full((16,), c, jnp.int32)])
                    plsc.addupdate_scatter(accl, [eidx + c], vals)

        def body(j, carry):
            base = pl.multiple_of(tbase + j * CHUNK, CHUNK)
            pltpu.sync_copy(i0_hbm.at[wid * nch + j], idx0v)
            pltpu.sync_copy(i1_hbm.at[wid * nch + j], idx1v)
            pltpu.sync_copy(u0_hbm.at[pl.ds(base, CHUNK)], u0v)
            pltpu.sync_copy(u1_hbm.at[pl.ds(base, CHUNK)], u1v)
            scatter_chunk(idx0v, u0v)
            scatter_chunk(idx1v, u1v)
            return carry

        lax.fori_loop(0, nch, body, 0)
        pltpu.sync_copy(accl, part_hbm.at[wid])

    part = scatter_kernel(U0, U1, i0p, i1p, z4f)

    ans_out4 = pl.pallas_call(
        _combine_body,
        grid=(1,),
        in_specs=[
            pl.BlockSpec((1, N * 4), lambda i: (0, 0)),
            pl.BlockSpec((NT, N * 4), lambda i: (0, 0)),
        ],
        out_specs=pl.BlockSpec((1, N * 4), lambda i: (0, 0)),
        out_shape=jax.ShapeDtypeStruct((1, N * 4), f32),
    )(ans4.reshape(1, N * 4), part)

    return ans_out4.reshape(N, 4)[:, :3].reshape(N, T, 3)

# --- scband reference (transcript-rebuilt; emitter-appended) ---
"""Pipeline reference for scband-diffusion-transformer-82841329205434 (READ-ONLY COPY).

The authoritative reference and input builder live on the scoring server;
editing this copy changes nothing except your own understanding.
"""

import jax, jax.numpy as jnp
import numpy as np

N = 10000
E = 160000
D = 128
T = 1
LEAKY = 0.001


def _mlp(x, W0, b0, W1, b1, W2, b2, W3, b3):
    # AggregateMLP(dim_start=2*D+2, dim_hidden=D, dim_end=2, num_hidden=2, leaky=0.001)
    x = jax.nn.leaky_relu(x @ W0 + b0, LEAKY)
    x = jax.nn.leaky_relu(x @ W1 + b1, LEAKY)
    x = jax.nn.leaky_relu(x @ W2 + b2, LEAKY)
    return x @ W3 + b3


def setup_inputs(seed: int = 0) -> dict:
    key = jax.random.key(seed)
    ks = jax.random.split(key, 12)
    coords = jax.random.normal(ks[0], (N, T, 3), dtype=jnp.float32)
    bonds = jax.random.randint(ks[1], (E, 2), 0, N, dtype=jnp.int32)
    encoded = jax.random.normal(ks[2], (N, D), dtype=jnp.float32)
    t = jax.random.uniform(ks[3], (T,), dtype=jnp.float32)
    answer = jnp.zeros((N, T, 3), dtype=jnp.float32)
    din = 2 * D + 2
    s0 = 1.0 / np.sqrt(din)
    s1 = 1.0 / np.sqrt(D)
    W0 = jax.random.normal(ks[4], (din, D), dtype=jnp.float32) * s0
    b0 = jnp.zeros((D,), dtype=jnp.float32)
    W1 = jax.random.normal(ks[5], (D, D), dtype=jnp.float32) * s1
    b1 = jnp.zeros((D,), dtype=jnp.float32)
    W2 = jax.random.normal(ks[6], (D, D), dtype=jnp.float32) * s1
    b2 = jnp.zeros((D,), dtype=jnp.float32)
    W3 = jax.random.normal(ks[7], (D, 2), dtype=jnp.float32) * s1
    b3 = jnp.zeros((2,), dtype=jnp.float32)
    return {"coords": coords, "bonds": bonds, "encoded": encoded, "t": t,
            "answer": answer, "W0": W0, "b0": b0, "W1": W1, "b1": b1,
            "W2": W2, "b2": b2, "W3": W3, "b3": b3}


def reference(coords, bonds, encoded, t, answer, W0, b0, W1, b1, W2, b2, W3, b3):
    # DiffusionBondsGeometry
    i0 = bonds[:, 0]
    i1 = bonds[:, 1]
    dr = jnp.take(coords, i0, axis=0) - jnp.take(coords, i1, axis=0)   # [E, T, 3]
    dl2 = jnp.sum(jnp.square(dr), axis=-1)
    dl = jnp.sqrt(jnp.clip(dl2, 1e-12, None))                          # [E, T]
    dh = dr / dl[..., None]                                            # [E, T, 3]
    # DiffusionBonds.delta: gather atom encodings, concat with t and dl
    e0 = jnp.broadcast_to(jnp.take(encoded, i0, axis=0)[:, None, :], (E, T, D))
    e1 = jnp.broadcast_to(jnp.take(encoded, i1, axis=0)[:, None, :], (E, T, D))
    tt = jnp.broadcast_to(t.reshape(1, T, 1), (E, T, 1))
    feat = jnp.concatenate([e0, e1, tt, dl[..., None]], axis=-1)        # [E, T, 2D+2]
    delta = _mlp(feat, W0, b0, W1, b1, W2, b2, W3, b3)                  # [E, T, 2]
    # index_add_ scatter updates (alpha=-0.5 on atom0, +0.5 on atom1)
    upd0 = -0.5 * delta[:, :, 0:1] * dh
    upd1 = 0.5 * delta[:, :, 1:2] * dh
    answer = answer.at[i0].add(upd0)
    answer = answer.at[i1].add(upd1)
    return answer

if __name__ == "__main__":
    import jax
    _d = setup_inputs()
    print(jax.jit(kernel)(*tuple(_d.values())))

</pallas_src>

<mosaic_0001>
#map = affine_map<(d0, d1) -> (0)>
#map1 = affine_map<(d0, d1) -> (0, 0)>
module attributes {stable_mosaic.version = 14 : i64} {
  func.func @dr_kernel(%arg0: i32, %arg1: i32, %arg2: memref<40000xf32, #tpu.memory_space<hbm>>, %arg3: memref<1280x128xi32, #tpu.memory_space<hbm>>, %arg4: memref<1280x128xi32, #tpu.memory_space<hbm>>, %arg5: memref<163840x4xf32, #tpu.memory_space<hbm>>, %arg6: memref<40x128xi32, #tpu.memory_space<vmem>>, %arg7: memref<40x128xi32, #tpu.memory_space<vmem>>, %arg8: memref<128x4xf32, #tpu.memory_space<vmem>>, %arg9: memref<40000xf32, #tpu.memory_space<vmem>>) attributes {dimension_semantics = [#tpu.dimension_semantics<core_parallel>, #tpu.dimension_semantics<subcore_parallel>], iteration_bounds = array<i64: 2, 16>, scalar_prefetch = 0 : i64, scratch_operands = 4 : i64, tpu.core_type = #tpu.core_type<sc_vector_subcore>, window_params = [{transform_indices = #map}, {transform_indices = #map1}, {transform_indices = #map1}, {transform_indices = #map1}]} {
    %mul3A = arith.constant 16 : i32
    %mul3A_0 = arith.muli %arg0, %mul3A : i32
    %add3A = arith.addi %mul3A_0, %arg1 : i32
    %mul3A_1 = arith.constant 5120 : i32
    %mul3A_2 = arith.muli %add3A, %mul3A_1 : i32
    %mul3A_3 = arith.constant 40 : i32
    %mul3A_4 = arith.muli %add3A, %mul3A_3 : i32
    "tpu.region"() ({
      %run_scoped3A = tpu.sem_alloc : memref<!tpu.dma_semaphore, #tpu.memory_space<semaphore_mem>>
      %dma_start3A = arith.constant 0 : i32
      %dma_start3A_12 = tpu.memref_slice %arg3[%mul3A_4, %dma_start3A] : memref<1280x128xi32, #tpu.memory_space<hbm>> -> memref<40x128xi32, #tpu.memory_space<hbm>>
      %dma_start3A_13 = arith.constant 0 : i32
      %dma_start3A_14 = tpu.memref_slice %arg3[%mul3A_4, %dma_start3A_13] : memref<1280x128xi32, #tpu.memory_space<hbm>> -> memref<40x128xi32, #tpu.memory_space<hbm>>
      tpu.enqueue_dma source(%dma_start3A_14 : memref<40x128xi32, #tpu.memory_space<hbm>>) target(%arg6 : memref<40x128xi32, #tpu.memory_space<vmem>>) target_semaphore(%run_scoped3A : memref<!tpu.dma_semaphore, #tpu.memory_space<semaphore_mem>>)
      %dma_wait3A = arith.constant 0 : i32
      %dma_wait3A_15 = tpu.memref_slice %arg3[%mul3A_4, %dma_wait3A] : memref<1280x128xi32, #tpu.memory_space<hbm>> -> memref<40x128xi32, #tpu.memory_space<hbm>>
      %dma_wait3A_16 = arith.constant 0 : i32
      %dma_wait3A_17 = tpu.memref_slice %arg3[%mul3A_4, %dma_wait3A_16] : memref<1280x128xi32, #tpu.memory_space<hbm>> -> memref<40x128xi32, #tpu.memory_space<hbm>>
      tpu.wait_dma2 semaphore(%run_scoped3A : memref<!tpu.dma_semaphore, #tpu.memory_space<semaphore_mem>>) src(%dma_wait3A_17 : memref<40x128xi32, #tpu.memory_space<hbm>>) dst(%arg6 : memref<40x128xi32, #tpu.memory_space<vmem>>)
      tpu.yield
    }) : () -> ()
    %mul3A_5 = arith.constant 40 : i32
    %mul3A_6 = arith.muli %add3A, %mul3A_5 : i32
    "tpu.region"() ({
      %run_scoped3A = tpu.sem_alloc : memref<!tpu.dma_semaphore, #tpu.memory_space<semaphore_mem>>
      %dma_start3A = arith.constant 0 : i32
      %dma_start3A_12 = tpu.memref_slice %arg4[%mul3A_6, %dma_start3A] : memref<1280x128xi32, #tpu.memory_space<hbm>> -> memref<40x128xi32, #tpu.memory_space<hbm>>
      %dma_start3A_13 = arith.constant 0 : i32
      %dma_start3A_14 = tpu.memref_slice %arg4[%mul3A_6, %dma_start3A_13] : memref<1280x128xi32, #tpu.memory_space<hbm>> -> memref<40x128xi32, #tpu.memory_space<hbm>>
      tpu.enqueue_dma source(%dma_start3A_14 : memref<40x128xi32, #tpu.memory_space<hbm>>) target(%arg7 : memref<40x128xi32, #tpu.memory_space<vmem>>) target_semaphore(%run_scoped3A : memref<!tpu.dma_semaphore, #tpu.memory_space<semaphore_mem>>)
      %dma_wait3A = arith.constant 0 : i32
      %dma_wait3A_15 = tpu.memref_slice %arg4[%mul3A_6, %dma_wait3A] : memref<1280x128xi32, #tpu.memory_space<hbm>> -> memref<40x128xi32, #tpu.memory_space<hbm>>
      %dma_wait3A_16 = arith.constant 0 : i32
      %dma_wait3A_17 = tpu.memref_slice %arg4[%mul3A_6, %dma_wait3A_16] : memref<1280x128xi32, #tpu.memory_space<hbm>> -> memref<40x128xi32, #tpu.memory_space<hbm>>
      tpu.wait_dma2 semaphore(%run_scoped3A : memref<!tpu.dma_semaphore, #tpu.memory_space<semaphore_mem>>) src(%dma_wait3A_17 : memref<40x128xi32, #tpu.memory_space<hbm>>) dst(%arg7 : memref<40x128xi32, #tpu.memory_space<vmem>>)
      tpu.yield
    }) : () -> ()
    "tpu.region"() ({
      %run_scoped3A = tpu.sem_alloc : memref<!tpu.dma_semaphore, #tpu.memory_space<semaphore_mem>>
      tpu.enqueue_dma source(%arg2 : memref<40000xf32, #tpu.memory_space<hbm>>) target(%arg9 : memref<40000xf32, #tpu.memory_space<vmem>>) target_semaphore(%run_scoped3A : memref<!tpu.dma_semaphore, #tpu.memory_space<semaphore_mem>>)
      tpu.wait_dma2 semaphore(%run_scoped3A : memref<!tpu.dma_semaphore, #tpu.memory_space<semaphore_mem>>) src(%arg2 : memref<40000xf32, #tpu.memory_space<hbm>>) dst(%arg9 : memref<40000xf32, #tpu.memory_space<vmem>>)
      tpu.yield
    }) : () -> ()
    %scan3A = arith.constant 0 : i32
    %scan3A_7 = arith.constant 0 : i32
    %scan3A_8 = arith.constant 40 : i32
    %scan3A_9 = arith.addi %scan3A_7, %scan3A_8 : i32
    %scan3A_10 = arith.constant 1 : i32
    scf.for %scan3A_12 = %scan3A_7 to %scan3A_9 step %scan3A_10  : i32 {
      %mul3A_13 = arith.constant 128 : i32
      %mul3A_14 = arith.muli %scan3A_12, %mul3A_13 : i32
      %add3A_15 = arith.addi %mul3A_2, %mul3A_14 : i32
      %multiple_of3A = tpu.assume_multiple %add3A_15, 128 : i32
      %get3A = arith.index_cast %scan3A_12 : i32 to index
      %get3A_16 = arith.constant 0 : index
      %get3A_17 = tpu.vector_load %arg6[%get3A, %get3A_16] {strides = array<i32>} : memref<40x128xi32, #tpu.memory_space<vmem>>, vector<16xi32>,
      %mul3A_18 = arith.constant 4 : i32
      %mul3A_19 = vector.broadcast %mul3A_18 : i32 to vector<16xi32>
      %mul3A_20 = arith.muli %get3A_17, %mul3A_19 : vector<16xi32>
      %get3A_21 = arith.index_cast %scan3A_12 : i32 to index
      %get3A_22 = arith.constant 0 : index
      %get3A_23 = tpu.vector_load %arg7[%get3A_21, %get3A_22] {strides = array<i32>} : memref<40x128xi32, #tpu.memory_space<vmem>>, vector<16xi32>,
      %mul3A_24 = arith.constant 4 : i32
      %mul3A_25 = vector.broadcast %mul3A_24 : i32 to vector<16xi32>
      %mul3A_26 = arith.muli %get3A_23, %mul3A_25 : vector<16xi32>
      %iota3A = tpu.iota {dimensions = array<i32: 0>} : vector<16xi32>
      %add3A_27 = arith.constant 0 : i32
      %add3A_28 = vector.broadcast %add3A_27 : i32 to vector<16xi32>
      %add3A_29 = arith.addi %iota3A, %add3A_28 : vector<16xi32>
      %add3A_30 = arith.constant 0 : i32
      %add3A_31 = vector.broadcast %add3A_30 : i32 to vector<16xi32>
      %add3A_32 = arith.addi %mul3A_20, %add3A_31 : vector<16xi32>
      %gather3A = tpu.vector_load_idx %arg9[%add3A_32] : memref<40000xf32, #tpu.memory_space<vmem>>[vector<16xi32>], vector<16xf32>,
      %add3A_33 = arith.constant 0 : i32
      %add3A_34 = vector.broadcast %add3A_33 : i32 to vector<16xi32>
      %add3A_35 = arith.addi %mul3A_26, %add3A_34 : vector<16xi32>
      %gather3A_36 = tpu.vector_load_idx %arg9[%add3A_35] : memref<40000xf32, #tpu.memory_space<vmem>>[vector<16xi32>], vector<16xf32>,
      %broadcast_in_dim3A = arith.constant 0 : i32
      %broadcast_in_dim3A_37 = vector.broadcast %broadcast_in_dim3A : i32 to vector<16xi32>
      %sub3A = arith.subf %gather3A, %gather3A_36 : vector<16xf32>
      tpu.vector_store_idx %arg8[%add3A_29, %broadcast_in_dim3A_37], %sub3A : memref<128x4xf32, #tpu.memory_space<vmem>>[vector<16xi32>, vector<16xi32>], vector<16xf32>,
      %add3A_38 = arith.constant 1 : i32
      %add3A_39 = vector.broadcast %add3A_38 : i32 to vector<16xi32>
      %add3A_40 = arith.addi %mul3A_20, %add3A_39 : vector<16xi32>
      %gather3A_41 = tpu.vector_load_idx %arg9[%add3A_40] : memref<40000xf32, #tpu.memory_space<vmem>>[vector<16xi32>], vector<16xf32>,
      %add3A_42 = arith.constant 1 : i32
      %add3A_43 = vector.broadcast %add3A_42 : i32 to vector<16xi32>
      %add3A_44 = arith.addi %mul3A_26, %add3A_43 : vector<16xi32>
      %gather3A_45 = tpu.vector_load_idx %arg9[%add3A_44] : memref<40000xf32, #tpu.memory_space<vmem>>[vector<16xi32>], vector<16xf32>,
      %broadcast_in_dim3A_46 = arith.constant 1 : i32
      %broadcast_in_dim3A_47 = vector.broadcast %broadcast_in_dim3A_46 : i32 to vector<16xi32>
      %sub3A_48 = arith.subf %gather3A_41, %gather3A_45 : vector<16xf32>
      tpu.vector_store_idx %arg8[%add3A_29, %broadcast_in_dim3A_47], %sub3A_48 : memref<128x4xf32, #tpu.memory_space<vmem>>[vector<16xi32>, vector<16xi32>], vector<16xf32>,
      %add3A_49 = arith.constant 2 : i32
      %add3A_50 = vector.broadcast %add3A_49 : i32 to vector<16xi32>
      %add3A_51 = arith.addi %mul3A_20, %add3A_50 : vector<16xi32>
      %gather3A_52 = tpu.vector_load_idx %arg9[%add3A_51] : memref<40000xf32, #tpu.memory_space<vmem>>[vector<16xi32>], vector<16xf32>,
      %add3A_53 = arith.constant 2 : i32
      %add3A_54 = vector.broadcast %add3A_53 : i32 to vector<16xi32>
      %add3A_55 = arith.addi %mul3A_26, %add3A_54 : vector<16xi32>
      %gather3A_56 = tpu.vector_load_idx %arg9[%add3A_55] : memref<40000xf32, #tpu.memory_space<vmem>>[vector<16xi32>], vector<16xf32>,
      %broadcast_in_dim3A_57 = arith.constant 2 : i32
      %broadcast_in_dim3A_58 = vector.broadcast %broadcast_in_dim3A_57 : i32 to vector<16xi32>
      %sub3A_59 = arith.subf %gather3A_52, %gather3A_56 : vector<16xf32>
      tpu.vector_store_idx %arg8[%add3A_29, %broadcast_in_dim3A_58], %sub3A_59 : memref<128x4xf32, #tpu.memory_space<vmem>>[vector<16xi32>, vector<16xi32>], vector<16xf32>,
      %add3A_60 = arith.constant 3 : i32
      %add3A_61 = vector.broadcast %add3A_60 : i32 to vector<16xi32>
      %add3A_62 = arith.addi %mul3A_20, %add3A_61 : vector<16xi32>
      %gather3A_63 = tpu.vector_load_idx %arg9[%add3A_62] : memref<40000xf32, #tpu.memory_space<vmem>>[vector<16xi32>], vector<16xf32>,
      %add3A_64 = arith.constant 3 : i32
      %add3A_65 = vector.broadcast %add3A_64 : i32 to vector<16xi32>
      %add3A_66 = arith.addi %mul3A_26, %add3A_65 : vector<16xi32>
      %gather3A_67 = tpu.vector_load_idx %arg9[%add3A_66] : memref<40000xf32, #tpu.memory_space<vmem>>[vector<16xi32>], vector<16xf32>,
      %broadcast_in_dim3A_68 = arith.constant 3 : i32
      %broadcast_in_dim3A_69 = vector.broadcast %broadcast_in_dim3A_68 : i32 to vector<16xi32>
      %sub3A_70 = arith.subf %gather3A_63, %gather3A_67 : vector<16xf32>
      tpu.vector_store_idx %arg8[%add3A_29, %broadcast_in_dim3A_69], %sub3A_70 : memref<128x4xf32, #tpu.memory_space<vmem>>[vector<16xi32>, vector<16xi32>], vector<16xf32>,
      %get3A_71 = arith.index_cast %scan3A_12 : i32 to index
      %get3A_72 = arith.constant 16 : index
      %get3A_73 = tpu.vector_load %arg6[%get3A_71, %get3A_72] {strides = array<i32>} : memref<40x128xi32, #tpu.memory_space<vmem>>, vector<16xi32>,
      %mul3A_74 = arith.constant 4 : i32
      %mul3A_75 = vector.broadcast %mul3A_74 : i32 to vector<16xi32>
      %mul3A_76 = arith.muli %get3A_73, %mul3A_75 : vector<16xi32>
      %get3A_77 = arith.index_cast %scan3A_12 : i32 to index
      %get3A_78 = arith.constant 16 : index
      %get3A_79 = tpu.vector_load %arg7[%get3A_77, %get3A_78] {strides = array<i32>} : memref<40x128xi32, #tpu.memory_space<vmem>>, vector<16xi32>,
      %mul3A_80 = arith.constant 4 : i32
      %mul3A_81 = vector.broadcast %mul3A_80 : i32 to vector<16xi32>
      %mul3A_82 = arith.muli %get3A_79, %mul3A_81 : vector<16xi32>
      %iota3A_83 = tpu.iota {dimensions = array<i32: 0>} : vector<16xi32>
      %add3A_84 = arith.constant 16 : i32
      %add3A_85 = vector.broadcast %add3A_84 : i32 to vector<16xi32>
      %add3A_86 = arith.addi %iota3A_83, %add3A_85 : vector<16xi32>
      %add3A_87 = arith.constant 0 : i32
      %add3A_88 = vector.broadcast %add3A_87 : i32 to vector<16xi32>
      %add3A_89 = arith.addi %mul3A_76, %add3A_88 : vector<16xi32>
      %gather3A_90 = tpu.vector_load_idx %arg9[%add3A_89] : memref<40000xf32, #tpu.memory_space<vmem>>[vector<16xi32>], vector<16xf32>,
      %add3A_91 = arith.constant 0 : i32
      %add3A_92 = vector.broadcast %add3A_91 : i32 to vector<16xi32>
      %add3A_93 = arith.addi %mul3A_82, %add3A_92 : vector<16xi32>
      %gather3A_94 = tpu.vector_load_idx %arg9[%add3A_93] : memref<40000xf32, #tpu.memory_space<vmem>>[vector<16xi32>], vector<16xf32>,
      %broadcast_in_dim3A_95 = arith.constant 0 : i32
      %broadcast_in_dim3A_96 = vector.broadcast %broadcast_in_dim3A_95 : i32 to vector<16xi32>
      %sub3A_97 = arith.subf %gather3A_90, %gather3A_94 : vector<16xf32>
      tpu.vector_store_idx %arg8[%add3A_86, %broadcast_in_dim3A_96], %sub3A_97 : memref<128x4xf32, #tpu.memory_space<vmem>>[vector<16xi32>, vector<16xi32>], vector<16xf32>,
      %add3A_98 = arith.constant 1 : i32
      %add3A_99 = vector.broadcast %add3A_98 : i32 to vector<16xi32>
      %add3A_100 = arith.addi %mul3A_76, %add3A_99 : vector<16xi32>
      %gather3A_101 = tpu.vector_load_idx %arg9[%add3A_100] : memref<40000xf32, #tpu.memory_space<vmem>>[vector<16xi32>], vector<16xf32>,
      %add3A_102 = arith.constant 1 : i32
      %add3A_103 = vector.broadcast %add3A_102 : i32 to vector<16xi32>
      %add3A_104 = arith.addi %mul3A_82, %add3A_103 : vector<16xi32>
      %gather3A_105 = tpu.vector_load_idx %arg9[%add3A_104] : memref<40000xf32, #tpu.memory_space<vmem>>[vector<16xi32>], vector<16xf32>,
      %broadcast_in_dim3A_106 = arith.constant 1 : i32
      %broadcast_in_dim3A_107 = vector.broadcast %broadcast_in_dim3A_106 : i32 to vector<16xi32>
      %sub3A_108 = arith.subf %gather3A_101, %gather3A_105 : vector<16xf32>
      tpu.vector_store_idx %arg8[%add3A_86, %broadcast_in_dim3A_107], %sub3A_108 : memref<128x4xf32, #tpu.memory_space<vmem>>[vector<16xi32>, vector<16xi32>], vector<16xf32>,
      %add3A_109 = arith.constant 2 : i32
      %add3A_110 = vector.broadcast %add3A_109 : i32 to vector<16xi32>
      %add3A_111 = arith.addi %mul3A_76, %add3A_110 : vector<16xi32>
      %gather3A_112 = tpu.vector_load_idx %arg9[%add3A_111] : memref<40000xf32, #tpu.memory_space<vmem>>[vector<16xi32>], vector<16xf32>,
      %add3A_113 = arith.constant 2 : i32
      %add3A_114 = vector.broadcast %add3A_113 : i32 to vector<16xi32>
      %add3A_115 = arith.addi %mul3A_82, %add3A_114 : vector<16xi32>
      %gather3A_116 = tpu.vector_load_idx %arg9[%add3A_115] : memref<40000xf32, #tpu.memory_space<vmem>>[vector<16xi32>], vector<16xf32>,
      %broadcast_in_dim3A_117 = arith.constant 2 : i32
      %broadcast_in_dim3A_118 = vector.broadcast %broadcast_in_dim3A_117 : i32 to vector<16xi32>
      %sub3A_119 = arith.subf %gather3A_112, %gather3A_116 : vector<16xf32>
      tpu.vector_store_idx %arg8[%add3A_86, %broadcast_in_dim3A_118], %sub3A_119 : memref<128x4xf32, #tpu.memory_space<vmem>>[vector<16xi32>, vector<16xi32>], vector<16xf32>,
      %add3A_120 = arith.constant 3 : i32
      %add3A_121 = vector.broadcast %add3A_120 : i32 to vector<16xi32>
      %add3A_122 = arith.addi %mul3A_76, %add3A_121 : vector<16xi32>
      %gather3A_123 = tpu.vector_load_idx %arg9[%add3A_122] : memref<40000xf32, #tpu.memory_space<vmem>>[vector<16xi32>], vector<16xf32>,
      %add3A_124 = arith.constant 3 : i32
      %add3A_125 = vector.broadcast %add3A_124 : i32 to vector<16xi32>
      %add3A_126 = arith.addi %mul3A_82, %add3A_125 : vector<16xi32>
      %gather3A_127 = tpu.vector_load_idx %arg9[%add3A_126] : memref<40000xf32, #tpu.memory_space<vmem>>[vector<16xi32>], vector<16xf32>,
      %broadcast_in_dim3A_128 = arith.constant 3 : i32
      %broadcast_in_dim3A_129 = vector.broadcast %broadcast_in_dim3A_128 : i32 to vector<16xi32>
      %sub3A_130 = arith.subf %gather3A_123, %gather3A_127 : vector<16xf32>
      tpu.vector_store_idx %arg8[%add3A_86, %broadcast_in_dim3A_129], %sub3A_130 : memref<128x4xf32, #tpu.memory_space<vmem>>[vector<16xi32>, vector<16xi32>], vector<16xf32>,
      %get3A_131 = arith.index_cast %scan3A_12 : i32 to index
      %get3A_132 = arith.constant 32 : index
      %get3A_133 = tpu.vector_load %arg6[%get3A_131, %get3A_132] {strides = array<i32>} : memref<40x128xi32, #tpu.memory_space<vmem>>, vector<16xi32>,
      %mul3A_134 = arith.constant 4 : i32
      %mul3A_135 = vector.broadcast %mul3A_134 : i32 to vector<16xi32>
      %mul3A_136 = arith.muli %get3A_133, %mul3A_135 : vector<16xi32>
      %get3A_137 = arith.index_cast %scan3A_12 : i32 to index
      %get3A_138 = arith.constant 32 : index
      %get3A_139 = tpu.vector_load %arg7[%get3A_137, %get3A_138] {strides = array<i32>} : memref<40x128xi32, #tpu.memory_space<vmem>>, vector<16xi32>,
      %mul3A_140 = arith.constant 4 : i32
      %mul3A_141 = vector.broadcast %mul3A_140 : i32 to vector<16xi32>
      %mul3A_142 = arith.muli %get3A_139, %mul3A_141 : vector<16xi32>
      %iota3A_143 = tpu.iota {dimensions = array<i32: 0>} : vector<16xi32>
      %add3A_144 = arith.constant 32 : i32
      %add3A_145 = vector.broadcast %add3A_144 : i32 to vector<16xi32>
      %add3A_146 = arith.addi %iota3A_143, %add3A_145 : vector<16xi32>
      %add3A_147 = arith.constant 0 : i32
      %add3A_148 = vector.broadcast %add3A_147 : i32 to vector<16xi32>
      %add3A_149 = arith.addi %mul3A_136, %add3A_148 : vector<16xi32>
      %gather3A_150 = tpu.vector_load_idx %arg9[%add3A_149] : memref<40000xf32, #tpu.memory_space<vmem>>[vector<16xi32>], vector<16xf32>,
      %add3A_151 = arith.constant 0 : i32
      %add3A_152 = vector.broadcast %add3A_151 : i32 to vector<16xi32>
      %add3A_153 = arith.addi %mul3A_142, %add3A_152 : vector<16xi32>
      %gather3A_154 = tpu.vector_load_idx %arg9[%add3A_153] : memref<40000xf32, #tpu.memory_space<vmem>>[vector<16xi32>], vector<16xf32>,
      %broadcast_in_dim3A_155 = arith.constant 0 : i32
      %broadcast_in_dim3A_156 = vector.broadcast %broadcast_in_dim3A_155 : i32 to vector<16xi32>
      %sub3A_157 = arith.subf %gather3A_150, %gather3A_154 : vector<16xf32>
      tpu.vector_store_idx %arg8[%add3A_146, %broadcast_in_dim3A_156], %sub3A_157 : memref<128x4xf32, #tpu.memory_space<vmem>>[vector<16xi32>, vector<16xi32>], vector<16xf32>,
      %add3A_158 = arith.constant 1 : i32
      %add3A_159 = vector.broadcast %add3A_158 : i32 to vector<16xi32>
      %add3A_160 = arith.addi %mul3A_136, %add3A_159 : vector<16xi32>
      %gather3A_161 = tpu.vector_load_idx %arg9[%add3A_160] : memref<40000xf32, #tpu.memory_space<vmem>>[vector<16xi32>], vector<16xf32>,
      %add3A_162 = arith.constant 1 : i32
      %add3A_163 = vector.broadcast %add3A_162 : i32 to vector<16xi32>
      %add3A_164 = arith.addi %mul3A_142, %add3A_163 : vector<16xi32>
      %gather3A_165 = tpu.vector_load_idx %arg9[%add3A_164] : memref<40000xf32, #tpu.memory_space<vmem>>[vector<16xi32>], vector<16xf32>,
      %broadcast_in_dim3A_166 = arith.constant 1 : i32
      %broadcast_in_dim3A_167 = vector.broadcast %broadcast_in_dim3A_166 : i32 to vector<16xi32>
      %sub3A_168 = arith.subf %gather3A_161, %gather3A_165 : vector<16xf32>
      tpu.vector_store_idx %arg8[%add3A_146, %broadcast_in_dim3A_167], %sub3A_168 : memref<128x4xf32, #tpu.memory_space<vmem>>[vector<16xi32>, vector<16xi32>], vector<16xf32>,
      %add3A_169 = arith.constant 2 : i32
      %add3A_170 = vector.broadcast %add3A_169 : i32 to vector<16xi32>
      %add3A_171 = arith.addi %mul3A_136, %add3A_170 : vector<16xi32>
      %gather3A_172 = tpu.vector_load_idx %arg9[%add3A_171] : memref<40000xf32, #tpu.memory_space<vmem>>[vector<16xi32>], vector<16xf32>,
      %add3A_173 = arith.constant 2 : i32
      %add3A_174 = vector.broadcast %add3A_173 : i32 to vector<16xi32>
      %add3A_175 = arith.addi %mul3A_142, %add3A_174 : vector<16xi32>
      %gather3A_176 = tpu.vector_load_idx %arg9[%add3A_175] : memref<40000xf32, #tpu.memory_space<vmem>>[vector<16xi32>], vector<16xf32>,
      %broadcast_in_dim3A_177 = arith.constant 2 : i32
      %broadcast_in_dim3A_178 = vector.broadcast %broadcast_in_dim3A_177 : i32 to vector<16xi32>
      %sub3A_179 = arith.subf %gather3A_172, %gather3A_176 : vector<16xf32>
      tpu.vector_store_idx %arg8[%add3A_146, %broadcast_in_dim3A_178], %sub3A_179 : memref<128x4xf32, #tpu.memory_space<vmem>>[vector<16xi32>, vector<16xi32>], vector<16xf32>,
      %add3A_180 = arith.constant 3 : i32
      %add3A_181 = vector.broadcast %add3A_180 : i32 to vector<16xi32>
      %add3A_182 = arith.addi %mul3A_136, %add3A_181 : vector<16xi32>
      %gather3A_183 = tpu.vector_load_idx %arg9[%add3A_182] : memref<40000xf32, #tpu.memory_space<vmem>>[vector<16xi32>], vector<16xf32>,
      %add3A_184 = arith.constant 3 : i32
      %add3A_185 = vector.broadcast %add3A_184 : i32 to vector<16xi32>
      %add3A_186 = arith.addi %mul3A_142, %add3A_185 : vector<16xi32>
      %gather3A_187 = tpu.vector_load_idx %arg9[%add3A_186] : memref<40000xf32, #tpu.memory_space<vmem>>[vector<16xi32>], vector<16xf32>,
      %broadcast_in_dim3A_188 = arith.constant 3 : i32
      %broadcast_in_dim3A_189 = vector.broadcast %broadcast_in_dim3A_188 : i32 to vector<16xi32>
      %sub3A_190 = arith.subf %gather3A_183, %gather3A_187 : vector<16xf32>
      tpu.vector_store_idx %arg8[%add3A_146, %broadcast_in_dim3A_189], %sub3A_190 : memref<128x4xf32, #tpu.memory_space<vmem>>[vector<16xi32>, vector<16xi32>], vector<16xf32>,
      %get3A_191 = arith.index_cast %scan3A_12 : i32 to index
      %get3A_192 = arith.constant 48 : index
      %get3A_193 = tpu.vector_load %arg6[%get3A_191, %get3A_192] {strides = array<i32>} : memref<40x128xi32, #tpu.memory_space<vmem>>, vector<16xi32>,
      %mul3A_194 = arith.constant 4 : i32
      %mul3A_195 = vector.broadcast %mul3A_194 : i32 to vector<16xi32>
      %mul3A_196 = arith.muli %get3A_193, %mul3A_195 : vector<16xi32>
      %get3A_197 = arith.index_cast %scan3A_12 : i32 to index
      %get3A_198 = arith.constant 48 : index
      %get3A_199 = tpu.vector_load %arg7[%get3A_197, %get3A_198] {strides = array<i32>} : memref<40x128xi32, #tpu.memory_space<vmem>>, vector<16xi32>,
      %mul3A_200 = arith.constant 4 : i32
      %mul3A_201 = vector.broadcast %mul3A_200 : i32 to vector<16xi32>
      %mul3A_202 = arith.muli %get3A_199, %mul3A_201 : vector<16xi32>
      %iota3A_203 = tpu.iota {dimensions = array<i32: 0>} : vector<16xi32>
      %add3A_204 = arith.constant 48 : i32
      %add3A_205 = vector.broadcast %add3A_204 : i32 to vector<16xi32>
      %add3A_206 = arith.addi %iota3A_203, %add3A_205 : vector<16xi32>
      %add3A_207 = arith.constant 0 : i32
      %add3A_208 = vector.broadcast %add3A_207 : i32 to vector<16xi32>
      %add3A_209 = arith.addi %mul3A_196, %add3A_208 : vector<16xi32>
      %gather3A_210 = tpu.vector_load_idx %arg9[%add3A_209] : memref<40000xf32, #tpu.memory_space<vmem>>[vector<16xi32>], vector<16xf32>,
      %add3A_211 = arith.constant 0 : i32
      %add3A_212 = vector.broadcast %add3A_211 : i32 to vector<16xi32>
      %add3A_213 = arith.addi %mul3A_202, %add3A_212 : vector<16xi32>
      %gather3A_214 = tpu.vector_load_idx %arg9[%add3A_213] : memref<40000xf32, #tpu.memory_space<vmem>>[vector<16xi32>], vector<16xf32>,
      %broadcast_in_dim3A_215 = arith.constant 0 : i32
      %broadcast_in_dim3A_216 = vector.broadcast %broadcast_in_dim3A_215 : i32 to vector<16xi32>
      %sub3A_217 = arith.subf %gather3A_210, %gather3A_214 : vector<16xf32>
      tpu.vector_store_idx %arg8[%add3A_206, %broadcast_in_dim3A_216], %sub3A_217 : memref<128x4xf32, #tpu.memory_space<vmem>>[vector<16xi32>, vector<16xi32>], vector<16xf32>,
      %add3A_218 = arith.constant 1 : i32
      %add3A_219 = vector.broadcast %add3A_218 : i32 to vector<16xi32>
      %add3A_220 = arith.addi %mul3A_196, %add3A_219 : vector<16xi32>
      %gather3A_221 = tpu.vector_load_idx %arg9[%add3A_220] : memref<40000xf32, #tpu.memory_space<vmem>>[vector<16xi32>], vector<16xf32>,
      %add3A_222 = arith.constant 1 : i32
      %add3A_223 = vector.broadcast %add3A_222 : i32 to vector<16xi32>
      %add3A_224 = arith.addi %mul3A_202, %add3A_223 : vector<16xi32>
      %gather3A_225 = tpu.vector_load_idx %arg9[%add3A_224] : memref<40000xf32, #tpu.memory_space<vmem>>[vector<16xi32>], vector<16xf32>,
      %broadcast_in_dim3A_226 = arith.constant 1 : i32
      %broadcast_in_dim3A_227 = vector.broadcast %broadcast_in_dim3A_226 : i32 to vector<16xi32>
      %sub3A_228 = arith.subf %gather3A_221, %gather3A_225 : vector<16xf32>
      tpu.vector_store_idx %arg8[%add3A_206, %broadcast_in_dim3A_227], %sub3A_228 : memref<128x4xf32, #tpu.memory_space<vmem>>[vector<16xi32>, vector<16xi32>], vector<16xf32>,
      %add3A_229 = arith.constant 2 : i32
      %add3A_230 = vector.broadcast %add3A_229 : i32 to vector<16xi32>
      %add3A_231 = arith.addi %mul3A_196, %add3A_230 : vector<16xi32>
      %gather3A_232 = tpu.vector_load_idx %arg9[%add3A_231] : memref<40000xf32, #tpu.memory_space<vmem>>[vector<16xi32>], vector<16xf32>,
      %add3A_233 = arith.constant 2 : i32
      %add3A_234 = vector.broadcast %add3A_233 : i32 to vector<16xi32>
      %add3A_235 = arith.addi %mul3A_202, %add3A_234 : vector<16xi32>
      %gather3A_236 = tpu.vector_load_idx %arg9[%add3A_235] : memref<40000xf32, #tpu.memory_space<vmem>>[vector<16xi32>], vector<16xf32>,
      %broadcast_in_dim3A_237 = arith.constant 2 : i32
      %broadcast_in_dim3A_238 = vector.broadcast %broadcast_in_dim3A_237 : i32 to vector<16xi32>
      %sub3A_239 = arith.subf %gather3A_232, %gather3A_236 : vector<16xf32>
      tpu.vector_store_idx %arg8[%add3A_206, %broadcast_in_dim3A_238], %sub3A_239 : memref<128x4xf32, #tpu.memory_space<vmem>>[vector<16xi32>, vector<16xi32>], vector<16xf32>,
      %add3A_240 = arith.constant 3 : i32
      %add3A_241 = vector.broadcast %add3A_240 : i32 to vector<16xi32>
      %add3A_242 = arith.addi %mul3A_196, %add3A_241 : vector<16xi32>
      %gather3A_243 = tpu.vector_load_idx %arg9[%add3A_242] : memref<40000xf32, #tpu.memory_space<vmem>>[vector<16xi32>], vector<16xf32>,
      %add3A_244 = arith.constant 3 : i32
      %add3A_245 = vector.broadcast %add3A_244 : i32 to vector<16xi32>
      %add3A_246 = arith.addi %mul3A_202, %add3A_245 : vector<16xi32>
      %gather3A_247 = tpu.vector_load_idx %arg9[%add3A_246] : memref<40000xf32, #tpu.memory_space<vmem>>[vector<16xi32>], vector<16xf32>,
      %broadcast_in_dim3A_248 = arith.constant 3 : i32
      %broadcast_in_dim3A_249 = vector.broadcast %broadcast_in_dim3A_248 : i32 to vector<16xi32>
      %sub3A_250 = arith.subf %gather3A_243, %gather3A_247 : vector<16xf32>
      tpu.vector_store_idx %arg8[%add3A_206, %broadcast_in_dim3A_249], %sub3A_250 : memref<128x4xf32, #tpu.memory_space<vmem>>[vector<16xi32>, vector<16xi32>], vector<16xf32>,
      %get3A_251 = arith.index_cast %scan3A_12 : i32 to index
      %get3A_252 = arith.constant 64 : index
      %get3A_253 = tpu.vector_load %arg6[%get3A_251, %get3A_252] {strides = array<i32>} : memref<40x128xi32, #tpu.memory_space<vmem>>, vector<16xi32>,
      %mul3A_254 = arith.constant 4 : i32
      %mul3A_255 = vector.broadcast %mul3A_254 : i32 to vector<16xi32>
      %mul3A_256 = arith.muli %get3A_253, %mul3A_255 : vector<16xi32>
      %get3A_257 = arith.index_cast %scan3A_12 : i32 to index
      %get3A_258 = arith.constant 64 : index
      %get3A_259 = tpu.vector_load %arg7[%get3A_257, %get3A_258] {strides = array<i32>} : memref<40x128xi32, #tpu.memory_space<vmem>>, vector<16xi32>,
      %mul3A_260 = arith.constant 4 : i32
      %mul3A_261 = vector.broadcast %mul3A_260 : i32 to vector<16xi32>
      %mul3A_262 = arith.muli %get3A_259, %mul3A_261 : vector<16xi32>
      %iota3A_263 = tpu.iota {dimensions = array<i32: 0>} : vector<16xi32>
      %add3A_264 = arith.constant 64 : i32
      %add3A_265 = vector.broadcast %add3A_264 : i32 to vector<16xi32>
      %add3A_266 = arith.addi %iota3A_263, %add3A_265 : vector<16xi32>
      %add3A_267 = arith.constant 0 : i32
      %add3A_268 = vector.broadcast %add3A_267 : i32 to vector<16xi32>
      %add3A_269 = arith.addi %mul3A_256, %add3A_268 : vector<16xi32>
      %gather3A_270 = tpu.vector_load_idx %arg9[%add3A_269] : memref<40000xf32, #tpu.memory_space<vmem>>[vector<16xi32>], vector<16xf32>,
      %add3A_271 = arith.constant 0 : i32
      %add3A_272 = vector.broadcast %add3A_271 : i32 to vector<16xi32>
      %add3A_273 = arith.addi %mul3A_262, %add3A_272 : vector<16xi32>
      %gather3A_274 = tpu.vector_load_idx %arg9[%add3A_273] : memref<40000xf32, #tpu.memory_space<vmem>>[vector<16xi32>], vector<16xf32>,
      %broadcast_in_dim3A_275 = arith.constant 0 : i32
      %broadcast_in_dim3A_276 = vector.broadcast %broadcast_in_dim3A_275 : i32 to vector<16xi32>
      %sub3A_277 = arith.subf %gather3A_270, %gather3A_274 : vector<16xf32>
      tpu.vector_store_idx %arg8[%add3A_266, %broadcast_in_dim3A_276], %sub3A_277 : memref<128x4xf32, #tpu.memory_space<vmem>>[vector<16xi32>, vector<16xi32>], vector<16xf32>,
      %add3A_278 = arith.constant 1 : i32
      %add3A_279 = vector.broadcast %add3A_278 : i32 to vector<16xi32>
      %add3A_280 = arith.addi %mul3A_256, %add3A_279 : vector<16xi32>
      %gather3A_281 = tpu.vector_load_idx %arg9[%add3A_280] : memref<40000xf32, #tpu.memory_space<vmem>>[vector<16xi32>], vector<16xf32>,
      %add3A_282 = arith.constant 1 : i32
      %add3A_283 = vector.broadcast %add3A_282 : i32 to vector<16xi32>
      %add3A_284 = arith.addi %mul3A_262, %add3A_283 : vector<16xi32>
      %gather3A_285 = tpu.vector_load_idx %arg9[%add3A_284] : memref<40000xf32, #tpu.memory_space<vmem>>[vector<16xi32>], vector<16xf32>,
      %broadcast_in_dim3A_286 = arith.constant 1 : i32
      %broadcast_in_dim3A_287 = vector.broadcast %broadcast_in_dim3A_286 : i32 to vector<16xi32>
      %sub3A_288 = arith.subf %gather3A_281, %gather3A_285 : vector<16xf32>
      tpu.vector_store_idx %arg8[%add3A_266, %broadcast_in_dim3A_287], %sub3A_288 : memref<128x4xf32, #tpu.memory_space<vmem>>[vector<16xi32>, vector<16xi32>], vector<16xf32>,
      %add3A_289 = arith.constant 2 : i32
      %add3A_290 = vector.broadcast %add3A_289 : i32 to vector<16xi32>
      %add3A_291 = arith.addi %mul3A_256, %add3A_290 : vector<16xi32>
      %gather3A_292 = tpu.vector_load_idx %arg9[%add3A_291] : memref<40000xf32, #tpu.memory_space<vmem>>[vector<16xi32>], vector<16xf32>,
      %add3A_293 = arith.constant 2 : i32
      %add3A_294 = vector.broadcast %add3A_293 : i32 to vector<16xi32>
      %add3A_295 = arith.addi %mul3A_262, %add3A_294 : vector<16xi32>
      %gather3A_296 = tpu.vector_load_idx %arg9[%add3A_295] : memref<40000xf32, #tpu.memory_space<vmem>>[vector<16xi32>], vector<16xf32>,
      %broadcast_in_dim3A_297 = arith.constant 2 : i32
      %broadcast_in_dim3A_298 = vector.broadcast %broadcast_in_dim3A_297 : i32 to vector<16xi32>
      %sub3A_299 = arith.subf %gather3A_292, %gather3A_296 : vector<16xf32>
      tpu.vector_store_idx %arg8[%add3A_266, %broadcast_in_dim3A_298], %sub3A_299 : memref<128x4xf32, #tpu.memory_space<vmem>>[vector<16xi32>, vector<16xi32>], vector<16xf32>,
      %add3A_300 = arith.constant 3 : i32
      %add3A_301 = vector.broadcast %add3A_300 : i32 to vector<16xi32>
      %add3A_302 = arith.addi %mul3A_256, %add3A_301 : vector<16xi32>
      %gather3A_303 = tpu.vector_load_idx %arg9[%add3A_302] : memref<40000xf32, #tpu.memory_space<vmem>>[vector<16xi32>], vector<16xf32>,
      %add3A_304 = arith.constant 3 : i32
      %add3A_305 = vector.broadcast %add3A_304 : i32 to vector<16xi32>
      %add3A_306 = arith.addi %mul3A_262, %add3A_305 : vector<16xi32>
      %gather3A_307 = tpu.vector_load_idx %arg9[%add3A_306] : memref<40000xf32, #tpu.memory_space<vmem>>[vector<16xi32>], vector<16xf32>,
      %broadcast_in_dim3A_308 = arith.constant 3 : i32
      %broadcast_in_dim3A_309 = vector.broadcast %broadcast_in_dim3A_308 : i32 to vector<16xi32>
      %sub3A_310 = arith.subf %gather3A_303, %gather3A_307 : vector<16xf32>
      tpu.vector_store_idx %arg8[%add3A_266, %broadcast_in_dim3A_309], %sub3A_310 : memref<128x4xf32, #tpu.memory_space<vmem>>[vector<16xi32>, vector<16xi32>], vector<16xf32>,
      %get3A_311 = arith.index_cast %scan3A_12 : i32 to index
      %get3A_312 = arith.constant 80 : index
      %get3A_313 = tpu.vector_load %arg6[%get3A_311, %get3A_312] {strides = array<i32>} : memref<40x128xi32, #tpu.memory_space<vmem>>, vector<16xi32>,
      %mul3A_314 = arith.constant 4 : i32
      %mul3A_315 = vector.broadcast %mul3A_314 : i32 to vector<16xi32>
      %mul3A_316 = arith.muli %get3A_313, %mul3A_315 : vector<16xi32>
      %get3A_317 = arith.index_cast %scan3A_12 : i32 to index
      %get3A_318 = arith.constant 80 : index
      %get3A_319 = tpu.vector_load %arg7[%get3A_317, %get3A_318] {strides = array<i32>} : memref<40x128xi32, #tpu.memory_space<vmem>>, vector<16xi32>,
      %mul3A_320 = arith.constant 4 : i32
      %mul3A_321 = vector.broadcast %mul3A_320 : i32 to vector<16xi32>
      %mul3A_322 = arith.muli %get3A_319, %mul3A_321 : vector<16xi32>
      %iota3A_323 = tpu.iota {dimensions = array<i32: 0>} : vector<16xi32>
      %add3A_324 = arith.constant 80 : i32
      %add3A_325 = vector.broadcast %add3A_324 : i32 to vector<16xi32>
      %add3A_326 = arith.addi %iota3A_323, %add3A_325 : vector<16xi32>
      %add3A_327 = arith.constant 0 : i32
      %add3A_328 = vector.broadcast %add3A_327 : i32 to vector<16xi32>
      %add3A_329 = arith.addi %mul3A_316, %add3A_328 : vector<16xi32>
      %gather3A_330 = tpu.vector_load_idx %arg9[%add3A_329] : memref<40000xf32, #tpu.memory_space<vmem>>[vector<16xi32>], vector<16xf32>,
      %add3A_331 = arith.constant 0 : i32
      %add3A_332 = vector.broadcast %add3A_331 : i32 to vector<16xi32>
      %add3A_333 = arith.addi %mul3A_322, %add3A_332 : vector<16xi32>
      %gather3A_334 = tpu.vector_load_idx %arg9[%add3A_333] : memref<40000xf32, #tpu.memory_space<vmem>>[vector<16xi32>], vector<16xf32>,
      %broadcast_in_dim3A_335 = arith.constant 0 : i32
      %broadcast_in_dim3A_336 = vector.broadcast %broadcast_in_dim3A_335 : i32 to vector<16xi32>
      %sub3A_337 = arith.subf %gather3A_330, %gather3A_334 : vector<16xf32>
      tpu.vector_store_idx %arg8[%add3A_326, %broadcast_in_dim3A_336], %sub3A_337 : memref<128x4xf32, #tpu.memory_space<vmem>>[vector<16xi32>, vector<16xi32>], vector<16xf32>,
      %add3A_338 = arith.constant 1 : i32
      %add3A_339 = vector.broadcast %add3A_338 : i32 to vector<16xi32>
      %add3A_340 = arith.addi %mul3A_316, %add3A_339 : vector<16xi32>
      %gather3A_341 = tpu.vector_load_idx %arg9[%add3A_340] : memref<40000xf32, #tpu.memory_space<vmem>>[vector<16xi32>], vector<16xf32>,
      %add3A_342 = arith.constant 1 : i32
      %add3A_343 = vector.broadcast %add3A_342 : i32 to vector<16xi32>
      %add3A_344 = arith.addi %mul3A_322, %add3A_343 : vector<16xi32>
      %gather3A_345 = tpu.vector_load_idx %arg9[%add3A_344] : memref<40000xf32, #tpu.memory_space<vmem>>[vector<16xi32>], vector<16xf32>,
      %broadcast_in_dim3A_346 = arith.constant 1 : i32
      %broadcast_in_dim3A_347 = vector.broadcast %broadcast_in_dim3A_346 : i32 to vector<16xi32>
      %sub3A_348 = arith.subf %gather3A_341, %gather3A_345 : vector<16xf32>
      tpu.vector_store_idx %arg8[%add3A_326, %broadcast_in_dim3A_347], %sub3A_348 : memref<128x4xf32, #tpu.memory_space<vmem>>[vector<16xi32>, vector<16xi32>], vector<16xf32>,
      %add3A_349 = arith.constant 2 : i32
      %add3A_350 = vector.broadcast %add3A_349 : i32 to vector<16xi32>
      %add3A_351 = arith.addi %mul3A_316, %add3A_350 : vector<16xi32>
      %gather3A_352 = tpu.vector_load_idx %arg9[%add3A_351] : memref<40000xf32, #tpu.memory_space<vmem>>[vector<16xi32>], vector<16xf32>,
      %add3A_353 = arith.constant 2 : i32
      %add3A_354 = vector.broadcast %add3A_353 : i32 to vector<16xi32>
      %add3A_355 = arith.addi %mul3A_322, %add3A_354 : vector<16xi32>
      %gather3A_356 = tpu.vector_load_idx %arg9[%add3A_355] : memref<40000xf32, #tpu.memory_space<vmem>>[vector<16xi32>], vector<16xf32>,
      %broadcast_in_dim3A_357 = arith.constant 2 : i32
      %broadcast_in_dim3A_358 = vector.broadcast %broadcast_in_dim3A_357 : i32 to vector<16xi32>
      %sub3A_359 = arith.subf %gather3A_352, %gather3A_356 : vector<16xf32>
      tpu.vector_store_idx %arg8[%add3A_326, %broadcast_in_dim3A_358], %sub3A_359 : memref<128x4xf32, #tpu.memory_space<vmem>>[vector<16xi32>, vector<16xi32>], vector<16xf32>,
      %add3A_360 = arith.constant 3 : i32
      %add3A_361 = vector.broadcast %add3A_360 : i32 to vector<16xi32>
      %add3A_362 = arith.addi %mul3A_316, %add3A_361 : vector<16xi32>
      %gather3A_363 = tpu.vector_load_idx %arg9[%add3A_362] : memref<40000xf32, #tpu.memory_space<vmem>>[vector<16xi32>], vector<16xf32>,
      %add3A_364 = arith.constant 3 : i32
      %add3A_365 = vector.broadcast %add3A_364 : i32 to vector<16xi32>
      %add3A_366 = arith.addi %mul3A_322, %add3A_365 : vector<16xi32>
      %gather3A_367 = tpu.vector_load_idx %arg9[%add3A_366] : memref<40000xf32, #tpu.memory_space<vmem>>[vector<16xi32>], vector<16xf32>,
      %broadcast_in_dim3A_368 = arith.constant 3 : i32
      %broadcast_in_dim3A_369 = vector.broadcast %broadcast_in_dim3A_368 : i32 to vector<16xi32>
      %sub3A_370 = arith.subf %gather3A_363, %gather3A_367 : vector<16xf32>
      tpu.vector_store_idx %arg8[%add3A_326, %broadcast_in_dim3A_369], %sub3A_370 : memref<128x4xf32, #tpu.memory_space<vmem>>[vector<16xi32>, vector<16xi32>], vector<16xf32>,
      %get3A_371 = arith.index_cast %scan3A_12 : i32 to index
      %get3A_372 = arith.constant 96 : index
      %get3A_373 = tpu.vector_load %arg6[%get3A_371, %get3A_372] {strides = array<i32>} : memref<40x128xi32, #tpu.memory_space<vmem>>, vector<16xi32>,
      %mul3A_374 = arith.constant 4 : i32
      %mul3A_375 = vector.broadcast %mul3A_374 : i32 to vector<16xi32>
      %mul3A_376 = arith.muli %get3A_373, %mul3A_375 : vector<16xi32>
      %get3A_377 = arith.index_cast %scan3A_12 : i32 to index
      %get3A_378 = arith.constant 96 : index
      %get3A_379 = tpu.vector_load %arg7[%get3A_377, %get3A_378] {strides = array<i32>} : memref<40x128xi32, #tpu.memory_space<vmem>>, vector<16xi32>,
      %mul3A_380 = arith.constant 4 : i32
      %mul3A_381 = vector.broadcast %mul3A_380 : i32 to vector<16xi32>
      %mul3A_382 = arith.muli %get3A_379, %mul3A_381 : vector<16xi32>
      %iota3A_383 = tpu.iota {dimensions = array<i32: 0>} : vector<16xi32>
      %add3A_384 = arith.constant 96 : i32
      %add3A_385 = vector.broadcast %add3A_384 : i32 to vector<16xi32>
      %add3A_386 = arith.addi %iota3A_383, %add3A_385 : vector<16xi32>
      %add3A_387 = arith.constant 0 : i32
      %add3A_388 = vector.broadcast %add3A_387 : i32 to vector<16xi32>
      %add3A_389 = arith.addi %mul3A_376, %add3A_388 : vector<16xi32>
      %gather3A_390 = tpu.vector_load_idx %arg9[%add3A_389] : memref<40000xf32, #tpu.memory_space<vmem>>[vector<16xi32>], vector<16xf32>,
      %add3A_391 = arith.constant 0 : i32
      %add3A_392 = vector.broadcast %add3A_391 : i32 to vector<16xi32>
      %add3A_393 = arith.addi %mul3A_382, %add3A_392 : vector<16xi32>
      %gather3A_394 = tpu.vector_load_idx %arg9[%add3A_393] : memref<40000xf32, #tpu.memory_space<vmem>>[vector<16xi32>], vector<16xf32>,
      %broadcast_in_dim3A_395 = arith.constant 0 : i32
      %broadcast_in_dim3A_396 = vector.broadcast %broadcast_in_dim3A_395 : i32 to vector<16xi32>
      %sub3A_397 = arith.subf %gather3A_390, %gather3A_394 : vector<16xf32>
      tpu.vector_store_idx %arg8[%add3A_386, %broadcast_in_dim3A_396], %sub3A_397 : memref<128x4xf32, #tpu.memory_space<vmem>>[vector<16xi32>, vector<16xi32>], vector<16xf32>,
      %add3A_398 = arith.constant 1 : i32
      %add3A_399 = vector.broadcast %add3A_398 : i32 to vector<16xi32>
      %add3A_400 = arith.addi %mul3A_376, %add3A_399 : vector<16xi32>
      %gather3A_401 = tpu.vector_load_idx %arg9[%add3A_400] : memref<40000xf32, #tpu.memory_space<vmem>>[vector<16xi32>], vector<16xf32>,
      %add3A_402 = arith.constant 1 : i32
      %add3A_403 = vector.broadcast %add3A_402 : i32 to vector<16xi32>
      %add3A_404 = arith.addi %mul3A_382, %add3A_403 : vector<16xi32>
      %gather3A_405 = tpu.vector_load_idx %arg9[%add3A_404] : memref<40000xf32, #tpu.memory_space<vmem>>[vector<16xi32>], vector<16xf32>,
      %broadcast_in_dim3A_406 = arith.constant 1 : i32
      %broadcast_in_dim3A_407 = vector.broadcast %broadcast_in_dim3A_406 : i32 to vector<16xi32>
      %sub3A_408 = arith.subf %gather3A_401, %gather3A_405 : vector<16xf32>
      tpu.vector_store_idx %arg8[%add3A_386, %broadcast_in_dim3A_407], %sub3A_408 : memref<128x4xf32, #tpu.memory_space<vmem>>[vector<16xi32>, vector<16xi32>], vector<16xf32>,
      %add3A_409 = arith.constant 2 : i32
      %add3A_410 = vector.broadcast %add3A_409 : i32 to vector<16xi32>
      %add3A_411 = arith.addi %mul3A_376, %add3A_410 : vector<16xi32>
      %gather3A_412 = tpu.vector_load_idx %arg9[%add3A_411] : memref<40000xf32, #tpu.memory_space<vmem>>[vector<16xi32>], vector<16xf32>,
      %add3A_413 = arith.constant 2 : i32
      %add3A_414 = vector.broadcast %add3A_413 : i32 to vector<16xi32>
      %add3A_415 = arith.addi %mul3A_382, %add3A_414 : vector<16xi32>
      %gather3A_416 = tpu.vector_load_idx %arg9[%add3A_415] : memref<40000xf32, #tpu.memory_space<vmem>>[vector<16xi32>], vector<16xf32>,
      %broadcast_in_dim3A_417 = arith.constant 2 : i32
      %broadcast_in_dim3A_418 = vector.broadcast %broadcast_in_dim3A_417 : i32 to vector<16xi32>
      %sub3A_419 = arith.subf %gather3A_412, %gather3A_416 : vector<16xf32>
      tpu.vector_store_idx %arg8[%add3A_386, %broadcast_in_dim3A_418], %sub3A_419 : memref<128x4xf32, #tpu.memory_space<vmem>>[vector<16xi32>, vector<16xi32>], vector<16xf32>,
      %add3A_420 = arith.constant 3 : i32
      %add3A_421 = vector.broadcast %add3A_420 : i32 to vector<16xi32>
      %add3A_422 = arith.addi %mul3A_376, %add3A_421 : vector<16xi32>
      %gather3A_423 = tpu.vector_load_idx %arg9[%add3A_422] : memref<40000xf32, #tpu.memory_space<vmem>>[vector<16xi32>], vector<16xf32>,
      %add3A_424 = arith.constant 3 : i32
      %add3A_425 = vector.broadcast %add3A_424 : i32 to vector<16xi32>
      %add3A_426 = arith.addi %mul3A_382, %add3A_425 : vector<16xi32>
      %gather3A_427 = tpu.vector_load_idx %arg9[%add3A_426] : memref<40000xf32, #tpu.memory_space<vmem>>[vector<16xi32>], vector<16xf32>,
      %broadcast_in_dim3A_428 = arith.constant 3 : i32
      %broadcast_in_dim3A_429 = vector.broadcast %broadcast_in_dim3A_428 : i32 to vector<16xi32>
      %sub3A_430 = arith.subf %gather3A_423, %gather3A_427 : vector<16xf32>
      tpu.vector_store_idx %arg8[%add3A_386, %broadcast_in_dim3A_429], %sub3A_430 : memref<128x4xf32, #tpu.memory_space<vmem>>[vector<16xi32>, vector<16xi32>], vector<16xf32>,
      %get3A_431 = arith.index_cast %scan3A_12 : i32 to index
      %get3A_432 = arith.constant 112 : index
      %get3A_433 = tpu.vector_load %arg6[%get3A_431, %get3A_432] {strides = array<i32>} : memref<40x128xi32, #tpu.memory_space<vmem>>, vector<16xi32>,
      %mul3A_434 = arith.constant 4 : i32
      %mul3A_435 = vector.broadcast %mul3A_434 : i32 to vector<16xi32>
      %mul3A_436 = arith.muli %get3A_433, %mul3A_435 : vector<16xi32>
      %get3A_437 = arith.index_cast %scan3A_12 : i32 to index
      %get3A_438 = arith.constant 112 : index
      %get3A_439 = tpu.vector_load %arg7[%get3A_437, %get3A_438] {strides = array<i32>} : memref<40x128xi32, #tpu.memory_space<vmem>>, vector<16xi32>,
      %mul3A_440 = arith.constant 4 : i32
      %mul3A_441 = vector.broadcast %mul3A_440 : i32 to vector<16xi32>
      %mul3A_442 = arith.muli %get3A_439, %mul3A_441 : vector<16xi32>
      %iota3A_443 = tpu.iota {dimensions = array<i32: 0>} : vector<16xi32>
      %add3A_444 = arith.constant 112 : i32
      %add3A_445 = vector.broadcast %add3A_444 : i32 to vector<16xi32>
      %add3A_446 = arith.addi %iota3A_443, %add3A_445 : vector<16xi32>
      %add3A_447 = arith.constant 0 : i32
      %add3A_448 = vector.broadcast %add3A_447 : i32 to vector<16xi32>
      %add3A_449 = arith.addi %mul3A_436, %add3A_448 : vector<16xi32>
      %gather3A_450 = tpu.vector_load_idx %arg9[%add3A_449] : memref<40000xf32, #tpu.memory_space<vmem>>[vector<16xi32>], vector<16xf32>,
      %add3A_451 = arith.constant 0 : i32
      %add3A_452 = vector.broadcast %add3A_451 : i32 to vector<16xi32>
      %add3A_453 = arith.addi %mul3A_442, %add3A_452 : vector<16xi32>
      %gather3A_454 = tpu.vector_load_idx %arg9[%add3A_453] : memref<40000xf32, #tpu.memory_space<vmem>>[vector<16xi32>], vector<16xf32>,
      %broadcast_in_dim3A_455 = arith.constant 0 : i32
      %broadcast_in_dim3A_456 = vector.broadcast %broadcast_in_dim3A_455 : i32 to vector<16xi32>
      %sub3A_457 = arith.subf %gather3A_450, %gather3A_454 : vector<16xf32>
      tpu.vector_store_idx %arg8[%add3A_446, %broadcast_in_dim3A_456], %sub3A_457 : memref<128x4xf32, #tpu.memory_space<vmem>>[vector<16xi32>, vector<16xi32>], vector<16xf32>,
      %add3A_458 = arith.constant 1 : i32
      %add3A_459 = vector.broadcast %add3A_458 : i32 to vector<16xi32>
      %add3A_460 = arith.addi %mul3A_436, %add3A_459 : vector<16xi32>
      %gather3A_461 = tpu.vector_load_idx %arg9[%add3A_460] : memref<40000xf32, #tpu.memory_space<vmem>>[vector<16xi32>], vector<16xf32>,
      %add3A_462 = arith.constant 1 : i32
      %add3A_463 = vector.broadcast %add3A_462 : i32 to vector<16xi32>
      %add3A_464 = arith.addi %mul3A_442, %add3A_463 : vector<16xi32>
      %gather3A_465 = tpu.vector_load_idx %arg9[%add3A_464] : memref<40000xf32, #tpu.memory_space<vmem>>[vector<16xi32>], vector<16xf32>,
      %broadcast_in_dim3A_466 = arith.constant 1 : i32
      %broadcast_in_dim3A_467 = vector.broadcast %broadcast_in_dim3A_466 : i32 to vector<16xi32>
      %sub3A_468 = arith.subf %gather3A_461, %gather3A_465 : vector<16xf32>
      tpu.vector_store_idx %arg8[%add3A_446, %broadcast_in_dim3A_467], %sub3A_468 : memref<128x4xf32, #tpu.memory_space<vmem>>[vector<16xi32>, vector<16xi32>], vector<16xf32>,
      %add3A_469 = arith.constant 2 : i32
      %add3A_470 = vector.broadcast %add3A_469 : i32 to vector<16xi32>
      %add3A_471 = arith.addi %mul3A_436, %add3A_470 : vector<16xi32>
      %gather3A_472 = tpu.vector_load_idx %arg9[%add3A_471] : memref<40000xf32, #tpu.memory_space<vmem>>[vector<16xi32>], vector<16xf32>,
      %add3A_473 = arith.constant 2 : i32
      %add3A_474 = vector.broadcast %add3A_473 : i32 to vector<16xi32>
      %add3A_475 = arith.addi %mul3A_442, %add3A_474 : vector<16xi32>
      %gather3A_476 = tpu.vector_load_idx %arg9[%add3A_475] : memref<40000xf32, #tpu.memory_space<vmem>>[vector<16xi32>], vector<16xf32>,
      %broadcast_in_dim3A_477 = arith.constant 2 : i32
      %broadcast_in_dim3A_478 = vector.broadcast %broadcast_in_dim3A_477 : i32 to vector<16xi32>
      %sub3A_479 = arith.subf %gather3A_472, %gather3A_476 : vector<16xf32>
      tpu.vector_store_idx %arg8[%add3A_446, %broadcast_in_dim3A_478], %sub3A_479 : memref<128x4xf32, #tpu.memory_space<vmem>>[vector<16xi32>, vector<16xi32>], vector<16xf32>,
      %add3A_480 = arith.constant 3 : i32
      %add3A_481 = vector.broadcast %add3A_480 : i32 to vector<16xi32>
      %add3A_482 = arith.addi %mul3A_436, %add3A_481 : vector<16xi32>
      %gather3A_483 = tpu.vector_load_idx %arg9[%add3A_482] : memref<40000xf32, #tpu.memory_space<vmem>>[vector<16xi32>], vector<16xf32>,
      %add3A_484 = arith.constant 3 : i32
      %add3A_485 = vector.broadcast %add3A_484 : i32 to vector<16xi32>
      %add3A_486 = arith.addi %mul3A_442, %add3A_485 : vector<16xi32>
      %gather3A_487 = tpu.vector_load_idx %arg9[%add3A_486] : memref<40000xf32, #tpu.memory_space<vmem>>[vector<16xi32>], vector<16xf32>,
      %broadcast_in_dim3A_488 = arith.constant 3 : i32
      %broadcast_in_dim3A_489 = vector.broadcast %broadcast_in_dim3A_488 : i32 to vector<16xi32>
      %sub3A_490 = arith.subf %gather3A_483, %gather3A_487 : vector<16xf32>
      tpu.vector_store_idx %arg8[%add3A_446, %broadcast_in_dim3A_489], %sub3A_490 : memref<128x4xf32, #tpu.memory_space<vmem>>[vector<16xi32>, vector<16xi32>], vector<16xf32>,
      "tpu.region"() ({
        %run_scoped3A = tpu.sem_alloc : memref<!tpu.dma_semaphore, #tpu.memory_space<semaphore_mem>>
        %dma_start3A = arith.constant 0 : i32
        %dma_start3A_491 = tpu.memref_slice %arg5[%multiple_of3A, %dma_start3A] : memref<163840x4xf32, #tpu.memory_space<hbm>> -> memref<128x4xf32, #tpu.memory_space<hbm>>
        %dma_start3A_492 = arith.constant 0 : i32
        %dma_start3A_493 = tpu.memref_slice %arg5[%multiple_of3A, %dma_start3A_492] : memref<163840x4xf32, #tpu.memory_space<hbm>> -> memref<128x4xf32, #tpu.memory_space<hbm>>
        tpu.enqueue_dma source(%arg8 : memref<128x4xf32, #tpu.memory_space<vmem>>) target(%dma_start3A_493 : memref<128x4xf32, #tpu.memory_space<hbm>>) target_semaphore(%run_scoped3A : memref<!tpu.dma_semaphore, #tpu.memory_space<semaphore_mem>>)
        %dma_wait3A = arith.constant 0 : i32
        %dma_wait3A_494 = tpu.memref_slice %arg5[%multiple_of3A, %dma_wait3A] : memref<163840x4xf32, #tpu.memory_space<hbm>> -> memref<128x4xf32, #tpu.memory_space<hbm>>
        %dma_wait3A_495 = arith.constant 0 : i32
        %dma_wait3A_496 = tpu.memref_slice %arg5[%multiple_of3A, %dma_wait3A_495] : memref<163840x4xf32, #tpu.memory_space<hbm>> -> memref<128x4xf32, #tpu.memory_space<hbm>>
        tpu.wait_dma2 semaphore(%run_scoped3A : memref<!tpu.dma_semaphore, #tpu.memory_space<semaphore_mem>>) src(%arg8 : memref<128x4xf32, #tpu.memory_space<vmem>>) dst(%dma_wait3A_496 : memref<128x4xf32, #tpu.memory_space<hbm>>)
        tpu.yield
      }) : () -> ()
    }
    %scan3A_11 = arith.constant 40 : i32
    return
  }
}

#map = affine_map<(d0, d1) -> (0, 0)>
#map1 = affine_map<(d0, d1) -> (0)>
module attributes {stable_mosaic.version = 14 : i64} {
  func.func @scatter_kernel(%arg0: i32, %arg1: i32, %arg2: memref<163840x4xf32, #tpu.memory_space<hbm>>, %arg3: memref<163840x4xf32, #tpu.memory_space<hbm>>, %arg4: memref<1280x128xi32, #tpu.memory_space<hbm>>, %arg5: memref<1280x128xi32, #tpu.memory_space<hbm>>, %arg6: memref<40000xf32, #tpu.memory_space<hbm>>, %arg7: memref<32x40000xf32, #tpu.memory_space<hbm>>, %arg8: memref<128xi32, #tpu.memory_space<vmem>>, %arg9: memref<128xi32, #tpu.memory_space<vmem>>, %arg10: memref<128x4xf32, #tpu.memory_space<vmem>>, %arg11: memref<128x4xf32, #tpu.memory_space<vmem>>, %arg12: memref<40000xf32, #tpu.memory_space<vmem>>) attributes {dimension_semantics = [#tpu.dimension_semantics<core_parallel>, #tpu.dimension_semantics<subcore_parallel>], iteration_bounds = array<i64: 2, 16>, scalar_prefetch = 0 : i64, scratch_operands = 5 : i64, tpu.core_type = #tpu.core_type<sc_vector_subcore>, window_params = [{transform_indices = #map}, {transform_indices = #map}, {transform_indices = #map}, {transform_indices = #map}, {transform_indices = #map1}, {transform_indices = #map}]} {
    %mul3A = arith.constant 16 : i32
    %mul3A_0 = arith.muli %arg0, %mul3A : i32
    %add3A = arith.addi %mul3A_0, %arg1 : i32
    %mul3A_1 = arith.constant 5120 : i32
    %mul3A_2 = arith.muli %add3A, %mul3A_1 : i32
    "tpu.region"() ({
      %run_scoped3A = tpu.sem_alloc : memref<!tpu.dma_semaphore, #tpu.memory_space<semaphore_mem>>
      tpu.enqueue_dma source(%arg6 : memref<40000xf32, #tpu.memory_space<hbm>>) target(%arg12 : memref<40000xf32, #tpu.memory_space<vmem>>) target_semaphore(%run_scoped3A : memref<!tpu.dma_semaphore, #tpu.memory_space<semaphore_mem>>)
      tpu.wait_dma2 semaphore(%run_scoped3A : memref<!tpu.dma_semaphore, #tpu.memory_space<semaphore_mem>>) src(%arg6 : memref<40000xf32, #tpu.memory_space<hbm>>) dst(%arg12 : memref<40000xf32, #tpu.memory_space<vmem>>)
      tpu.yield
    }) : () -> ()
    %scan3A = arith.constant 0 : i32
    %scan3A_3 = arith.constant 0 : i32
    %scan3A_4 = arith.constant 40 : i32
    %scan3A_5 = arith.addi %scan3A_3, %scan3A_4 : i32
    %scan3A_6 = arith.constant 1 : i32
    scf.for %scan3A_8 = %scan3A_3 to %scan3A_5 step %scan3A_6  : i32 {
      %mul3A_9 = arith.constant 128 : i32
      %mul3A_10 = arith.muli %scan3A_8, %mul3A_9 : i32
      %add3A_11 = arith.addi %mul3A_2, %mul3A_10 : i32
      %multiple_of3A = tpu.assume_multiple %add3A_11, 128 : i32
      %mul3A_12 = arith.constant 40 : i32
      %mul3A_13 = arith.muli %add3A, %mul3A_12 : i32
      %add3A_14 = arith.addi %mul3A_13, %scan3A_8 : i32
      "tpu.region"() ({
        %run_scoped3A = tpu.sem_alloc : memref<!tpu.dma_semaphore, #tpu.memory_space<semaphore_mem>>
        %dma_start3A = arith.constant 0 : i32
        %dma_start3A_446 = tpu.memref_slice %arg4[%add3A_14, %dma_start3A] : memref<1280x128xi32, #tpu.memory_space<hbm>> -> memref<1x128xi32, #tpu.memory_space<hbm>>
        %dma_start3A_447 = tpu.memref_squeeze %dma_start3A_446 : memref<1x128xi32, #tpu.memory_space<hbm>> -> memref<128xi32, #tpu.memory_space<hbm>>
        %dma_start3A_448 = arith.constant 0 : i32
        %dma_start3A_449 = tpu.memref_slice %arg4[%add3A_14, %dma_start3A_448] : memref<1280x128xi32, #tpu.memory_space<hbm>> -> memref<1x128xi32, #tpu.memory_space<hbm>>
        %dma_start3A_450 = tpu.memref_squeeze %dma_start3A_449 : memref<1x128xi32, #tpu.memory_space<hbm>> -> memref<128xi32, #tpu.memory_space<hbm>>
        tpu.enqueue_dma source(%dma_start3A_450 : memref<128xi32, #tpu.memory_space<hbm>>) target(%arg8 : memref<128xi32, #tpu.memory_space<vmem>>) target_semaphore(%run_scoped3A : memref<!tpu.dma_semaphore, #tpu.memory_space<semaphore_mem>>)
        %dma_wait3A = arith.constant 0 : i32
        %dma_wait3A_451 = tpu.memref_slice %arg4[%add3A_14, %dma_wait3A] : memref<1280x128xi32, #tpu.memory_space<hbm>> -> memref<1x128xi32, #tpu.memory_space<hbm>>
        %dma_wait3A_452 = tpu.memref_squeeze %dma_wait3A_451 : memref<1x128xi32, #tpu.memory_space<hbm>> -> memref<128xi32, #tpu.memory_space<hbm>>
        %dma_wait3A_453 = arith.constant 0 : i32
        %dma_wait3A_454 = tpu.memref_slice %arg4[%add3A_14, %dma_wait3A_453] : memref<1280x128xi32, #tpu.memory_space<hbm>> -> memref<1x128xi32, #tpu.memory_space<hbm>>
        %dma_wait3A_455 = tpu.memref_squeeze %dma_wait3A_454 : memref<1x128xi32, #tpu.memory_space<hbm>> -> memref<128xi32, #tpu.memory_space<hbm>>
        tpu.wait_dma2 semaphore(%run_scoped3A : memref<!tpu.dma_semaphore, #tpu.memory_space<semaphore_mem>>) src(%dma_wait3A_455 : memref<128xi32, #tpu.memory_space<hbm>>) dst(%arg8 : memref<128xi32, #tpu.memory_space<vmem>>)
        tpu.yield
      }) : () -> ()
      %mul3A_15 = arith.constant 40 : i32
      %mul3A_16 = arith.muli %add3A, %mul3A_15 : i32
      %add3A_17 = arith.addi %mul3A_16, %scan3A_8 : i32
      "tpu.region"() ({
        %run_scoped3A = tpu.sem_alloc : memref<!tpu.dma_semaphore, #tpu.memory_space<semaphore_mem>>
        %dma_start3A = arith.constant 0 : i32
        %dma_start3A_446 = tpu.memref_slice %arg5[%add3A_17, %dma_start3A] : memref<1280x128xi32, #tpu.memory_space<hbm>> -> memref<1x128xi32, #tpu.memory_space<hbm>>
        %dma_start3A_447 = tpu.memref_squeeze %dma_start3A_446 : memref<1x128xi32, #tpu.memory_space<hbm>> -> memref<128xi32, #tpu.memory_space<hbm>>
        %dma_start3A_448 = arith.constant 0 : i32
        %dma_start3A_449 = tpu.memref_slice %arg5[%add3A_17, %dma_start3A_448] : memref<1280x128xi32, #tpu.memory_space<hbm>> -> memref<1x128xi32, #tpu.memory_space<hbm>>
        %dma_start3A_450 = tpu.memref_squeeze %dma_start3A_449 : memref<1x128xi32, #tpu.memory_space<hbm>> -> memref<128xi32, #tpu.memory_space<hbm>>
        tpu.enqueue_dma source(%dma_start3A_450 : memref<128xi32, #tpu.memory_space<hbm>>) target(%arg9 : memref<128xi32, #tpu.memory_space<vmem>>) target_semaphore(%run_scoped3A : memref<!tpu.dma_semaphore, #tpu.memory_space<semaphore_mem>>)
        %dma_wait3A = arith.constant 0 : i32
        %dma_wait3A_451 = tpu.memref_slice %arg5[%add3A_17, %dma_wait3A] : memref<1280x128xi32, #tpu.memory_space<hbm>> -> memref<1x128xi32, #tpu.memory_space<hbm>>
        %dma_wait3A_452 = tpu.memref_squeeze %dma_wait3A_451 : memref<1x128xi32, #tpu.memory_space<hbm>> -> memref<128xi32, #tpu.memory_space<hbm>>
        %dma_wait3A_453 = arith.constant 0 : i32
        %dma_wait3A_454 = tpu.memref_slice %arg5[%add3A_17, %dma_wait3A_453] : memref<1280x128xi32, #tpu.memory_space<hbm>> -> memref<1x128xi32, #tpu.memory_space<hbm>>
        %dma_wait3A_455 = tpu.memref_squeeze %dma_wait3A_454 : memref<1x128xi32, #tpu.memory_space<hbm>> -> memref<128xi32, #tpu.memory_space<hbm>>
        tpu.wait_dma2 semaphore(%run_scoped3A : memref<!tpu.dma_semaphore, #tpu.memory_space<semaphore_mem>>) src(%dma_wait3A_455 : memref<128xi32, #tpu.memory_space<hbm>>) dst(%arg9 : memref<128xi32, #tpu.memory_space<vmem>>)
        tpu.yield
      }) : () -> ()
      "tpu.region"() ({
        %run_scoped3A = tpu.sem_alloc : memref<!tpu.dma_semaphore, #tpu.memory_space<semaphore_mem>>
        %dma_start3A = arith.constant 0 : i32
        %dma_start3A_446 = tpu.memref_slice %arg2[%multiple_of3A, %dma_start3A] : memref<163840x4xf32, #tpu.memory_space<hbm>> -> memref<128x4xf32, #tpu.memory_space<hbm>>
        %dma_start3A_447 = arith.constant 0 : i32
        %dma_start3A_448 = tpu.memref_slice %arg2[%multiple_of3A, %dma_start3A_447] : memref<163840x4xf32, #tpu.memory_space<hbm>> -> memref<128x4xf32, #tpu.memory_space<hbm>>
        tpu.enqueue_dma source(%dma_start3A_448 : memref<128x4xf32, #tpu.memory_space<hbm>>) target(%arg10 : memref<128x4xf32, #tpu.memory_space<vmem>>) target_semaphore(%run_scoped3A : memref<!tpu.dma_semaphore, #tpu.memory_space<semaphore_mem>>)
        %dma_wait3A = arith.constant 0 : i32
        %dma_wait3A_449 = tpu.memref_slice %arg2[%multiple_of3A, %dma_wait3A] : memref<163840x4xf32, #tpu.memory_space<hbm>> -> memref<128x4xf32, #tpu.memory_space<hbm>>
        %dma_wait3A_450 = arith.constant 0 : i32
        %dma_wait3A_451 = tpu.memref_slice %arg2[%multiple_of3A, %dma_wait3A_450] : memref<163840x4xf32, #tpu.memory_space<hbm>> -> memref<128x4xf32, #tpu.memory_space<hbm>>
        tpu.wait_dma2 semaphore(%run_scoped3A : memref<!tpu.dma_semaphore, #tpu.memory_space<semaphore_mem>>) src(%dma_wait3A_451 : memref<128x4xf32, #tpu.memory_space<hbm>>) dst(%arg10 : memref<128x4xf32, #tpu.memory_space<vmem>>)
        tpu.yield
      }) : () -> ()
      "tpu.region"() ({
        %run_scoped3A = tpu.sem_alloc : memref<!tpu.dma_semaphore, #tpu.memory_space<semaphore_mem>>
        %dma_start3A = arith.constant 0 : i32
        %dma_start3A_446 = tpu.memref_slice %arg3[%multiple_of3A, %dma_start3A] : memref<163840x4xf32, #tpu.memory_space<hbm>> -> memref<128x4xf32, #tpu.memory_space<hbm>>
        %dma_start3A_447 = arith.constant 0 : i32
        %dma_start3A_448 = tpu.memref_slice %arg3[%multiple_of3A, %dma_start3A_447] : memref<163840x4xf32, #tpu.memory_space<hbm>> -> memref<128x4xf32, #tpu.memory_space<hbm>>
        tpu.enqueue_dma source(%dma_start3A_448 : memref<128x4xf32, #tpu.memory_space<hbm>>) target(%arg11 : memref<128x4xf32, #tpu.memory_space<vmem>>) target_semaphore(%run_scoped3A : memref<!tpu.dma_semaphore, #tpu.memory_space<semaphore_mem>>)
        %dma_wait3A = arith.constant 0 : i32
        %dma_wait3A_449 = tpu.memref_slice %arg3[%multiple_of3A, %dma_wait3A] : memref<163840x4xf32, #tpu.memory_space<hbm>> -> memref<128x4xf32, #tpu.memory_space<hbm>>
        %dma_wait3A_450 = arith.constant 0 : i32
        %dma_wait3A_451 = tpu.memref_slice %arg3[%multiple_of3A, %dma_wait3A_450] : memref<163840x4xf32, #tpu.memory_space<hbm>> -> memref<128x4xf32, #tpu.memory_space<hbm>>
        tpu.wait_dma2 semaphore(%run_scoped3A : memref<!tpu.dma_semaphore, #tpu.memory_space<semaphore_mem>>) src(%dma_wait3A_451 : memref<128x4xf32, #tpu.memory_space<hbm>>) dst(%arg11 : memref<128x4xf32, #tpu.memory_space<vmem>>)
        tpu.yield
      }) : () -> ()
      %get3A = arith.constant 0 : index
      %get3A_18 = tpu.vector_load %arg8[%get3A] {strides = array<i32>} : memref<128xi32, #tpu.memory_space<vmem>>, vector<16xi32>,
      %mul3A_19 = arith.constant 4 : i32
      %mul3A_20 = vector.broadcast %mul3A_19 : i32 to vector<16xi32>
      %mul3A_21 = arith.muli %get3A_18, %mul3A_20 : vector<16xi32>
      %iota3A = tpu.iota {dimensions = array<i32: 0>} : vector<16xi32>
      %add3A_22 = arith.constant 0 : i32
      %add3A_23 = vector.broadcast %add3A_22 : i32 to vector<16xi32>
      %add3A_24 = arith.addi %iota3A, %add3A_23 : vector<16xi32>
      %broadcast_in_dim3A = arith.constant 0 : i32
      %broadcast_in_dim3A_25 = vector.broadcast %broadcast_in_dim3A : i32 to vector<16xi32>
      %gather3A = tpu.vector_load_idx %arg10[%add3A_24, %broadcast_in_dim3A_25] : memref<128x4xf32, #tpu.memory_space<vmem>>[vector<16xi32>, vector<16xi32>], vector<16xf32>,
      %add3A_26 = arith.constant 0 : i32
      %add3A_27 = vector.broadcast %add3A_26 : i32 to vector<16xi32>
      %add3A_28 = arith.addi %mul3A_21, %add3A_27 : vector<16xi32>
      tpu.vector_store_idx %arg12[%add3A_28], %gather3A {add = true} : memref<40000xf32, #tpu.memory_space<vmem>>[vector<16xi32>], vector<16xf32>,
      %broadcast_in_dim3A_29 = arith.constant 1 : i32
      %broadcast_in_dim3A_30 = vector.broadcast %broadcast_in_dim3A_29 : i32 to vector<16xi32>
      %gather3A_31 = tpu.vector_load_idx %arg10[%add3A_24, %broadcast_in_dim3A_30] : memref<128x4xf32, #tpu.memory_space<vmem>>[vector<16xi32>, vector<16xi32>], vector<16xf32>,
      %add3A_32 = arith.constant 1 : i32
      %add3A_33 = vector.broadcast %add3A_32 : i32 to vector<16xi32>
      %add3A_34 = arith.addi %mul3A_21, %add3A_33 : vector<16xi32>
      tpu.vector_store_idx %arg12[%add3A_34], %gather3A_31 {add = true} : memref<40000xf32, #tpu.memory_space<vmem>>[vector<16xi32>], vector<16xf32>,
      %broadcast_in_dim3A_35 = arith.constant 2 : i32
      %broadcast_in_dim3A_36 = vector.broadcast %broadcast_in_dim3A_35 : i32 to vector<16xi32>
      %gather3A_37 = tpu.vector_load_idx %arg10[%add3A_24, %broadcast_in_dim3A_36] : memref<128x4xf32, #tpu.memory_space<vmem>>[vector<16xi32>, vector<16xi32>], vector<16xf32>,
      %add3A_38 = arith.constant 2 : i32
      %add3A_39 = vector.broadcast %add3A_38 : i32 to vector<16xi32>
      %add3A_40 = arith.addi %mul3A_21, %add3A_39 : vector<16xi32>
      tpu.vector_store_idx %arg12[%add3A_40], %gather3A_37 {add = true} : memref<40000xf32, #tpu.memory_space<vmem>>[vector<16xi32>], vector<16xf32>,
      %get3A_41 = arith.constant 16 : index
      %get3A_42 = tpu.vector_load %arg8[%get3A_41] {strides = array<i32>} : memref<128xi32, #tpu.memory_space<vmem>>, vector<16xi32>,
      %mul3A_43 = arith.constant 4 : i32
      %mul3A_44 = vector.broadcast %mul3A_43 : i32 to vector<16xi32>
      %mul3A_45 = arith.muli %get3A_42, %mul3A_44 : vector<16xi32>
      %iota3A_46 = tpu.iota {dimensions = array<i32: 0>} : vector<16xi32>
      %add3A_47 = arith.constant 16 : i32
      %add3A_48 = vector.broadcast %add3A_47 : i32 to vector<16xi32>
      %add3A_49 = arith.addi %iota3A_46, %add3A_48 : vector<16xi32>
      %broadcast_in_dim3A_50 = arith.constant 0 : i32
      %broadcast_in_dim3A_51 = vector.broadcast %broadcast_in_dim3A_50 : i32 to vector<16xi32>
      %gather3A_52 = tpu.vector_load_idx %arg10[%add3A_49, %broadcast_in_dim3A_51] : memref<128x4xf32, #tpu.memory_space<vmem>>[vector<16xi32>, vector<16xi32>], vector<16xf32>,
      %add3A_53 = arith.constant 0 : i32
      %add3A_54 = vector.broadcast %add3A_53 : i32 to vector<16xi32>
      %add3A_55 = arith.addi %mul3A_45, %add3A_54 : vector<16xi32>
      tpu.vector_store_idx %arg12[%add3A_55], %gather3A_52 {add = true} : memref<40000xf32, #tpu.memory_space<vmem>>[vector<16xi32>], vector<16xf32>,
      %broadcast_in_dim3A_56 = arith.constant 1 : i32
      %broadcast_in_dim3A_57 = vector.broadcast %broadcast_in_dim3A_56 : i32 to vector<16xi32>
      %gather3A_58 = tpu.vector_load_idx %arg10[%add3A_49, %broadcast_in_dim3A_57] : memref<128x4xf32, #tpu.memory_space<vmem>>[vector<16xi32>, vector<16xi32>], vector<16xf32>,
      %add3A_59 = arith.constant 1 : i32
      %add3A_60 = vector.broadcast %add3A_59 : i32 to vector<16xi32>
      %add3A_61 = arith.addi %mul3A_45, %add3A_60 : vector<16xi32>
      tpu.vector_store_idx %arg12[%add3A_61], %gather3A_58 {add = true} : memref<40000xf32, #tpu.memory_space<vmem>>[vector<16xi32>], vector<16xf32>,
      %broadcast_in_dim3A_62 = arith.constant 2 : i32
      %broadcast_in_dim3A_63 = vector.broadcast %broadcast_in_dim3A_62 : i32 to vector<16xi32>
      %gather3A_64 = tpu.vector_load_idx %arg10[%add3A_49, %broadcast_in_dim3A_63] : memref<128x4xf32, #tpu.memory_space<vmem>>[vector<16xi32>, vector<16xi32>], vector<16xf32>,
      %add3A_65 = arith.constant 2 : i32
      %add3A_66 = vector.broadcast %add3A_65 : i32 to vector<16xi32>
      %add3A_67 = arith.addi %mul3A_45, %add3A_66 : vector<16xi32>
      tpu.vector_store_idx %arg12[%add3A_67], %gather3A_64 {add = true} : memref<40000xf32, #tpu.memory_space<vmem>>[vector<16xi32>], vector<16xf32>,
      %get3A_68 = arith.constant 32 : index
      %get3A_69 = tpu.vector_load %arg8[%get3A_68] {strides = array<i32>} : memref<128xi32, #tpu.memory_space<vmem>>, vector<16xi32>,
      %mul3A_70 = arith.constant 4 : i32
      %mul3A_71 = vector.broadcast %mul3A_70 : i32 to vector<16xi32>
      %mul3A_72 = arith.muli %get3A_69, %mul3A_71 : vector<16xi32>
      %iota3A_73 = tpu.iota {dimensions = array<i32: 0>} : vector<16xi32>
      %add3A_74 = arith.constant 32 : i32
      %add3A_75 = vector.broadcast %add3A_74 : i32 to vector<16xi32>
      %add3A_76 = arith.addi %iota3A_73, %add3A_75 : vector<16xi32>
      %broadcast_in_dim3A_77 = arith.constant 0 : i32
      %broadcast_in_dim3A_78 = vector.broadcast %broadcast_in_dim3A_77 : i32 to vector<16xi32>
      %gather3A_79 = tpu.vector_load_idx %arg10[%add3A_76, %broadcast_in_dim3A_78] : memref<128x4xf32, #tpu.memory_space<vmem>>[vector<16xi32>, vector<16xi32>], vector<16xf32>,
      %add3A_80 = arith.constant 0 : i32
      %add3A_81 = vector.broadcast %add3A_80 : i32 to vector<16xi32>
      %add3A_82 = arith.addi %mul3A_72, %add3A_81 : vector<16xi32>
      tpu.vector_store_idx %arg12[%add3A_82], %gather3A_79 {add = true} : memref<40000xf32, #tpu.memory_space<vmem>>[vector<16xi32>], vector<16xf32>,
      %broadcast_in_dim3A_83 = arith.constant 1 : i32
      %broadcast_in_dim3A_84 = vector.broadcast %broadcast_in_dim3A_83 : i32 to vector<16xi32>
      %gather3A_85 = tpu.vector_load_idx %arg10[%add3A_76, %broadcast_in_dim3A_84] : memref<128x4xf32, #tpu.memory_space<vmem>>[vector<16xi32>, vector<16xi32>], vector<16xf32>,
      %add3A_86 = arith.constant 1 : i32
      %add3A_87 = vector.broadcast %add3A_86 : i32 to vector<16xi32>
      %add3A_88 = arith.addi %mul3A_72, %add3A_87 : vector<16xi32>
      tpu.vector_store_idx %arg12[%add3A_88], %gather3A_85 {add = true} : memref<40000xf32, #tpu.memory_space<vmem>>[vector<16xi32>], vector<16xf32>,
      %broadcast_in_dim3A_89 = arith.constant 2 : i32
      %broadcast_in_dim3A_90 = vector.broadcast %broadcast_in_dim3A_89 : i32 to vector<16xi32>
      %gather3A_91 = tpu.vector_load_idx %arg10[%add3A_76, %broadcast_in_dim3A_90] : memref<128x4xf32, #tpu.memory_space<vmem>>[vector<16xi32>, vector<16xi32>], vector<16xf32>,
      %add3A_92 = arith.constant 2 : i32
      %add3A_93 = vector.broadcast %add3A_92 : i32 to vector<16xi32>
      %add3A_94 = arith.addi %mul3A_72, %add3A_93 : vector<16xi32>
      tpu.vector_store_idx %arg12[%add3A_94], %gather3A_91 {add = true} : memref<40000xf32, #tpu.memory_space<vmem>>[vector<16xi32>], vector<16xf32>,
      %get3A_95 = arith.constant 48 : index
      %get3A_96 = tpu.vector_load %arg8[%get3A_95] {strides = array<i32>} : memref<128xi32, #tpu.memory_space<vmem>>, vector<16xi32>,
      %mul3A_97 = arith.constant 4 : i32
      %mul3A_98 = vector.broadcast %mul3A_97 : i32 to vector<16xi32>
      %mul3A_99 = arith.muli %get3A_96, %mul3A_98 : vector<16xi32>
      %iota3A_100 = tpu.iota {dimensions = array<i32: 0>} : vector<16xi32>
      %add3A_101 = arith.constant 48 : i32
      %add3A_102 = vector.broadcast %add3A_101 : i32 to vector<16xi32>
      %add3A_103 = arith.addi %iota3A_100, %add3A_102 : vector<16xi32>
      %broadcast_in_dim3A_104 = arith.constant 0 : i32
      %broadcast_in_dim3A_105 = vector.broadcast %broadcast_in_dim3A_104 : i32 to vector<16xi32>
      %gather3A_106 = tpu.vector_load_idx %arg10[%add3A_103, %broadcast_in_dim3A_105] : memref<128x4xf32, #tpu.memory_space<vmem>>[vector<16xi32>, vector<16xi32>], vector<16xf32>,
      %add3A_107 = arith.constant 0 : i32
      %add3A_108 = vector.broadcast %add3A_107 : i32 to vector<16xi32>
      %add3A_109 = arith.addi %mul3A_99, %add3A_108 : vector<16xi32>
      tpu.vector_store_idx %arg12[%add3A_109], %gather3A_106 {add = true} : memref<40000xf32, #tpu.memory_space<vmem>>[vector<16xi32>], vector<16xf32>,
      %broadcast_in_dim3A_110 = arith.constant 1 : i32
      %broadcast_in_dim3A_111 = vector.broadcast %broadcast_in_dim3A_110 : i32 to vector<16xi32>
      %gather3A_112 = tpu.vector_load_idx %arg10[%add3A_103, %broadcast_in_dim3A_111] : memref<128x4xf32, #tpu.memory_space<vmem>>[vector<16xi32>, vector<16xi32>], vector<16xf32>,
      %add3A_113 = arith.constant 1 : i32
      %add3A_114 = vector.broadcast %add3A_113 : i32 to vector<16xi32>
      %add3A_115 = arith.addi %mul3A_99, %add3A_114 : vector<16xi32>
      tpu.vector_store_idx %arg12[%add3A_115], %gather3A_112 {add = true} : memref<40000xf32, #tpu.memory_space<vmem>>[vector<16xi32>], vector<16xf32>,
      %broadcast_in_dim3A_116 = arith.constant 2 : i32
      %broadcast_in_dim3A_117 = vector.broadcast %broadcast_in_dim3A_116 : i32 to vector<16xi32>
      %gather3A_118 = tpu.vector_load_idx %arg10[%add3A_103, %broadcast_in_dim3A_117] : memref<128x4xf32, #tpu.memory_space<vmem>>[vector<16xi32>, vector<16xi32>], vector<16xf32>,
      %add3A_119 = arith.constant 2 : i32
      %add3A_120 = vector.broadcast %add3A_119 : i32 to vector<16xi32>
      %add3A_121 = arith.addi %mul3A_99, %add3A_120 : vector<16xi32>
      tpu.vector_store_idx %arg12[%add3A_121], %gather3A_118 {add = true} : memref<40000xf32, #tpu.memory_space<vmem>>[vector<16xi32>], vector<16xf32>,
      %get3A_122 = arith.constant 64 : index
      %get3A_123 = tpu.vector_load %arg8[%get3A_122] {strides = array<i32>} : memref<128xi32, #tpu.memory_space<vmem>>, vector<16xi32>,
      %mul3A_124 = arith.constant 4 : i32
      %mul3A_125 = vector.broadcast %mul3A_124 : i32 to vector<16xi32>
      %mul3A_126 = arith.muli %get3A_123, %mul3A_125 : vector<16xi32>
      %iota3A_127 = tpu.iota {dimensions = array<i32: 0>} : vector<16xi32>
      %add3A_128 = arith.constant 64 : i32
      %add3A_129 = vector.broadcast %add3A_128 : i32 to vector<16xi32>
      %add3A_130 = arith.addi %iota3A_127, %add3A_129 : vector<16xi32>
      %broadcast_in_dim3A_131 = arith.constant 0 : i32
      %broadcast_in_dim3A_132 = vector.broadcast %broadcast_in_dim3A_131 : i32 to vector<16xi32>
      %gather3A_133 = tpu.vector_load_idx %arg10[%add3A_130, %broadcast_in_dim3A_132] : memref<128x4xf32, #tpu.memory_space<vmem>>[vector<16xi32>, vector<16xi32>], vector<16xf32>,
      %add3A_134 = arith.constant 0 : i32
      %add3A_135 = vector.broadcast %add3A_134 : i32 to vector<16xi32>
      %add3A_136 = arith.addi %mul3A_126, %add3A_135 : vector<16xi32>
      tpu.vector_store_idx %arg12[%add3A_136], %gather3A_133 {add = true} : memref<40000xf32, #tpu.memory_space<vmem>>[vector<16xi32>], vector<16xf32>,
      %broadcast_in_dim3A_137 = arith.constant 1 : i32
      %broadcast_in_dim3A_138 = vector.broadcast %broadcast_in_dim3A_137 : i32 to vector<16xi32>
      %gather3A_139 = tpu.vector_load_idx %arg10[%add3A_130, %broadcast_in_dim3A_138] : memref<128x4xf32, #tpu.memory_space<vmem>>[vector<16xi32>, vector<16xi32>], vector<16xf32>,
      %add3A_140 = arith.constant 1 : i32
      %add3A_141 = vector.broadcast %add3A_140 : i32 to vector<16xi32>
      %add3A_142 = arith.addi %mul3A_126, %add3A_141 : vector<16xi32>
      tpu.vector_store_idx %arg12[%add3A_142], %gather3A_139 {add = true} : memref<40000xf32, #tpu.memory_space<vmem>>[vector<16xi32>], vector<16xf32>,
      %broadcast_in_dim3A_143 = arith.constant 2 : i32
      %broadcast_in_dim3A_144 = vector.broadcast %broadcast_in_dim3A_143 : i32 to vector<16xi32>
      %gather3A_145 = tpu.vector_load_idx %arg10[%add3A_130, %broadcast_in_dim3A_144] : memref<128x4xf32, #tpu.memory_space<vmem>>[vector<16xi32>, vector<16xi32>], vector<16xf32>,
      %add3A_146 = arith.constant 2 : i32
      %add3A_147 = vector.broadcast %add3A_146 : i32 to vector<16xi32>
      %add3A_148 = arith.addi %mul3A_126, %add3A_147 : vector<16xi32>
      tpu.vector_store_idx %arg12[%add3A_148], %gather3A_145 {add = true} : memref<40000xf32, #tpu.memory_space<vmem>>[vector<16xi32>], vector<16xf32>,
      %get3A_149 = arith.constant 80 : index
      %get3A_150 = tpu.vector_load %arg8[%get3A_149] {strides = array<i32>} : memref<128xi32, #tpu.memory_space<vmem>>, vector<16xi32>,
      %mul3A_151 = arith.constant 4 : i32
      %mul3A_152 = vector.broadcast %mul3A_151 : i32 to vector<16xi32>
      %mul3A_153 = arith.muli %get3A_150, %mul3A_152 : vector<16xi32>
      %iota3A_154 = tpu.iota {dimensions = array<i32: 0>} : vector<16xi32>
      %add3A_155 = arith.constant 80 : i32
      %add3A_156 = vector.broadcast %add3A_155 : i32 to vector<16xi32>
      %add3A_157 = arith.addi %iota3A_154, %add3A_156 : vector<16xi32>
      %broadcast_in_dim3A_158 = arith.constant 0 : i32
      %broadcast_in_dim3A_159 = vector.broadcast %broadcast_in_dim3A_158 : i32 to vector<16xi32>
      %gather3A_160 = tpu.vector_load_idx %arg10[%add3A_157, %broadcast_in_dim3A_159] : memref<128x4xf32, #tpu.memory_space<vmem>>[vector<16xi32>, vector<16xi32>], vector<16xf32>,
      %add3A_161 = arith.constant 0 : i32
      %add3A_162 = vector.broadcast %add3A_161 : i32 to vector<16xi32>
      %add3A_163 = arith.addi %mul3A_153, %add3A_162 : vector<16xi32>
      tpu.vector_store_idx %arg12[%add3A_163], %gather3A_160 {add = true} : memref<40000xf32, #tpu.memory_space<vmem>>[vector<16xi32>], vector<16xf32>,
      %broadcast_in_dim3A_164 = arith.constant 1 : i32
      %broadcast_in_dim3A_165 = vector.broadcast %broadcast_in_dim3A_164 : i32 to vector<16xi32>
      %gather3A_166 = tpu.vector_load_idx %arg10[%add3A_157, %broadcast_in_dim3A_165] : memref<128x4xf32, #tpu.memory_space<vmem>>[vector<16xi32>, vector<16xi32>], vector<16xf32>,
      %add3A_167 = arith.constant 1 : i32
      %add3A_168 = vector.broadcast %add3A_167 : i32 to vector<16xi32>
      %add3A_169 = arith.addi %mul3A_153, %add3A_168 : vector<16xi32>
      tpu.vector_store_idx %arg12[%add3A_169], %gather3A_166 {add = true} : memref<40000xf32, #tpu.memory_space<vmem>>[vector<16xi32>], vector<16xf32>,
      %broadcast_in_dim3A_170 = arith.constant 2 : i32
      %broadcast_in_dim3A_171 = vector.broadcast %broadcast_in_dim3A_170 : i32 to vector<16xi32>
      %gather3A_172 = tpu.vector_load_idx %arg10[%add3A_157, %broadcast_in_dim3A_171] : memref<128x4xf32, #tpu.memory_space<vmem>>[vector<16xi32>, vector<16xi32>], vector<16xf32>,
      %add3A_173 = arith.constant 2 : i32
      %add3A_174 = vector.broadcast %add3A_173 : i32 to vector<16xi32>
      %add3A_175 = arith.addi %mul3A_153, %add3A_174 : vector<16xi32>
      tpu.vector_store_idx %arg12[%add3A_175], %gather3A_172 {add = true} : memref<40000xf32, #tpu.memory_space<vmem>>[vector<16xi32>], vector<16xf32>,
      %get3A_176 = arith.constant 96 : index
      %get3A_177 = tpu.vector_load %arg8[%get3A_176] {strides = array<i32>} : memref<128xi32, #tpu.memory_space<vmem>>, vector<16xi32>,
      %mul3A_178 = arith.constant 4 : i32
      %mul3A_179 = vector.broadcast %mul3A_178 : i32 to vector<16xi32>
      %mul3A_180 = arith.muli %get3A_177, %mul3A_179 : vector<16xi32>
      %iota3A_181 = tpu.iota {dimensions = array<i32: 0>} : vector<16xi32>
      %add3A_182 = arith.constant 96 : i32
      %add3A_183 = vector.broadcast %add3A_182 : i32 to vector<16xi32>
      %add3A_184 = arith.addi %iota3A_181, %add3A_183 : vector<16xi32>
      %broadcast_in_dim3A_185 = arith.constant 0 : i32
      %broadcast_in_dim3A_186 = vector.broadcast %broadcast_in_dim3A_185 : i32 to vector<16xi32>
      %gather3A_187 = tpu.vector_load_idx %arg10[%add3A_184, %broadcast_in_dim3A_186] : memref<128x4xf32, #tpu.memory_space<vmem>>[vector<16xi32>, vector<16xi32>], vector<16xf32>,
      %add3A_188 = arith.constant 0 : i32
      %add3A_189 = vector.broadcast %add3A_188 : i32 to vector<16xi32>
      %add3A_190 = arith.addi %mul3A_180, %add3A_189 : vector<16xi32>
      tpu.vector_store_idx %arg12[%add3A_190], %gather3A_187 {add = true} : memref<40000xf32, #tpu.memory_space<vmem>>[vector<16xi32>], vector<16xf32>,
      %broadcast_in_dim3A_191 = arith.constant 1 : i32
      %broadcast_in_dim3A_192 = vector.broadcast %broadcast_in_dim3A_191 : i32 to vector<16xi32>
      %gather3A_193 = tpu.vector_load_idx %arg10[%add3A_184, %broadcast_in_dim3A_192] : memref<128x4xf32, #tpu.memory_space<vmem>>[vector<16xi32>, vector<16xi32>], vector<16xf32>,
      %add3A_194 = arith.constant 1 : i32
      %add3A_195 = vector.broadcast %add3A_194 : i32 to vector<16xi32>
      %add3A_196 = arith.addi %mul3A_180, %add3A_195 : vector<16xi32>
      tpu.vector_store_idx %arg12[%add3A_196], %gather3A_193 {add = true} : memref<40000xf32, #tpu.memory_space<vmem>>[vector<16xi32>], vector<16xf32>,
      %broadcast_in_dim3A_197 = arith.constant 2 : i32
      %broadcast_in_dim3A_198 = vector.broadcast %broadcast_in_dim3A_197 : i32 to vector<16xi32>
      %gather3A_199 = tpu.vector_load_idx %arg10[%add3A_184, %broadcast_in_dim3A_198] : memref<128x4xf32, #tpu.memory_space<vmem>>[vector<16xi32>, vector<16xi32>], vector<16xf32>,
      %add3A_200 = arith.constant 2 : i32
      %add3A_201 = vector.broadcast %add3A_200 : i32 to vector<16xi32>
      %add3A_202 = arith.addi %mul3A_180, %add3A_201 : vector<16xi32>
      tpu.vector_store_idx %arg12[%add3A_202], %gather3A_199 {add = true} : memref<40000xf32, #tpu.memory_space<vmem>>[vector<16xi32>], vector<16xf32>,
      %get3A_203 = arith.constant 112 : index
      %get3A_204 = tpu.vector_load %arg8[%get3A_203] {strides = array<i32>} : memref<128xi32, #tpu.memory_space<vmem>>, vector<16xi32>,
      %mul3A_205 = arith.constant 4 : i32
      %mul3A_206 = vector.broadcast %mul3A_205 : i32 to vector<16xi32>
      %mul3A_207 = arith.muli %get3A_204, %mul3A_206 : vector<16xi32>
      %iota3A_208 = tpu.iota {dimensions = array<i32: 0>} : vector<16xi32>
      %add3A_209 = arith.constant 112 : i32
      %add3A_210 = vector.broadcast %add3A_209 : i32 to vector<16xi32>
      %add3A_211 = arith.addi %iota3A_208, %add3A_210 : vector<16xi32>
      %broadcast_in_dim3A_212 = arith.constant 0 : i32
      %broadcast_in_dim3A_213 = vector.broadcast %broadcast_in_dim3A_212 : i32 to vector<16xi32>
      %gather3A_214 = tpu.vector_load_idx %arg10[%add3A_211, %broadcast_in_dim3A_213] : memref<128x4xf32, #tpu.memory_space<vmem>>[vector<16xi32>, vector<16xi32>], vector<16xf32>,
      %add3A_215 = arith.constant 0 : i32
      %add3A_216 = vector.broadcast %add3A_215 : i32 to vector<16xi32>
      %add3A_217 = arith.addi %mul3A_207, %add3A_216 : vector<16xi32>
      tpu.vector_store_idx %arg12[%add3A_217], %gather3A_214 {add = true} : memref<40000xf32, #tpu.memory_space<vmem>>[vector<16xi32>], vector<16xf32>,
      %broadcast_in_dim3A_218 = arith.constant 1 : i32
      %broadcast_in_dim3A_219 = vector.broadcast %broadcast_in_dim3A_218 : i32 to vector<16xi32>
      %gather3A_220 = tpu.vector_load_idx %arg10[%add3A_211, %broadcast_in_dim3A_219] : memref<128x4xf32, #tpu.memory_space<vmem>>[vector<16xi32>, vector<16xi32>], vector<16xf32>,
      %add3A_221 = arith.constant 1 : i32
      %add3A_222 = vector.broadcast %add3A_221 : i32 to vector<16xi32>
      %add3A_223 = arith.addi %mul3A_207, %add3A_222 : vector<16xi32>
      tpu.vector_store_idx %arg12[%add3A_223], %gather3A_220 {add = true} : memref<40000xf32, #tpu.memory_space<vmem>>[vector<16xi32>], vector<16xf32>,
      %broadcast_in_dim3A_224 = arith.constant 2 : i32
      %broadcast_in_dim3A_225 = vector.broadcast %broadcast_in_dim3A_224 : i32 to vector<16xi32>
      %gather3A_226 = tpu.vector_load_idx %arg10[%add3A_211, %broadcast_in_dim3A_225] : memref<128x4xf32, #tpu.memory_space<vmem>>[vector<16xi32>, vector<16xi32>], vector<16xf32>,
      %add3A_227 = arith.constant 2 : i32
      %add3A_228 = vector.broadcast %add3A_227 : i32 to vector<16xi32>
      %add3A_229 = arith.addi %mul3A_207, %add3A_228 : vector<16xi32>
      tpu.vector_store_idx %arg12[%add3A_229], %gather3A_226 {add = true} : memref<40000xf32, #tpu.memory_space<vmem>>[vector<16xi32>], vector<16xf32>,
      %get3A_230 = arith.constant 0 : index
      %get3A_231 = tpu.vector_load %arg9[%get3A_230] {strides = array<i32>} : memref<128xi32, #tpu.memory_space<vmem>>, vector<16xi32>,
      %mul3A_232 = arith.constant 4 : i32
      %mul3A_233 = vector.broadcast %mul3A_232 : i32 to vector<16xi32>
      %mul3A_234 = arith.muli %get3A_231, %mul3A_233 : vector<16xi32>
      %iota3A_235 = tpu.iota {dimensions = array<i32: 0>} : vector<16xi32>
      %add3A_236 = arith.constant 0 : i32
      %add3A_237 = vector.broadcast %add3A_236 : i32 to vector<16xi32>
      %add3A_238 = arith.addi %iota3A_235, %add3A_237 : vector<16xi32>
      %broadcast_in_dim3A_239 = arith.constant 0 : i32
      %broadcast_in_dim3A_240 = vector.broadcast %broadcast_in_dim3A_239 : i32 to vector<16xi32>
      %gather3A_241 = tpu.vector_load_idx %arg11[%add3A_238, %broadcast_in_dim3A_240] : memref<128x4xf32, #tpu.memory_space<vmem>>[vector<16xi32>, vector<16xi32>], vector<16xf32>,
      %add3A_242 = arith.constant 0 : i32
      %add3A_243 = vector.broadcast %add3A_242 : i32 to vector<16xi32>
      %add3A_244 = arith.addi %mul3A_234, %add3A_243 : vector<16xi32>
      tpu.vector_store_idx %arg12[%add3A_244], %gather3A_241 {add = true} : memref<40000xf32, #tpu.memory_space<vmem>>[vector<16xi32>], vector<16xf32>,
      %broadcast_in_dim3A_245 = arith.constant 1 : i32
      %broadcast_in_dim3A_246 = vector.broadcast %broadcast_in_dim3A_245 : i32 to vector<16xi32>
      %gather3A_247 = tpu.vector_load_idx %arg11[%add3A_238, %broadcast_in_dim3A_246] : memref<128x4xf32, #tpu.memory_space<vmem>>[vector<16xi32>, vector<16xi32>], vector<16xf32>,
      %add3A_248 = arith.constant 1 : i32
      %add3A_249 = vector.broadcast %add3A_248 : i32 to vector<16xi32>
      %add3A_250 = arith.addi %mul3A_234, %add3A_249 : vector<16xi32>
      tpu.vector_store_idx %arg12[%add3A_250], %gather3A_247 {add = true} : memref<40000xf32, #tpu.memory_space<vmem>>[vector<16xi32>], vector<16xf32>,
      %broadcast_in_dim3A_251 = arith.constant 2 : i32
      %broadcast_in_dim3A_252 = vector.broadcast %broadcast_in_dim3A_251 : i32 to vector<16xi32>
      %gather3A_253 = tpu.vector_load_idx %arg11[%add3A_238, %broadcast_in_dim3A_252] : memref<128x4xf32, #tpu.memory_space<vmem>>[vector<16xi32>, vector<16xi32>], vector<16xf32>,
      %add3A_254 = arith.constant 2 : i32
      %add3A_255 = vector.broadcast %add3A_254 : i32 to vector<16xi32>
      %add3A_256 = arith.addi %mul3A_234, %add3A_255 : vector<16xi32>
      tpu.vector_store_idx %arg12[%add3A_256], %gather3A_253 {add = true} : memref<40000xf32, #tpu.memory_space<vmem>>[vector<16xi32>], vector<16xf32>,
      %get3A_257 = arith.constant 16 : index
      %get3A_258 = tpu.vector_load %arg9[%get3A_257] {strides = array<i32>} : memref<128xi32, #tpu.memory_space<vmem>>, vector<16xi32>,
      %mul3A_259 = arith.constant 4 : i32
      %mul3A_260 = vector.broadcast %mul3A_259 : i32 to vector<16xi32>
      %mul3A_261 = arith.muli %get3A_258, %mul3A_260 : vector<16xi32>
      %iota3A_262 = tpu.iota {dimensions = array<i32: 0>} : vector<16xi32>
      %add3A_263 = arith.constant 16 : i32
      %add3A_264 = vector.broadcast %add3A_263 : i32 to vector<16xi32>
      %add3A_265 = arith.addi %iota3A_262, %add3A_264 : vector<16xi32>
      %broadcast_in_dim3A_266 = arith.constant 0 : i32
      %broadcast_in_dim3A_267 = vector.broadcast %broadcast_in_dim3A_266 : i32 to vector<16xi32>
      %gather3A_268 = tpu.vector_load_idx %arg11[%add3A_265, %broadcast_in_dim3A_267] : memref<128x4xf32, #tpu.memory_space<vmem>>[vector<16xi32>, vector<16xi32>], vector<16xf32>,
      %add3A_269 = arith.constant 0 : i32
      %add3A_270 = vector.broadcast %add3A_269 : i32 to vector<16xi32>
      %add3A_271 = arith.addi %mul3A_261, %add3A_270 : vector<16xi32>
      tpu.vector_store_idx %arg12[%add3A_271], %gather3A_268 {add = true} : memref<40000xf32, #tpu.memory_space<vmem>>[vector<16xi32>], vector<16xf32>,
      %broadcast_in_dim3A_272 = arith.constant 1 : i32
      %broadcast_in_dim3A_273 = vector.broadcast %broadcast_in_dim3A_272 : i32 to vector<16xi32>
      %gather3A_274 = tpu.vector_load_idx %arg11[%add3A_265, %broadcast_in_dim3A_273] : memref<128x4xf32, #tpu.memory_space<vmem>>[vector<16xi32>, vector<16xi32>], vector<16xf32>,
      %add3A_275 = arith.constant 1 : i32
      %add3A_276 = vector.broadcast %add3A_275 : i32 to vector<16xi32>
      %add3A_277 = arith.addi %mul3A_261, %add3A_276 : vector<16xi32>
      tpu.vector_store_idx %arg12[%add3A_277], %gather3A_274 {add = true} : memref<40000xf32, #tpu.memory_space<vmem>>[vector<16xi32>], vector<16xf32>,
      %broadcast_in_dim3A_278 = arith.constant 2 : i32
      %broadcast_in_dim3A_279 = vector.broadcast %broadcast_in_dim3A_278 : i32 to vector<16xi32>
      %gather3A_280 = tpu.vector_load_idx %arg11[%add3A_265, %broadcast_in_dim3A_279] : memref<128x4xf32, #tpu.memory_space<vmem>>[vector<16xi32>, vector<16xi32>], vector<16xf32>,
      %add3A_281 = arith.constant 2 : i32
      %add3A_282 = vector.broadcast %add3A_281 : i32 to vector<16xi32>
      %add3A_283 = arith.addi %mul3A_261, %add3A_282 : vector<16xi32>
      tpu.vector_store_idx %arg12[%add3A_283], %gather3A_280 {add = true} : memref<40000xf32, #tpu.memory_space<vmem>>[vector<16xi32>], vector<16xf32>,
      %get3A_284 = arith.constant 32 : index
      %get3A_285 = tpu.vector_load %arg9[%get3A_284] {strides = array<i32>} : memref<128xi32, #tpu.memory_space<vmem>>, vector<16xi32>,
      %mul3A_286 = arith.constant 4 : i32
      %mul3A_287 = vector.broadcast %mul3A_286 : i32 to vector<16xi32>
      %mul3A_288 = arith.muli %get3A_285, %mul3A_287 : vector<16xi32>
      %iota3A_289 = tpu.iota {dimensions = array<i32: 0>} : vector<16xi32>
      %add3A_290 = arith.constant 32 : i32
      %add3A_291 = vector.broadcast %add3A_290 : i32 to vector<16xi32>
      %add3A_292 = arith.addi %iota3A_289, %add3A_291 : vector<16xi32>
      %broadcast_in_dim3A_293 = arith.constant 0 : i32
      %broadcast_in_dim3A_294 = vector.broadcast %broadcast_in_dim3A_293 : i32 to vector<16xi32>
      %gather3A_295 = tpu.vector_load_idx %arg11[%add3A_292, %broadcast_in_dim3A_294] : memref<128x4xf32, #tpu.memory_space<vmem>>[vector<16xi32>, vector<16xi32>], vector<16xf32>,
      %add3A_296 = arith.constant 0 : i32
      %add3A_297 = vector.broadcast %add3A_296 : i32 to vector<16xi32>
      %add3A_298 = arith.addi %mul3A_288, %add3A_297 : vector<16xi32>
      tpu.vector_store_idx %arg12[%add3A_298], %gather3A_295 {add = true} : memref<40000xf32, #tpu.memory_space<vmem>>[vector<16xi32>], vector<16xf32>,
      %broadcast_in_dim3A_299 = arith.constant 1 : i32
      %broadcast_in_dim3A_300 = vector.broadcast %broadcast_in_dim3A_299 : i32 to vector<16xi32>
      %gather3A_301 = tpu.vector_load_idx %arg11[%add3A_292, %broadcast_in_dim3A_300] : memref<128x4xf32, #tpu.memory_space<vmem>>[vector<16xi32>, vector<16xi32>], vector<16xf32>,
      %add3A_302 = arith.constant 1 : i32
      %add3A_303 = vector.broadcast %add3A_302 : i32 to vector<16xi32>
      %add3A_304 = arith.addi %mul3A_288, %add3A_303 : vector<16xi32>
      tpu.vector_store_idx %arg12[%add3A_304], %gather3A_301 {add = true} : memref<40000xf32, #tpu.memory_space<vmem>>[vector<16xi32>], vector<16xf32>,
      %broadcast_in_dim3A_305 = arith.constant 2 : i32
      %broadcast_in_dim3A_306 = vector.broadcast %broadcast_in_dim3A_305 : i32 to vector<16xi32>
      %gather3A_307 = tpu.vector_load_idx %arg11[%add3A_292, %broadcast_in_dim3A_306] : memref<128x4xf32, #tpu.memory_space<vmem>>[vector<16xi32>, vector<16xi32>], vector<16xf32>,
      %add3A_308 = arith.constant 2 : i32
      %add3A_309 = vector.broadcast %add3A_308 : i32 to vector<16xi32>
      %add3A_310 = arith.addi %mul3A_288, %add3A_309 : vector<16xi32>
      tpu.vector_store_idx %arg12[%add3A_310], %gather3A_307 {add = true} : memref<40000xf32, #tpu.memory_space<vmem>>[vector<16xi32>], vector<16xf32>,
      %get3A_311 = arith.constant 48 : index
      %get3A_312 = tpu.vector_load %arg9[%get3A_311] {strides = array<i32>} : memref<128xi32, #tpu.memory_space<vmem>>, vector<16xi32>,
      %mul3A_313 = arith.constant 4 : i32
      %mul3A_314 = vector.broadcast %mul3A_313 : i32 to vector<16xi32>
      %mul3A_315 = arith.muli %get3A_312, %mul3A_314 : vector<16xi32>
      %iota3A_316 = tpu.iota {dimensions = array<i32: 0>} : vector<16xi32>
      %add3A_317 = arith.constant 48 : i32
      %add3A_318 = vector.broadcast %add3A_317 : i32 to vector<16xi32>
      %add3A_319 = arith.addi %iota3A_316, %add3A_318 : vector<16xi32>
      %broadcast_in_dim3A_320 = arith.constant 0 : i32
      %broadcast_in_dim3A_321 = vector.broadcast %broadcast_in_dim3A_320 : i32 to vector<16xi32>
      %gather3A_322 = tpu.vector_load_idx %arg11[%add3A_319, %broadcast_in_dim3A_321] : memref<128x4xf32, #tpu.memory_space<vmem>>[vector<16xi32>, vector<16xi32>], vector<16xf32>,
      %add3A_323 = arith.constant 0 : i32
      %add3A_324 = vector.broadcast %add3A_323 : i32 to vector<16xi32>
      %add3A_325 = arith.addi %mul3A_315, %add3A_324 : vector<16xi32>
      tpu.vector_store_idx %arg12[%add3A_325], %gather3A_322 {add = true} : memref<40000xf32, #tpu.memory_space<vmem>>[vector<16xi32>], vector<16xf32>,
      %broadcast_in_dim3A_326 = arith.constant 1 : i32
      %broadcast_in_dim3A_327 = vector.broadcast %broadcast_in_dim3A_326 : i32 to vector<16xi32>
      %gather3A_328 = tpu.vector_load_idx %arg11[%add3A_319, %broadcast_in_dim3A_327] : memref<128x4xf32, #tpu.memory_space<vmem>>[vector<16xi32>, vector<16xi32>], vector<16xf32>,
      %add3A_329 = arith.constant 1 : i32
      %add3A_330 = vector.broadcast %add3A_329 : i32 to vector<16xi32>
      %add3A_331 = arith.addi %mul3A_315, %add3A_330 : vector<16xi32>
      tpu.vector_store_idx %arg12[%add3A_331], %gather3A_328 {add = true} : memref<40000xf32, #tpu.memory_space<vmem>>[vector<16xi32>], vector<16xf32>,
      %broadcast_in_dim3A_332 = arith.constant 2 : i32
      %broadcast_in_dim3A_333 = vector.broadcast %broadcast_in_dim3A_332 : i32 to vector<16xi32>
      %gather3A_334 = tpu.vector_load_idx %arg11[%add3A_319, %broadcast_in_dim3A_333] : memref<128x4xf32, #tpu.memory_space<vmem>>[vector<16xi32>, vector<16xi32>], vector<16xf32>,
      %add3A_335 = arith.constant 2 : i32
      %add3A_336 = vector.broadcast %add3A_335 : i32 to vector<16xi32>
      %add3A_337 = arith.addi %mul3A_315, %add3A_336 : vector<16xi32>
      tpu.vector_store_idx %arg12[%add3A_337], %gather3A_334 {add = true} : memref<40000xf32, #tpu.memory_space<vmem>>[vector<16xi32>], vector<16xf32>,
      %get3A_338 = arith.constant 64 : index
      %get3A_339 = tpu.vector_load %arg9[%get3A_338] {strides = array<i32>} : memref<128xi32, #tpu.memory_space<vmem>>, vector<16xi32>,
      %mul3A_340 = arith.constant 4 : i32
      %mul3A_341 = vector.broadcast %mul3A_340 : i32 to vector<16xi32>
      %mul3A_342 = arith.muli %get3A_339, %mul3A_341 : vector<16xi32>
      %iota3A_343 = tpu.iota {dimensions = array<i32: 0>} : vector<16xi32>
      %add3A_344 = arith.constant 64 : i32
      %add3A_345 = vector.broadcast %add3A_344 : i32 to vector<16xi32>
      %add3A_346 = arith.addi %iota3A_343, %add3A_345 : vector<16xi32>
      %broadcast_in_dim3A_347 = arith.constant 0 : i32
      %broadcast_in_dim3A_348 = vector.broadcast %broadcast_in_dim3A_347 : i32 to vector<16xi32>
      %gather3A_349 = tpu.vector_load_idx %arg11[%add3A_346, %broadcast_in_dim3A_348] : memref<128x4xf32, #tpu.memory_space<vmem>>[vector<16xi32>, vector<16xi32>], vector<16xf32>,
      %add3A_350 = arith.constant 0 : i32
      %add3A_351 = vector.broadcast %add3A_350 : i32 to vector<16xi32>
      %add3A_352 = arith.addi %mul3A_342, %add3A_351 : vector<16xi32>
      tpu.vector_store_idx %arg12[%add3A_352], %gather3A_349 {add = true} : memref<40000xf32, #tpu.memory_space<vmem>>[vector<16xi32>], vector<16xf32>,
      %broadcast_in_dim3A_353 = arith.constant 1 : i32
      %broadcast_in_dim3A_354 = vector.broadcast %broadcast_in_dim3A_353 : i32 to vector<16xi32>
      %gather3A_355 = tpu.vector_load_idx %arg11[%add3A_346, %broadcast_in_dim3A_354] : memref<128x4xf32, #tpu.memory_space<vmem>>[vector<16xi32>, vector<16xi32>], vector<16xf32>,
      %add3A_356 = arith.constant 1 : i32
      %add3A_357 = vector.broadcast %add3A_356 : i32 to vector<16xi32>
      %add3A_358 = arith.addi %mul3A_342, %add3A_357 : vector<16xi32>
      tpu.vector_store_idx %arg12[%add3A_358], %gather3A_355 {add = true} : memref<40000xf32, #tpu.memory_space<vmem>>[vector<16xi32>], vector<16xf32>,
      %broadcast_in_dim3A_359 = arith.constant 2 : i32
      %broadcast_in_dim3A_360 = vector.broadcast %broadcast_in_dim3A_359 : i32 to vector<16xi32>
      %gather3A_361 = tpu.vector_load_idx %arg11[%add3A_346, %broadcast_in_dim3A_360] : memref<128x4xf32, #tpu.memory_space<vmem>>[vector<16xi32>, vector<16xi32>], vector<16xf32>,
      %add3A_362 = arith.constant 2 : i32
      %add3A_363 = vector.broadcast %add3A_362 : i32 to vector<16xi32>
      %add3A_364 = arith.addi %mul3A_342, %add3A_363 : vector<16xi32>
      tpu.vector_store_idx %arg12[%add3A_364], %gather3A_361 {add = true} : memref<40000xf32, #tpu.memory_space<vmem>>[vector<16xi32>], vector<16xf32>,
      %get3A_365 = arith.constant 80 : index
      %get3A_366 = tpu.vector_load %arg9[%get3A_365] {strides = array<i32>} : memref<128xi32, #tpu.memory_space<vmem>>, vector<16xi32>,
      %mul3A_367 = arith.constant 4 : i32
      %mul3A_368 = vector.broadcast %mul3A_367 : i32 to vector<16xi32>
      %mul3A_369 = arith.muli %get3A_366, %mul3A_368 : vector<16xi32>
      %iota3A_370 = tpu.iota {dimensions = array<i32: 0>} : vector<16xi32>
      %add3A_371 = arith.constant 80 : i32
      %add3A_372 = vector.broadcast %add3A_371 : i32 to vector<16xi32>
      %add3A_373 = arith.addi %iota3A_370, %add3A_372 : vector<16xi32>
      %broadcast_in_dim3A_374 = arith.constant 0 : i32
      %broadcast_in_dim3A_375 = vector.broadcast %broadcast_in_dim3A_374 : i32 to vector<16xi32>
      %gather3A_376 = tpu.vector_load_idx %arg11[%add3A_373, %broadcast_in_dim3A_375] : memref<128x4xf32, #tpu.memory_space<vmem>>[vector<16xi32>, vector<16xi32>], vector<16xf32>,
      %add3A_377 = arith.constant 0 : i32
      %add3A_378 = vector.broadcast %add3A_377 : i32 to vector<16xi32>
      %add3A_379 = arith.addi %mul3A_369, %add3A_378 : vector<16xi32>
      tpu.vector_store_idx %arg12[%add3A_379], %gather3A_376 {add = true} : memref<40000xf32, #tpu.memory_space<vmem>>[vector<16xi32>], vector<16xf32>,
      %broadcast_in_dim3A_380 = arith.constant 1 : i32
      %broadcast_in_dim3A_381 = vector.broadcast %broadcast_in_dim3A_380 : i32 to vector<16xi32>
      %gather3A_382 = tpu.vector_load_idx %arg11[%add3A_373, %broadcast_in_dim3A_381] : memref<128x4xf32, #tpu.memory_space<vmem>>[vector<16xi32>, vector<16xi32>], vector<16xf32>,
      %add3A_383 = arith.constant 1 : i32
      %add3A_384 = vector.broadcast %add3A_383 : i32 to vector<16xi32>
      %add3A_385 = arith.addi %mul3A_369, %add3A_384 : vector<16xi32>
      tpu.vector_store_idx %arg12[%add3A_385], %gather3A_382 {add = true} : memref<40000xf32, #tpu.memory_space<vmem>>[vector<16xi32>], vector<16xf32>,
      %broadcast_in_dim3A_386 = arith.constant 2 : i32
      %broadcast_in_dim3A_387 = vector.broadcast %broadcast_in_dim3A_386 : i32 to vector<16xi32>
      %gather3A_388 = tpu.vector_load_idx %arg11[%add3A_373, %broadcast_in_dim3A_387] : memref<128x4xf32, #tpu.memory_space<vmem>>[vector<16xi32>, vector<16xi32>], vector<16xf32>,
      %add3A_389 = arith.constant 2 : i32
      %add3A_390 = vector.broadcast %add3A_389 : i32 to vector<16xi32>
      %add3A_391 = arith.addi %mul3A_369, %add3A_390 : vector<16xi32>
      tpu.vector_store_idx %arg12[%add3A_391], %gather3A_388 {add = true} : memref<40000xf32, #tpu.memory_space<vmem>>[vector<16xi32>], vector<16xf32>,
      %get3A_392 = arith.constant 96 : index
      %get3A_393 = tpu.vector_load %arg9[%get3A_392] {strides = array<i32>} : memref<128xi32, #tpu.memory_space<vmem>>, vector<16xi32>,
      %mul3A_394 = arith.constant 4 : i32
      %mul3A_395 = vector.broadcast %mul3A_394 : i32 to vector<16xi32>
      %mul3A_396 = arith.muli %get3A_393, %mul3A_395 : vector<16xi32>
      %iota3A_397 = tpu.iota {dimensions = array<i32: 0>} : vector<16xi32>
      %add3A_398 = arith.constant 96 : i32
      %add3A_399 = vector.broadcast %add3A_398 : i32 to vector<16xi32>
      %add3A_400 = arith.addi %iota3A_397, %add3A_399 : vector<16xi32>
      %broadcast_in_dim3A_401 = arith.constant 0 : i32
      %broadcast_in_dim3A_402 = vector.broadcast %broadcast_in_dim3A_401 : i32 to vector<16xi32>
      %gather3A_403 = tpu.vector_load_idx %arg11[%add3A_400, %broadcast_in_dim3A_402] : memref<128x4xf32, #tpu.memory_space<vmem>>[vector<16xi32>, vector<16xi32>], vector<16xf32>,
      %add3A_404 = arith.constant 0 : i32
      %add3A_405 = vector.broadcast %add3A_404 : i32 to vector<16xi32>
      %add3A_406 = arith.addi %mul3A_396, %add3A_405 : vector<16xi32>
      tpu.vector_store_idx %arg12[%add3A_406], %gather3A_403 {add = true} : memref<40000xf32, #tpu.memory_space<vmem>>[vector<16xi32>], vector<16xf32>,
      %broadcast_in_dim3A_407 = arith.constant 1 : i32
      %broadcast_in_dim3A_408 = vector.broadcast %broadcast_in_dim3A_407 : i32 to vector<16xi32>
      %gather3A_409 = tpu.vector_load_idx %arg11[%add3A_400, %broadcast_in_dim3A_408] : memref<128x4xf32, #tpu.memory_space<vmem>>[vector<16xi32>, vector<16xi32>], vector<16xf32>,
      %add3A_410 = arith.constant 1 : i32
      %add3A_411 = vector.broadcast %add3A_410 : i32 to vector<16xi32>
      %add3A_412 = arith.addi %mul3A_396, %add3A_411 : vector<16xi32>
      tpu.vector_store_idx %arg12[%add3A_412], %gather3A_409 {add = true} : memref<40000xf32, #tpu.memory_space<vmem>>[vector<16xi32>], vector<16xf32>,
      %broadcast_in_dim3A_413 = arith.constant 2 : i32
      %broadcast_in_dim3A_414 = vector.broadcast %broadcast_in_dim3A_413 : i32 to vector<16xi32>
      %gather3A_415 = tpu.vector_load_idx %arg11[%add3A_400, %broadcast_in_dim3A_414] : memref<128x4xf32, #tpu.memory_space<vmem>>[vector<16xi32>, vector<16xi32>], vector<16xf32>,
      %add3A_416 = arith.constant 2 : i32
      %add3A_417 = vector.broadcast %add3A_416 : i32 to vector<16xi32>
      %add3A_418 = arith.addi %mul3A_396, %add3A_417 : vector<16xi32>
      tpu.vector_store_idx %arg12[%add3A_418], %gather3A_415 {add = true} : memref<40000xf32, #tpu.memory_space<vmem>>[vector<16xi32>], vector<16xf32>,
      %get3A_419 = arith.constant 112 : index
      %get3A_420 = tpu.vector_load %arg9[%get3A_419] {strides = array<i32>} : memref<128xi32, #tpu.memory_space<vmem>>, vector<16xi32>,
      %mul3A_421 = arith.constant 4 : i32
      %mul3A_422 = vector.broadcast %mul3A_421 : i32 to vector<16xi32>
      %mul3A_423 = arith.muli %get3A_420, %mul3A_422 : vector<16xi32>
      %iota3A_424 = tpu.iota {dimensions = array<i32: 0>} : vector<16xi32>
      %add3A_425 = arith.constant 112 : i32
      %add3A_426 = vector.broadcast %add3A_425 : i32 to vector<16xi32>
      %add3A_427 = arith.addi %iota3A_424, %add3A_426 : vector<16xi32>
      %broadcast_in_dim3A_428 = arith.constant 0 : i32
      %broadcast_in_dim3A_429 = vector.broadcast %broadcast_in_dim3A_428 : i32 to vector<16xi32>
      %gather3A_430 = tpu.vector_load_idx %arg11[%add3A_427, %broadcast_in_dim3A_429] : memref<128x4xf32, #tpu.memory_space<vmem>>[vector<16xi32>, vector<16xi32>], vector<16xf32>,
      %add3A_431 = arith.constant 0 : i32
      %add3A_432 = vector.broadcast %add3A_431 : i32 to vector<16xi32>
      %add3A_433 = arith.addi %mul3A_423, %add3A_432 : vector<16xi32>
      tpu.vector_store_idx %arg12[%add3A_433], %gather3A_430 {add = true} : memref<40000xf32, #tpu.memory_space<vmem>>[vector<16xi32>], vector<16xf32>,
      %broadcast_in_dim3A_434 = arith.constant 1 : i32
      %broadcast_in_dim3A_435 = vector.broadcast %broadcast_in_dim3A_434 : i32 to vector<16xi32>
      %gather3A_436 = tpu.vector_load_idx %arg11[%add3A_427, %broadcast_in_dim3A_435] : memref<128x4xf32, #tpu.memory_space<vmem>>[vector<16xi32>, vector<16xi32>], vector<16xf32>,
      %add3A_437 = arith.constant 1 : i32
      %add3A_438 = vector.broadcast %add3A_437 : i32 to vector<16xi32>
      %add3A_439 = arith.addi %mul3A_423, %add3A_438 : vector<16xi32>
      tpu.vector_store_idx %arg12[%add3A_439], %gather3A_436 {add = true} : memref<40000xf32, #tpu.memory_space<vmem>>[vector<16xi32>], vector<16xf32>,
      %broadcast_in_dim3A_440 = arith.constant 2 : i32
      %broadcast_in_dim3A_441 = vector.broadcast %broadcast_in_dim3A_440 : i32 to vector<16xi32>
      %gather3A_442 = tpu.vector_load_idx %arg11[%add3A_427, %broadcast_in_dim3A_441] : memref<128x4xf32, #tpu.memory_space<vmem>>[vector<16xi32>, vector<16xi32>], vector<16xf32>,
      %add3A_443 = arith.constant 2 : i32
      %add3A_444 = vector.broadcast %add3A_443 : i32 to vector<16xi32>
      %add3A_445 = arith.addi %mul3A_423, %add3A_444 : vector<16xi32>
      tpu.vector_store_idx %arg12[%add3A_445], %gather3A_442 {add = true} : memref<40000xf32, #tpu.memory_space<vmem>>[vector<16xi32>], vector<16xf32>,
    }
    %scan3A_7 = arith.constant 40 : i32
    "tpu.region"() ({
      %run_scoped3A = tpu.sem_alloc : memref<!tpu.dma_semaphore, #tpu.memory_space<semaphore_mem>>
      %dma_start3A = arith.constant 0 : i32
      %dma_start3A_8 = tpu.memref_slice %arg7[%add3A, %dma_start3A] : memref<32x40000xf32, #tpu.memory_space<hbm>> -> memref<1x40000xf32, #tpu.memory_space<hbm>>
      %dma_start3A_9 = tpu.memref_squeeze %dma_start3A_8 : memref<1x40000xf32, #tpu.memory_space<hbm>> -> memref<40000xf32, #tpu.memory_space<hbm>>
      %dma_start3A_10 = arith.constant 0 : i32
      %dma_start3A_11 = tpu.memref_slice %arg7[%add3A, %dma_start3A_10] : memref<32x40000xf32, #tpu.memory_space<hbm>> -> memref<1x40000xf32, #tpu.memory_space<hbm>>
      %dma_start3A_12 = tpu.memref_squeeze %dma_start3A_11 : memref<1x40000xf32, #tpu.memory_space<hbm>> -> memref<40000xf32, #tpu.memory_space<hbm>>
      tpu.enqueue_dma source(%arg12 : memref<40000xf32, #tpu.memory_space<vmem>>) target(%dma_start3A_12 : memref<40000xf32, #tpu.memory_space<hbm>>) target_semaphore(%run_scoped3A : memref<!tpu.dma_semaphore, #tpu.memory_space<semaphore_mem>>)
      %dma_wait3A = arith.constant 0 : i32
      %dma_wait3A_13 = tpu.memref_slice %arg7[%add3A, %dma_wait3A] : memref<32x40000xf32, #tpu.memory_space<hbm>> -> memref<1x40000xf32, #tpu.memory_space<hbm>>
      %dma_wait3A_14 = tpu.memref_squeeze %dma_wait3A_13 : memref<1x40000xf32, #tpu.memory_space<hbm>> -> memref<40000xf32, #tpu.memory_space<hbm>>
      %dma_wait3A_15 = arith.constant 0 : i32
      %dma_wait3A_16 = tpu.memref_slice %arg7[%add3A, %dma_wait3A_15] : memref<32x40000xf32, #tpu.memory_space<hbm>> -> memref<1x40000xf32, #tpu.memory_space<hbm>>
      %dma_wait3A_17 = tpu.memref_squeeze %dma_wait3A_16 : memref<1x40000xf32, #tpu.memory_space<hbm>> -> memref<40000xf32, #tpu.memory_space<hbm>>
      tpu.wait_dma2 semaphore(%run_scoped3A : memref<!tpu.dma_semaphore, #tpu.memory_space<semaphore_mem>>) src(%arg12 : memref<40000xf32, #tpu.memory_space<vmem>>) dst(%dma_wait3A_17 : memref<40000xf32, #tpu.memory_space<hbm>>)
      tpu.yield
    }) : () -> ()
    return
  }
}

#map = affine_map<(d0, d1) -> (0, 0)>
module attributes {stable_mosaic.version = 14 : i64} {
  func.func @gather_kernel(%arg0: i32, %arg1: i32, %arg2: memref<10000x128xf32, #tpu.memory_space<hbm>>, %arg3: memref<10000x128xf32, #tpu.memory_space<hbm>>, %arg4: memref<1280x128xi32, #tpu.memory_space<hbm>>, %arg5: memref<1280x128xi32, #tpu.memory_space<hbm>>, %arg6: memref<163840x128xf32, #tpu.memory_space<hbm>>, %arg7: memref<56x128xi32, #tpu.memory_space<vmem>>, %arg8: memref<56x128xi32, #tpu.memory_space<vmem>>, %arg9: memref<2x128x128xf32, #tpu.memory_space<vmem>>, %arg10: memref<2x128x128xf32, #tpu.memory_space<vmem>>, %arg11: memref<!tpu.dma_semaphore, #tpu.memory_space<semaphore_mem>>, %arg12: memref<!tpu.dma_semaphore, #tpu.memory_space<semaphore_mem>>, %arg13: memref<!tpu.dma_semaphore, #tpu.memory_space<semaphore_mem>>, %arg14: memref<!tpu.dma_semaphore, #tpu.memory_space<semaphore_mem>>) attributes {dimension_semantics = [#tpu.dimension_semantics<core_parallel>, #tpu.dimension_semantics<subcore_parallel>], iteration_bounds = array<i64: 2, 16>, scalar_prefetch = 0 : i64, scratch_operands = 8 : i64, tpu.core_type = #tpu.core_type<sc_vector_subcore>, window_params = [{transform_indices = #map}, {transform_indices = #map}, {transform_indices = #map}, {transform_indices = #map}, {transform_indices = #map}]} {
    %eq3A = arith.constant 1 : i32
    %eq3A_0 = arith.cmpi eq, %arg0, %eq3A : i32
    %mul3A = arith.constant 24 : i32
    %mul3A_1 = arith.muli %arg1, %mul3A : i32
    %mul3A_2 = arith.constant 56 : i32
    %mul3A_3 = arith.muli %arg1, %mul3A_2 : i32
    %add3A = arith.constant 384 : i32
    %add3A_4 = arith.addi %add3A, %mul3A_3 : i32
    %select_n3A = arith.select %eq3A_0, %mul3A_1, %add3A_4 : i32
    %eq3A_5 = arith.constant 1 : i32
    %eq3A_6 = arith.cmpi eq, %arg0, %eq3A_5 : i32
    %jit3A = arith.constant 12 : i32
    %jit3A_7 = arith.constant 28 : i32
    %select_n3A_8 = arith.select %eq3A_6, %jit3A, %jit3A_7 : i32
    "tpu.region"() ({
      %run_scoped3A = tpu.sem_alloc : memref<!tpu.dma_semaphore, #tpu.memory_space<semaphore_mem>>
      %dma_start3A = arith.constant 0 : i32
      %dma_start3A_18 = tpu.memref_slice %arg4[%select_n3A, %dma_start3A] : memref<1280x128xi32, #tpu.memory_space<hbm>> -> memref<56x128xi32, #tpu.memory_space<hbm>>
      %dma_start3A_19 = arith.constant 0 : i32
      %dma_start3A_20 = tpu.memref_slice %arg4[%select_n3A, %dma_start3A_19] : memref<1280x128xi32, #tpu.memory_space<hbm>> -> memref<56x128xi32, #tpu.memory_space<hbm>>
      tpu.enqueue_dma source(%dma_start3A_20 : memref<56x128xi32, #tpu.memory_space<hbm>>) target(%arg7 : memref<56x128xi32, #tpu.memory_space<vmem>>) target_semaphore(%run_scoped3A : memref<!tpu.dma_semaphore, #tpu.memory_space<semaphore_mem>>)
      %dma_wait3A = arith.constant 0 : i32
      %dma_wait3A_21 = tpu.memref_slice %arg4[%select_n3A, %dma_wait3A] : memref<1280x128xi32, #tpu.memory_space<hbm>> -> memref<56x128xi32, #tpu.memory_space<hbm>>
      %dma_wait3A_22 = arith.constant 0 : i32
      %dma_wait3A_23 = tpu.memref_slice %arg4[%select_n3A, %dma_wait3A_22] : memref<1280x128xi32, #tpu.memory_space<hbm>> -> memref<56x128xi32, #tpu.memory_space<hbm>>
      tpu.wait_dma2 semaphore(%run_scoped3A : memref<!tpu.dma_semaphore, #tpu.memory_space<semaphore_mem>>) src(%dma_wait3A_23 : memref<56x128xi32, #tpu.memory_space<hbm>>) dst(%arg7 : memref<56x128xi32, #tpu.memory_space<vmem>>)
      tpu.yield
    }) : () -> ()
    "tpu.region"() ({
      %run_scoped3A = tpu.sem_alloc : memref<!tpu.dma_semaphore, #tpu.memory_space<semaphore_mem>>
      %dma_start3A = arith.constant 0 : i32
      %dma_start3A_18 = tpu.memref_slice %arg5[%select_n3A, %dma_start3A] : memref<1280x128xi32, #tpu.memory_space<hbm>> -> memref<56x128xi32, #tpu.memory_space<hbm>>
      %dma_start3A_19 = arith.constant 0 : i32
      %dma_start3A_20 = tpu.memref_slice %arg5[%select_n3A, %dma_start3A_19] : memref<1280x128xi32, #tpu.memory_space<hbm>> -> memref<56x128xi32, #tpu.memory_space<hbm>>
      tpu.enqueue_dma source(%dma_start3A_20 : memref<56x128xi32, #tpu.memory_space<hbm>>) target(%arg8 : memref<56x128xi32, #tpu.memory_space<vmem>>) target_semaphore(%run_scoped3A : memref<!tpu.dma_semaphore, #tpu.memory_space<semaphore_mem>>)
      %dma_wait3A = arith.constant 0 : i32
      %dma_wait3A_21 = tpu.memref_slice %arg5[%select_n3A, %dma_wait3A] : memref<1280x128xi32, #tpu.memory_space<hbm>> -> memref<56x128xi32, #tpu.memory_space<hbm>>
      %dma_wait3A_22 = arith.constant 0 : i32
      %dma_wait3A_23 = tpu.memref_slice %arg5[%select_n3A, %dma_wait3A_22] : memref<1280x128xi32, #tpu.memory_space<hbm>> -> memref<56x128xi32, #tpu.memory_space<hbm>>
      tpu.wait_dma2 semaphore(%run_scoped3A : memref<!tpu.dma_semaphore, #tpu.memory_space<semaphore_mem>>) src(%dma_wait3A_23 : memref<56x128xi32, #tpu.memory_space<hbm>>) dst(%arg8 : memref<56x128xi32, #tpu.memory_space<vmem>>)
      tpu.yield
    }) : () -> ()
    %while3A = arith.constant 0 : i32
    %while3A_9 = arith.constant 0 : i32
    %while3A_10 = arith.subi %select_n3A_8, %while3A_9 : i32
    %while3A_11 = arith.addi %while3A_9, %while3A_10 : i32
    %while3A_12 = arith.constant 1 : i32
    %while3A_13 = arith.divsi %while3A_10, %while3A_12 : i32
    %while3A_14 = arith.muli %while3A_13, %while3A_12 : i32
    %while3A_15 = arith.addi %while3A_9, %while3A_14 : i32
    %while3A_16 = arith.constant 1 : i32
    scf.for %while3A_18 = %while3A_9 to %while3A_15 step %while3A_16  : i32 {
      %mul3A_19 = arith.constant 2 : i32
      %mul3A_20 = arith.muli %while3A_18, %mul3A_19 : i32
      %add3A_21 = arith.constant 1 : i32
      %add3A_22 = arith.addi %mul3A_20, %add3A_21 : i32
      %dma_start3A = arith.constant 0 : i32
      %dma_start3A_23 = arith.constant 0 : i32
      %dma_start3A_24 = arith.constant 0 : i32
      %dma_start3A_25 = tpu.memref_slice %arg9[%dma_start3A, %dma_start3A_23, %dma_start3A_24] : memref<2x128x128xf32, #tpu.memory_space<vmem>> -> memref<1x128x128xf32, #tpu.memory_space<vmem>>
      %dma_start3A_26 = tpu.memref_squeeze %dma_start3A_25 : memref<1x128x128xf32, #tpu.memory_space<vmem>> -> memref<128x128xf32, #tpu.memory_space<vmem>>
      %dma_start3A_27 = arith.constant 0 : i32
      %dma_start3A_28 = tpu.memref_slice %arg7[%mul3A_20, %dma_start3A_27] : memref<56x128xi32, #tpu.memory_space<vmem>> -> memref<1x128xi32, #tpu.memory_space<vmem>>
      %dma_start3A_29 = tpu.memref_squeeze %dma_start3A_28 : memref<1x128xi32, #tpu.memory_space<vmem>> -> memref<128xi32, #tpu.memory_space<vmem>>
      %dma_start3A_30 = arith.constant 0 : i32
      %dma_start3A_31 = arith.constant 0 : i32
      %dma_start3A_32 = tpu.memref_slice %arg2[%dma_start3A_30, %dma_start3A_31] : memref<10000x128xf32, #tpu.memory_space<hbm>> -> memref<10000x128xf32, #tpu.memory_space<hbm>>
      tpu.enqueue_indirect_dma source(%dma_start3A_32 : memref<10000x128xf32, #tpu.memory_space<hbm>>) target(%dma_start3A_26 : memref<128x128xf32, #tpu.memory_space<vmem>>) offsets(%dma_start3A_29 : memref<128xi32, #tpu.memory_space<vmem>>) semaphore(%arg11 : memref<!tpu.dma_semaphore, #tpu.memory_space<semaphore_mem>>)
      %dma_start3A_33 = arith.constant 0 : i32
      %dma_start3A_34 = arith.constant 0 : i32
      %dma_start3A_35 = arith.constant 0 : i32
      %dma_start3A_36 = tpu.memref_slice %arg10[%dma_start3A_33, %dma_start3A_34, %dma_start3A_35] : memref<2x128x128xf32, #tpu.memory_space<vmem>> -> memref<1x128x128xf32, #tpu.memory_space<vmem>>
      %dma_start3A_37 = tpu.memref_squeeze %dma_start3A_36 : memref<1x128x128xf32, #tpu.memory_space<vmem>> -> memref<128x128xf32, #tpu.memory_space<vmem>>
      %dma_start3A_38 = arith.constant 0 : i32
      %dma_start3A_39 = tpu.memref_slice %arg8[%mul3A_20, %dma_start3A_38] : memref<56x128xi32, #tpu.memory_space<vmem>> -> memref<1x128xi32, #tpu.memory_space<vmem>>
      %dma_start3A_40 = tpu.memref_squeeze %dma_start3A_39 : memref<1x128xi32, #tpu.memory_space<vmem>> -> memref<128xi32, #tpu.memory_space<vmem>>
      %dma_start3A_41 = arith.constant 0 : i32
      %dma_start3A_42 = arith.constant 0 : i32
      %dma_start3A_43 = tpu.memref_slice %arg3[%dma_start3A_41, %dma_start3A_42] : memref<10000x128xf32, #tpu.memory_space<hbm>> -> memref<10000x128xf32, #tpu.memory_space<hbm>>
      tpu.enqueue_indirect_dma source(%dma_start3A_43 : memref<10000x128xf32, #tpu.memory_space<hbm>>) target(%dma_start3A_37 : memref<128x128xf32, #tpu.memory_space<vmem>>) offsets(%dma_start3A_40 : memref<128xi32, #tpu.memory_space<vmem>>) semaphore(%arg11 : memref<!tpu.dma_semaphore, #tpu.memory_space<semaphore_mem>>)
      %dma_start3A_44 = arith.constant 1 : i32
      %dma_start3A_45 = arith.constant 0 : i32
      %dma_start3A_46 = arith.constant 0 : i32
      %dma_start3A_47 = tpu.memref_slice %arg9[%dma_start3A_44, %dma_start3A_45, %dma_start3A_46] : memref<2x128x128xf32, #tpu.memory_space<vmem>> -> memref<1x128x128xf32, #tpu.memory_space<vmem>>
      %dma_start3A_48 = tpu.memref_squeeze %dma_start3A_47 : memref<1x128x128xf32, #tpu.memory_space<vmem>> -> memref<128x128xf32, #tpu.memory_space<vmem>>
      %dma_start3A_49 = arith.constant 0 : i32
      %dma_start3A_50 = tpu.memref_slice %arg7[%add3A_22, %dma_start3A_49] : memref<56x128xi32, #tpu.memory_space<vmem>> -> memref<1x128xi32, #tpu.memory_space<vmem>>
      %dma_start3A_51 = tpu.memref_squeeze %dma_start3A_50 : memref<1x128xi32, #tpu.memory_space<vmem>> -> memref<128xi32, #tpu.memory_space<vmem>>
      %dma_start3A_52 = arith.constant 0 : i32
      %dma_start3A_53 = arith.constant 0 : i32
      %dma_start3A_54 = tpu.memref_slice %arg2[%dma_start3A_52, %dma_start3A_53] : memref<10000x128xf32, #tpu.memory_space<hbm>> -> memref<10000x128xf32, #tpu.memory_space<hbm>>
      tpu.enqueue_indirect_dma source(%dma_start3A_54 : memref<10000x128xf32, #tpu.memory_space<hbm>>) target(%dma_start3A_48 : memref<128x128xf32, #tpu.memory_space<vmem>>) offsets(%dma_start3A_51 : memref<128xi32, #tpu.memory_space<vmem>>) semaphore(%arg12 : memref<!tpu.dma_semaphore, #tpu.memory_space<semaphore_mem>>)
      %dma_start3A_55 = arith.constant 1 : i32
      %dma_start3A_56 = arith.constant 0 : i32
      %dma_start3A_57 = arith.constant 0 : i32
      %dma_start3A_58 = tpu.memref_slice %arg10[%dma_start3A_55, %dma_start3A_56, %dma_start3A_57] : memref<2x128x128xf32, #tpu.memory_space<vmem>> -> memref<1x128x128xf32, #tpu.memory_space<vmem>>
      %dma_start3A_59 = tpu.memref_squeeze %dma_start3A_58 : memref<1x128x128xf32, #tpu.memory_space<vmem>> -> memref<128x128xf32, #tpu.memory_space<vmem>>
      %dma_start3A_60 = arith.constant 0 : i32
      %dma_start3A_61 = tpu.memref_slice %arg8[%add3A_22, %dma_start3A_60] : memref<56x128xi32, #tpu.memory_space<vmem>> -> memref<1x128xi32, #tpu.memory_space<vmem>>
      %dma_start3A_62 = tpu.memref_squeeze %dma_start3A_61 : memref<1x128xi32, #tpu.memory_space<vmem>> -> memref<128xi32, #tpu.memory_space<vmem>>
      %dma_start3A_63 = arith.constant 0 : i32
      %dma_start3A_64 = arith.constant 0 : i32
      %dma_start3A_65 = tpu.memref_slice %arg3[%dma_start3A_63, %dma_start3A_64] : memref<10000x128xf32, #tpu.memory_space<hbm>> -> memref<10000x128xf32, #tpu.memory_space<hbm>>
      tpu.enqueue_indirect_dma source(%dma_start3A_65 : memref<10000x128xf32, #tpu.memory_space<hbm>>) target(%dma_start3A_59 : memref<128x128xf32, #tpu.memory_space<vmem>>) offsets(%dma_start3A_62 : memref<128xi32, #tpu.memory_space<vmem>>) semaphore(%arg12 : memref<!tpu.dma_semaphore, #tpu.memory_space<semaphore_mem>>)
      %add3A_66 = arith.addi %select_n3A, %mul3A_20 : i32
      %mul3A_67 = arith.constant 128 : i32
      %mul3A_68 = arith.muli %add3A_66, %mul3A_67 : i32
      %multiple_of3A = tpu.assume_multiple %mul3A_68, 128 : i32
      %dma_wait3A = arith.constant 0 : i32
      %dma_wait3A_69 = arith.constant 0 : i32
      %dma_wait3A_70 = arith.constant 0 : i32
      %dma_wait3A_71 = tpu.memref_slice %arg9[%dma_wait3A, %dma_wait3A_69, %dma_wait3A_70] : memref<2x128x128xf32, #tpu.memory_space<vmem>> -> memref<1x128x128xf32, #tpu.memory_space<vmem>>
      %dma_wait3A_72 = tpu.memref_squeeze %dma_wait3A_71 : memref<1x128x128xf32, #tpu.memory_space<vmem>> -> memref<128x128xf32, #tpu.memory_space<vmem>>
      %dma_wait3A_73 = arith.constant 0 : i32
      %dma_wait3A_74 = tpu.memref_slice %arg7[%mul3A_20, %dma_wait3A_73] : memref<56x128xi32, #tpu.memory_space<vmem>> -> memref<1x128xi32, #tpu.memory_space<vmem>>
      %dma_wait3A_75 = tpu.memref_squeeze %dma_wait3A_74 : memref<1x128xi32, #tpu.memory_space<vmem>> -> memref<128xi32, #tpu.memory_space<vmem>>
      %dma_wait3A_76 = arith.constant 0 : i32
      %dma_wait3A_77 = arith.constant 0 : i32
      %dma_wait3A_78 = tpu.memref_slice %arg2[%dma_wait3A_76, %dma_wait3A_77] : memref<10000x128xf32, #tpu.memory_space<hbm>> -> memref<10000x128xf32, #tpu.memory_space<hbm>>
      tpu.wait_indirect_dma semaphore(%arg11 : memref<!tpu.dma_semaphore, #tpu.memory_space<semaphore_mem>>) src(%dma_wait3A_78 : memref<10000x128xf32, #tpu.memory_space<hbm>>) dst(%dma_wait3A_72 : memref<128x128xf32, #tpu.memory_space<vmem>>)
      %dma_wait3A_79 = arith.constant 0 : i32
      %dma_wait3A_80 = arith.constant 0 : i32
      %dma_wait3A_81 = arith.constant 0 : i32
      %dma_wait3A_82 = tpu.memref_slice %arg10[%dma_wait3A_79, %dma_wait3A_80, %dma_wait3A_81] : memref<2x128x128xf32, #tpu.memory_space<vmem>> -> memref<1x128x128xf32, #tpu.memory_space<vmem>>
      %dma_wait3A_83 = tpu.memref_squeeze %dma_wait3A_82 : memref<1x128x128xf32, #tpu.memory_space<vmem>> -> memref<128x128xf32, #tpu.memory_space<vmem>>
      %dma_wait3A_84 = arith.constant 0 : i32
      %dma_wait3A_85 = tpu.memref_slice %arg8[%mul3A_20, %dma_wait3A_84] : memref<56x128xi32, #tpu.memory_space<vmem>> -> memref<1x128xi32, #tpu.memory_space<vmem>>
      %dma_wait3A_86 = tpu.memref_squeeze %dma_wait3A_85 : memref<1x128xi32, #tpu.memory_space<vmem>> -> memref<128xi32, #tpu.memory_space<vmem>>
      %dma_wait3A_87 = arith.constant 0 : i32
      %dma_wait3A_88 = arith.constant 0 : i32
      %dma_wait3A_89 = tpu.memref_slice %arg3[%dma_wait3A_87, %dma_wait3A_88] : memref<10000x128xf32, #tpu.memory_space<hbm>> -> memref<10000x128xf32, #tpu.memory_space<hbm>>
      tpu.wait_indirect_dma semaphore(%arg11 : memref<!tpu.dma_semaphore, #tpu.memory_space<semaphore_mem>>) src(%dma_wait3A_89 : memref<10000x128xf32, #tpu.memory_space<hbm>>) dst(%dma_wait3A_83 : memref<128x128xf32, #tpu.memory_space<vmem>>)
      %scan3A = arith.constant 0 : i32
      %scan3A_90 = arith.constant 0 : i32
      %scan3A_91 = arith.constant 128 : i32
      %scan3A_92 = arith.addi %scan3A_90, %scan3A_91 : i32
      %scan3A_93 = arith.constant 1 : i32
      scf.for %scan3A_179 = %scan3A_90 to %scan3A_92 step %scan3A_93  : i32 {
        %get3A = arith.constant 0 : i32
        %get3A_180 = arith.index_cast %get3A : i32 to index
        %get3A_181 = arith.index_cast %scan3A_179 : i32 to index
        %get3A_182 = arith.constant 0 : index
        %get3A_183 = tpu.vector_load %arg9[%get3A_180, %get3A_181, %get3A_182] {strides = array<i32>} : memref<2x128x128xf32, #tpu.memory_space<vmem>>, vector<16xf32>,
        %get3A_184 = arith.constant 0 : i32
        %get3A_185 = arith.index_cast %get3A_184 : i32 to index
        %get3A_186 = arith.index_cast %scan3A_179 : i32 to index
        %get3A_187 = arith.constant 0 : index
        %get3A_188 = tpu.vector_load %arg10[%get3A_185, %get3A_186, %get3A_187] {strides = array<i32>} : memref<2x128x128xf32, #tpu.memory_space<vmem>>, vector<16xf32>,
        %add3A_189 = arith.addf %get3A_183, %get3A_188 : vector<16xf32>
        %swap3A = arith.constant 0 : i32
        %swap3A_190 = arith.index_cast %swap3A : i32 to index
        %swap3A_191 = arith.index_cast %scan3A_179 : i32 to index
        %swap3A_192 = arith.constant 0 : index
        %swap3A_193 = tpu.vector_load %arg9[%swap3A_190, %swap3A_191, %swap3A_192] {strides = array<i32>} : memref<2x128x128xf32, #tpu.memory_space<vmem>>, vector<16xf32>,
        tpu.vector_store %arg9[%swap3A_190, %swap3A_191, %swap3A_192], %add3A_189 {strides = array<i32>} : memref<2x128x128xf32, #tpu.memory_space<vmem>>, vector<16xf32>,
        %get3A_194 = arith.constant 0 : i32
        %get3A_195 = arith.index_cast %get3A_194 : i32 to index
        %get3A_196 = arith.index_cast %scan3A_179 : i32 to index
        %get3A_197 = arith.constant 16 : index
        %get3A_198 = tpu.vector_load %arg9[%get3A_195, %get3A_196, %get3A_197] {strides = array<i32>} : memref<2x128x128xf32, #tpu.memory_space<vmem>>, vector<16xf32>,
        %get3A_199 = arith.constant 0 : i32
        %get3A_200 = arith.index_cast %get3A_199 : i32 to index
        %get3A_201 = arith.index_cast %scan3A_179 : i32 to index
        %get3A_202 = arith.constant 16 : index
        %get3A_203 = tpu.vector_load %arg10[%get3A_200, %get3A_201, %get3A_202] {strides = array<i32>} : memref<2x128x128xf32, #tpu.memory_space<vmem>>, vector<16xf32>,
        %add3A_204 = arith.addf %get3A_198, %get3A_203 : vector<16xf32>
        %swap3A_205 = arith.constant 0 : i32
        %swap3A_206 = arith.index_cast %swap3A_205 : i32 to index
        %swap3A_207 = arith.index_cast %scan3A_179 : i32 to index
        %swap3A_208 = arith.constant 16 : index
        %swap3A_209 = tpu.vector_load %arg9[%swap3A_206, %swap3A_207, %swap3A_208] {strides = array<i32>} : memref<2x128x128xf32, #tpu.memory_space<vmem>>, vector<16xf32>,
        tpu.vector_store %arg9[%swap3A_206, %swap3A_207, %swap3A_208], %add3A_204 {strides = array<i32>} : memref<2x128x128xf32, #tpu.memory_space<vmem>>, vector<16xf32>,
        %get3A_210 = arith.constant 0 : i32
        %get3A_211 = arith.index_cast %get3A_210 : i32 to index
        %get3A_212 = arith.index_cast %scan3A_179 : i32 to index
        %get3A_213 = arith.constant 32 : index
        %get3A_214 = tpu.vector_load %arg9[%get3A_211, %get3A_212, %get3A_213] {strides = array<i32>} : memref<2x128x128xf32, #tpu.memory_space<vmem>>, vector<16xf32>,
        %get3A_215 = arith.constant 0 : i32
        %get3A_216 = arith.index_cast %get3A_215 : i32 to index
        %get3A_217 = arith.index_cast %scan3A_179 : i32 to index
        %get3A_218 = arith.constant 32 : index
        %get3A_219 = tpu.vector_load %arg10[%get3A_216, %get3A_217, %get3A_218] {strides = array<i32>} : memref<2x128x128xf32, #tpu.memory_space<vmem>>, vector<16xf32>,
        %add3A_220 = arith.addf %get3A_214, %get3A_219 : vector<16xf32>
        %swap3A_221 = arith.constant 0 : i32
        %swap3A_222 = arith.index_cast %swap3A_221 : i32 to index
        %swap3A_223 = arith.index_cast %scan3A_179 : i32 to index
        %swap3A_224 = arith.constant 32 : index
        %swap3A_225 = tpu.vector_load %arg9[%swap3A_222, %swap3A_223, %swap3A_224] {strides = array<i32>} : memref<2x128x128xf32, #tpu.memory_space<vmem>>, vector<16xf32>,
        tpu.vector_store %arg9[%swap3A_222, %swap3A_223, %swap3A_224], %add3A_220 {strides = array<i32>} : memref<2x128x128xf32, #tpu.memory_space<vmem>>, vector<16xf32>,
        %get3A_226 = arith.constant 0 : i32
        %get3A_227 = arith.index_cast %get3A_226 : i32 to index
        %get3A_228 = arith.index_cast %scan3A_179 : i32 to index
        %get3A_229 = arith.constant 48 : index
        %get3A_230 = tpu.vector_load %arg9[%get3A_227, %get3A_228, %get3A_229] {strides = array<i32>} : memref<2x128x128xf32, #tpu.memory_space<vmem>>, vector<16xf32>,
        %get3A_231 = arith.constant 0 : i32
        %get3A_232 = arith.index_cast %get3A_231 : i32 to index
        %get3A_233 = arith.index_cast %scan3A_179 : i32 to index
        %get3A_234 = arith.constant 48 : index
        %get3A_235 = tpu.vector_load %arg10[%get3A_232, %get3A_233, %get3A_234] {strides = array<i32>} : memref<2x128x128xf32, #tpu.memory_space<vmem>>, vector<16xf32>,
        %add3A_236 = arith.addf %get3A_230, %get3A_235 : vector<16xf32>
        %swap3A_237 = arith.constant 0 : i32
        %swap3A_238 = arith.index_cast %swap3A_237 : i32 to index
        %swap3A_239 = arith.index_cast %scan3A_179 : i32 to index
        %swap3A_240 = arith.constant 48 : index
        %swap3A_241 = tpu.vector_load %arg9[%swap3A_238, %swap3A_239, %swap3A_240] {strides = array<i32>} : memref<2x128x128xf32, #tpu.memory_space<vmem>>, vector<16xf32>,
        tpu.vector_store %arg9[%swap3A_238, %swap3A_239, %swap3A_240], %add3A_236 {strides = array<i32>} : memref<2x128x128xf32, #tpu.memory_space<vmem>>, vector<16xf32>,
        %get3A_242 = arith.constant 0 : i32
        %get3A_243 = arith.index_cast %get3A_242 : i32 to index
        %get3A_244 = arith.index_cast %scan3A_179 : i32 to index
        %get3A_245 = arith.constant 64 : index
        %get3A_246 = tpu.vector_load %arg9[%get3A_243, %get3A_244, %get3A_245] {strides = array<i32>} : memref<2x128x128xf32, #tpu.memory_space<vmem>>, vector<16xf32>,
        %get3A_247 = arith.constant 0 : i32
        %get3A_248 = arith.index_cast %get3A_247 : i32 to index
        %get3A_249 = arith.index_cast %scan3A_179 : i32 to index
        %get3A_250 = arith.constant 64 : index
        %get3A_251 = tpu.vector_load %arg10[%get3A_248, %get3A_249, %get3A_250] {strides = array<i32>} : memref<2x128x128xf32, #tpu.memory_space<vmem>>, vector<16xf32>,
        %add3A_252 = arith.addf %get3A_246, %get3A_251 : vector<16xf32>
        %swap3A_253 = arith.constant 0 : i32
        %swap3A_254 = arith.index_cast %swap3A_253 : i32 to index
        %swap3A_255 = arith.index_cast %scan3A_179 : i32 to index
        %swap3A_256 = arith.constant 64 : index
        %swap3A_257 = tpu.vector_load %arg9[%swap3A_254, %swap3A_255, %swap3A_256] {strides = array<i32>} : memref<2x128x128xf32, #tpu.memory_space<vmem>>, vector<16xf32>,
        tpu.vector_store %arg9[%swap3A_254, %swap3A_255, %swap3A_256], %add3A_252 {strides = array<i32>} : memref<2x128x128xf32, #tpu.memory_space<vmem>>, vector<16xf32>,
        %get3A_258 = arith.constant 0 : i32
        %get3A_259 = arith.index_cast %get3A_258 : i32 to index
        %get3A_260 = arith.index_cast %scan3A_179 : i32 to index
        %get3A_261 = arith.constant 80 : index
        %get3A_262 = tpu.vector_load %arg9[%get3A_259, %get3A_260, %get3A_261] {strides = array<i32>} : memref<2x128x128xf32, #tpu.memory_space<vmem>>, vector<16xf32>,
        %get3A_263 = arith.constant 0 : i32
        %get3A_264 = arith.index_cast %get3A_263 : i32 to index
        %get3A_265 = arith.index_cast %scan3A_179 : i32 to index
        %get3A_266 = arith.constant 80 : index
        %get3A_267 = tpu.vector_load %arg10[%get3A_264, %get3A_265, %get3A_266] {strides = array<i32>} : memref<2x128x128xf32, #tpu.memory_space<vmem>>, vector<16xf32>,
        %add3A_268 = arith.addf %get3A_262, %get3A_267 : vector<16xf32>
        %swap3A_269 = arith.constant 0 : i32
        %swap3A_270 = arith.index_cast %swap3A_269 : i32 to index
        %swap3A_271 = arith.index_cast %scan3A_179 : i32 to index
        %swap3A_272 = arith.constant 80 : index
        %swap3A_273 = tpu.vector_load %arg9[%swap3A_270, %swap3A_271, %swap3A_272] {strides = array<i32>} : memref<2x128x128xf32, #tpu.memory_space<vmem>>, vector<16xf32>,
        tpu.vector_store %arg9[%swap3A_270, %swap3A_271, %swap3A_272], %add3A_268 {strides = array<i32>} : memref<2x128x128xf32, #tpu.memory_space<vmem>>, vector<16xf32>,
        %get3A_274 = arith.constant 0 : i32
        %get3A_275 = arith.index_cast %get3A_274 : i32 to index
        %get3A_276 = arith.index_cast %scan3A_179 : i32 to index
        %get3A_277 = arith.constant 96 : index
        %get3A_278 = tpu.vector_load %arg9[%get3A_275, %get3A_276, %get3A_277] {strides = array<i32>} : memref<2x128x128xf32, #tpu.memory_space<vmem>>, vector<16xf32>,
        %get3A_279 = arith.constant 0 : i32
        %get3A_280 = arith.index_cast %get3A_279 : i32 to index
        %get3A_281 = arith.index_cast %scan3A_179 : i32 to index
        %get3A_282 = arith.constant 96 : index
        %get3A_283 = tpu.vector_load %arg10[%get3A_280, %get3A_281, %get3A_282] {strides = array<i32>} : memref<2x128x128xf32, #tpu.memory_space<vmem>>, vector<16xf32>,
        %add3A_284 = arith.addf %get3A_278, %get3A_283 : vector<16xf32>
        %swap3A_285 = arith.constant 0 : i32
        %swap3A_286 = arith.index_cast %swap3A_285 : i32 to index
        %swap3A_287 = arith.index_cast %scan3A_179 : i32 to index
        %swap3A_288 = arith.constant 96 : index
        %swap3A_289 = tpu.vector_load %arg9[%swap3A_286, %swap3A_287, %swap3A_288] {strides = array<i32>} : memref<2x128x128xf32, #tpu.memory_space<vmem>>, vector<16xf32>,
        tpu.vector_store %arg9[%swap3A_286, %swap3A_287, %swap3A_288], %add3A_284 {strides = array<i32>} : memref<2x128x128xf32, #tpu.memory_space<vmem>>, vector<16xf32>,
        %get3A_290 = arith.constant 0 : i32
        %get3A_291 = arith.index_cast %get3A_290 : i32 to index
        %get3A_292 = arith.index_cast %scan3A_179 : i32 to index
        %get3A_293 = arith.constant 112 : index
        %get3A_294 = tpu.vector_load %arg9[%get3A_291, %get3A_292, %get3A_293] {strides = array<i32>} : memref<2x128x128xf32, #tpu.memory_space<vmem>>, vector<16xf32>,
        %get3A_295 = arith.constant 0 : i32
        %get3A_296 = arith.index_cast %get3A_295 : i32 to index
        %get3A_297 = arith.index_cast %scan3A_179 : i32 to index
        %get3A_298 = arith.constant 112 : index
        %get3A_299 = tpu.vector_load %arg10[%get3A_296, %get3A_297, %get3A_298] {strides = array<i32>} : memref<2x128x128xf32, #tpu.memory_space<vmem>>, vector<16xf32>,
        %add3A_300 = arith.addf %get3A_294, %get3A_299 : vector<16xf32>
        %swap3A_301 = arith.constant 0 : i32
        %swap3A_302 = arith.index_cast %swap3A_301 : i32 to index
        %swap3A_303 = arith.index_cast %scan3A_179 : i32 to index
        %swap3A_304 = arith.constant 112 : index
        %swap3A_305 = tpu.vector_load %arg9[%swap3A_302, %swap3A_303, %swap3A_304] {strides = array<i32>} : memref<2x128x128xf32, #tpu.memory_space<vmem>>, vector<16xf32>,
        tpu.vector_store %arg9[%swap3A_302, %swap3A_303, %swap3A_304], %add3A_300 {strides = array<i32>} : memref<2x128x128xf32, #tpu.memory_space<vmem>>, vector<16xf32>,
      }
      %scan3A_94 = arith.constant 128 : i32
      %dma_start3A_95 = arith.constant 0 : i32
      %dma_start3A_96 = arith.constant 0 : i32
      %dma_start3A_97 = arith.constant 0 : i32
      %dma_start3A_98 = tpu.memref_slice %arg9[%dma_start3A_95, %dma_start3A_96, %dma_start3A_97] : memref<2x128x128xf32, #tpu.memory_space<vmem>> -> memref<1x128x128xf32, #tpu.memory_space<vmem>>
      %dma_start3A_99 = tpu.memref_squeeze %dma_start3A_98 : memref<1x128x128xf32, #tpu.memory_space<vmem>> -> memref<128x128xf32, #tpu.memory_space<vmem>>
      %dma_start3A_100 = arith.constant 0 : i32
      %dma_start3A_101 = tpu.memref_slice %arg6[%multiple_of3A, %dma_start3A_100] : memref<163840x128xf32, #tpu.memory_space<hbm>> -> memref<128x128xf32, #tpu.memory_space<hbm>>
      %dma_start3A_102 = arith.constant 0 : i32
      %dma_start3A_103 = tpu.memref_slice %arg6[%multiple_of3A, %dma_start3A_102] : memref<163840x128xf32, #tpu.memory_space<hbm>> -> memref<128x128xf32, #tpu.memory_space<hbm>>
      %dma_start3A_104 = arith.constant 0 : i32
      %dma_start3A_105 = arith.constant 0 : i32
      %dma_start3A_106 = tpu.memref_slice %arg9[%dma_start3A_95, %dma_start3A_104, %dma_start3A_105] : memref<2x128x128xf32, #tpu.memory_space<vmem>> -> memref<1x128x128xf32, #tpu.memory_space<vmem>>
      %dma_start3A_107 = tpu.memref_squeeze %dma_start3A_106 : memref<1x128x128xf32, #tpu.memory_space<vmem>> -> memref<128x128xf32, #tpu.memory_space<vmem>>
      tpu.enqueue_dma source(%dma_start3A_107 : memref<128x128xf32, #tpu.memory_space<vmem>>) target(%dma_start3A_103 : memref<128x128xf32, #tpu.memory_space<hbm>>) target_semaphore(%arg13 : memref<!tpu.dma_semaphore, #tpu.memory_space<semaphore_mem>>)
      %add3A_108 = arith.addi %select_n3A, %add3A_22 : i32
      %mul3A_109 = arith.constant 128 : i32
      %mul3A_110 = arith.muli %add3A_108, %mul3A_109 : i32
      %multiple_of3A_111 = tpu.assume_multiple %mul3A_110, 128 : i32
      %dma_wait3A_112 = arith.constant 1 : i32
      %dma_wait3A_113 = arith.constant 0 : i32
      %dma_wait3A_114 = arith.constant 0 : i32
      %dma_wait3A_115 = tpu.memref_slice %arg9[%dma_wait3A_112, %dma_wait3A_113, %dma_wait3A_114] : memref<2x128x128xf32, #tpu.memory_space<vmem>> -> memref<1x128x128xf32, #tpu.memory_space<vmem>>
      %dma_wait3A_116 = tpu.memref_squeeze %dma_wait3A_115 : memref<1x128x128xf32, #tpu.memory_space<vmem>> -> memref<128x128xf32, #tpu.memory_space<vmem>>
      %dma_wait3A_117 = arith.constant 0 : i32
      %dma_wait3A_118 = tpu.memref_slice %arg7[%add3A_22, %dma_wait3A_117] : memref<56x128xi32, #tpu.memory_space<vmem>> -> memref<1x128xi32, #tpu.memory_space<vmem>>
      %dma_wait3A_119 = tpu.memref_squeeze %dma_wait3A_118 : memref<1x128xi32, #tpu.memory_space<vmem>> -> memref<128xi32, #tpu.memory_space<vmem>>
      %dma_wait3A_120 = arith.constant 0 : i32
      %dma_wait3A_121 = arith.constant 0 : i32
      %dma_wait3A_122 = tpu.memref_slice %arg2[%dma_wait3A_120, %dma_wait3A_121] : memref<10000x128xf32, #tpu.memory_space<hbm>> -> memref<10000x128xf32, #tpu.memory_space<hbm>>
      tpu.wait_indirect_dma semaphore(%arg12 : memref<!tpu.dma_semaphore, #tpu.memory_space<semaphore_mem>>) src(%dma_wait3A_122 : memref<10000x128xf32, #tpu.memory_space<hbm>>) dst(%dma_wait3A_116 : memref<128x128xf32, #tpu.memory_space<vmem>>)
      %dma_wait3A_123 = arith.constant 1 : i32
      %dma_wait3A_124 = arith.constant 0 : i32
      %dma_wait3A_125 = arith.constant 0 : i32
      %dma_wait3A_126 = tpu.memref_slice %arg10[%dma_wait3A_123, %dma_wait3A_124, %dma_wait3A_125] : memref<2x128x128xf32, #tpu.memory_space<vmem>> -> memref<1x128x128xf32, #tpu.memory_space<vmem>>
      %dma_wait3A_127 = tpu.memref_squeeze %dma_wait3A_126 : memref<1x128x128xf32, #tpu.memory_space<vmem>> -> memref<128x128xf32, #tpu.memory_space<vmem>>
      %dma_wait3A_128 = arith.constant 0 : i32
      %dma_wait3A_129 = tpu.memref_slice %arg8[%add3A_22, %dma_wait3A_128] : memref<56x128xi32, #tpu.memory_space<vmem>> -> memref<1x128xi32, #tpu.memory_space<vmem>>
      %dma_wait3A_130 = tpu.memref_squeeze %dma_wait3A_129 : memref<1x128xi32, #tpu.memory_space<vmem>> -> memref<128xi32, #tpu.memory_space<vmem>>
      %dma_wait3A_131 = arith.constant 0 : i32
      %dma_wait3A_132 = arith.constant 0 : i32
      %dma_wait3A_133 = tpu.memref_slice %arg3[%dma_wait3A_131, %dma_wait3A_132] : memref<10000x128xf32, #tpu.memory_space<hbm>> -> memref<10000x128xf32, #tpu.memory_space<hbm>>
      tpu.wait_indirect_dma semaphore(%arg12 : memref<!tpu.dma_semaphore, #tpu.memory_space<semaphore_mem>>) src(%dma_wait3A_133 : memref<10000x128xf32, #tpu.memory_space<hbm>>) dst(%dma_wait3A_127 : memref<128x128xf32, #tpu.memory_space<vmem>>)
      %scan3A_134 = arith.constant 0 : i32
      %scan3A_135 = arith.constant 0 : i32
      %scan3A_136 = arith.constant 128 : i32
      %scan3A_137 = arith.addi %scan3A_135, %scan3A_136 : i32
      %scan3A_138 = arith.constant 1 : i32
      scf.for %scan3A_179 = %scan3A_135 to %scan3A_137 step %scan3A_138  : i32 {
        %get3A = arith.constant 1 : i32
        %get3A_180 = arith.index_cast %get3A : i32 to index
        %get3A_181 = arith.index_cast %scan3A_179 : i32 to index
        %get3A_182 = arith.constant 0 : index
        %get3A_183 = tpu.vector_load %arg9[%get3A_180, %get3A_181, %get3A_182] {strides = array<i32>} : memref<2x128x128xf32, #tpu.memory_space<vmem>>, vector<16xf32>,
        %get3A_184 = arith.constant 1 : i32
        %get3A_185 = arith.index_cast %get3A_184 : i32 to index
        %get3A_186 = arith.index_cast %scan3A_179 : i32 to index
        %get3A_187 = arith.constant 0 : index
        %get3A_188 = tpu.vector_load %arg10[%get3A_185, %get3A_186, %get3A_187] {strides = array<i32>} : memref<2x128x128xf32, #tpu.memory_space<vmem>>, vector<16xf32>,
        %add3A_189 = arith.addf %get3A_183, %get3A_188 : vector<16xf32>
        %swap3A = arith.constant 1 : i32
        %swap3A_190 = arith.index_cast %swap3A : i32 to index
        %swap3A_191 = arith.index_cast %scan3A_179 : i32 to index
        %swap3A_192 = arith.constant 0 : index
        %swap3A_193 = tpu.vector_load %arg9[%swap3A_190, %swap3A_191, %swap3A_192] {strides = array<i32>} : memref<2x128x128xf32, #tpu.memory_space<vmem>>, vector<16xf32>,
        tpu.vector_store %arg9[%swap3A_190, %swap3A_191, %swap3A_192], %add3A_189 {strides = array<i32>} : memref<2x128x128xf32, #tpu.memory_space<vmem>>, vector<16xf32>,
        %get3A_194 = arith.constant 1 : i32
        %get3A_195 = arith.index_cast %get3A_194 : i32 to index
        %get3A_196 = arith.index_cast %scan3A_179 : i32 to index
        %get3A_197 = arith.constant 16 : index
        %get3A_198 = tpu.vector_load %arg9[%get3A_195, %get3A_196, %get3A_197] {strides = array<i32>} : memref<2x128x128xf32, #tpu.memory_space<vmem>>, vector<16xf32>,
        %get3A_199 = arith.constant 1 : i32
        %get3A_200 = arith.index_cast %get3A_199 : i32 to index
        %get3A_201 = arith.index_cast %scan3A_179 : i32 to index
        %get3A_202 = arith.constant 16 : index
        %get3A_203 = tpu.vector_load %arg10[%get3A_200, %get3A_201, %get3A_202] {strides = array<i32>} : memref<2x128x128xf32, #tpu.memory_space<vmem>>, vector<16xf32>,
        %add3A_204 = arith.addf %get3A_198, %get3A_203 : vector<16xf32>
        %swap3A_205 = arith.constant 1 : i32
        %swap3A_206 = arith.index_cast %swap3A_205 : i32 to index
        %swap3A_207 = arith.index_cast %scan3A_179 : i32 to index
        %swap3A_208 = arith.constant 16 : index
        %swap3A_209 = tpu.vector_load %arg9[%swap3A_206, %swap3A_207, %swap3A_208] {strides = array<i32>} : memref<2x128x128xf32, #tpu.memory_space<vmem>>, vector<16xf32>,
        tpu.vector_store %arg9[%swap3A_206, %swap3A_207, %swap3A_208], %add3A_204 {strides = array<i32>} : memref<2x128x128xf32, #tpu.memory_space<vmem>>, vector<16xf32>,
        %get3A_210 = arith.constant 1 : i32
        %get3A_211 = arith.index_cast %get3A_210 : i32 to index
        %get3A_212 = arith.index_cast %scan3A_179 : i32 to index
        %get3A_213 = arith.constant 32 : index
        %get3A_214 = tpu.vector_load %arg9[%get3A_211, %get3A_212, %get3A_213] {strides = array<i32>} : memref<2x128x128xf32, #tpu.memory_space<vmem>>, vector<16xf32>,
        %get3A_215 = arith.constant 1 : i32
        %get3A_216 = arith.index_cast %get3A_215 : i32 to index
        %get3A_217 = arith.index_cast %scan3A_179 : i32 to index
        %get3A_218 = arith.constant 32 : index
        %get3A_219 = tpu.vector_load %arg10[%get3A_216, %get3A_217, %get3A_218] {strides = array<i32>} : memref<2x128x128xf32, #tpu.memory_space<vmem>>, vector<16xf32>,
        %add3A_220 = arith.addf %get3A_214, %get3A_219 : vector<16xf32>
        %swap3A_221 = arith.constant 1 : i32
        %swap3A_222 = arith.index_cast %swap3A_221 : i32 to index
        %swap3A_223 = arith.index_cast %scan3A_179 : i32 to index
        %swap3A_224 = arith.constant 32 : index
        %swap3A_225 = tpu.vector_load %arg9[%swap3A_222, %swap3A_223, %swap3A_224] {strides = array<i32>} : memref<2x128x128xf32, #tpu.memory_space<vmem>>, vector<16xf32>,
        tpu.vector_store %arg9[%swap3A_222, %swap3A_223, %swap3A_224], %add3A_220 {strides = array<i32>} : memref<2x128x128xf32, #tpu.memory_space<vmem>>, vector<16xf32>,
        %get3A_226 = arith.constant 1 : i32
        %get3A_227 = arith.index_cast %get3A_226 : i32 to index
        %get3A_228 = arith.index_cast %scan3A_179 : i32 to index
        %get3A_229 = arith.constant 48 : index
        %get3A_230 = tpu.vector_load %arg9[%get3A_227, %get3A_228, %get3A_229] {strides = array<i32>} : memref<2x128x128xf32, #tpu.memory_space<vmem>>, vector<16xf32>,
        %get3A_231 = arith.constant 1 : i32
        %get3A_232 = arith.index_cast %get3A_231 : i32 to index
        %get3A_233 = arith.index_cast %scan3A_179 : i32 to index
        %get3A_234 = arith.constant 48 : index
        %get3A_235 = tpu.vector_load %arg10[%get3A_232, %get3A_233, %get3A_234] {strides = array<i32>} : memref<2x128x128xf32, #tpu.memory_space<vmem>>, vector<16xf32>,
        %add3A_236 = arith.addf %get3A_230, %get3A_235 : vector<16xf32>
        %swap3A_237 = arith.constant 1 : i32
        %swap3A_238 = arith.index_cast %swap3A_237 : i32 to index
        %swap3A_239 = arith.index_cast %scan3A_179 : i32 to index
        %swap3A_240 = arith.constant 48 : index
        %swap3A_241 = tpu.vector_load %arg9[%swap3A_238, %swap3A_239, %swap3A_240] {strides = array<i32>} : memref<2x128x128xf32, #tpu.memory_space<vmem>>, vector<16xf32>,
        tpu.vector_store %arg9[%swap3A_238, %swap3A_239, %swap3A_240], %add3A_236 {strides = array<i32>} : memref<2x128x128xf32, #tpu.memory_space<vmem>>, vector<16xf32>,
        %get3A_242 = arith.constant 1 : i32
        %get3A_243 = arith.index_cast %get3A_242 : i32 to index
        %get3A_244 = arith.index_cast %scan3A_179 : i32 to index
        %get3A_245 = arith.constant 64 : index
        %get3A_246 = tpu.vector_load %arg9[%get3A_243, %get3A_244, %get3A_245] {strides = array<i32>} : memref<2x128x128xf32, #tpu.memory_space<vmem>>, vector<16xf32>,
        %get3A_247 = arith.constant 1 : i32
        %get3A_248 = arith.index_cast %get3A_247 : i32 to index
        %get3A_249 = arith.index_cast %scan3A_179 : i32 to index
        %get3A_250 = arith.constant 64 : index
        %get3A_251 = tpu.vector_load %arg10[%get3A_248, %get3A_249, %get3A_250] {strides = array<i32>} : memref<2x128x128xf32, #tpu.memory_space<vmem>>, vector<16xf32>,
        %add3A_252 = arith.addf %get3A_246, %get3A_251 : vector<16xf32>
        %swap3A_253 = arith.constant 1 : i32
        %swap3A_254 = arith.index_cast %swap3A_253 : i32 to index
        %swap3A_255 = arith.index_cast %scan3A_179 : i32 to index
        %swap3A_256 = arith.constant 64 : index
        %swap3A_257 = tpu.vector_load %arg9[%swap3A_254, %swap3A_255, %swap3A_256] {strides = array<i32>} : memref<2x128x128xf32, #tpu.memory_space<vmem>>, vector<16xf32>,
        tpu.vector_store %arg9[%swap3A_254, %swap3A_255, %swap3A_256], %add3A_252 {strides = array<i32>} : memref<2x128x128xf32, #tpu.memory_space<vmem>>, vector<16xf32>,
        %get3A_258 = arith.constant 1 : i32
        %get3A_259 = arith.index_cast %get3A_258 : i32 to index
        %get3A_260 = arith.index_cast %scan3A_179 : i32 to index
        %get3A_261 = arith.constant 80 : index
        %get3A_262 = tpu.vector_load %arg9[%get3A_259, %get3A_260, %get3A_261] {strides = array<i32>} : memref<2x128x128xf32, #tpu.memory_space<vmem>>, vector<16xf32>,
        %get3A_263 = arith.constant 1 : i32
        %get3A_264 = arith.index_cast %get3A_263 : i32 to index
        %get3A_265 = arith.index_cast %scan3A_179 : i32 to index
        %get3A_266 = arith.constant 80 : index
        %get3A_267 = tpu.vector_load %arg10[%get3A_264, %get3A_265, %get3A_266] {strides = array<i32>} : memref<2x128x128xf32, #tpu.memory_space<vmem>>, vector<16xf32>,
        %add3A_268 = arith.addf %get3A_262, %get3A_267 : vector<16xf32>
        %swap3A_269 = arith.constant 1 : i32
        %swap3A_270 = arith.index_cast %swap3A_269 : i32 to index
        %swap3A_271 = arith.index_cast %scan3A_179 : i32 to index
        %swap3A_272 = arith.constant 80 : index
        %swap3A_273 = tpu.vector_load %arg9[%swap3A_270, %swap3A_271, %swap3A_272] {strides = array<i32>} : memref<2x128x128xf32, #tpu.memory_space<vmem>>, vector<16xf32>,
        tpu.vector_store %arg9[%swap3A_270, %swap3A_271, %swap3A_272], %add3A_268 {strides = array<i32>} : memref<2x128x128xf32, #tpu.memory_space<vmem>>, vector<16xf32>,
        %get3A_274 = arith.constant 1 : i32
        %get3A_275 = arith.index_cast %get3A_274 : i32 to index
        %get3A_276 = arith.index_cast %scan3A_179 : i32 to index
        %get3A_277 = arith.constant 96 : index
        %get3A_278 = tpu.vector_load %arg9[%get3A_275, %get3A_276, %get3A_277] {strides = array<i32>} : memref<2x128x128xf32, #tpu.memory_space<vmem>>, vector<16xf32>,
        %get3A_279 = arith.constant 1 : i32
        %get3A_280 = arith.index_cast %get3A_279 : i32 to index
        %get3A_281 = arith.index_cast %scan3A_179 : i32 to index
        %get3A_282 = arith.constant 96 : index
        %get3A_283 = tpu.vector_load %arg10[%get3A_280, %get3A_281, %get3A_282] {strides = array<i32>} : memref<2x128x128xf32, #tpu.memory_space<vmem>>, vector<16xf32>,
        %add3A_284 = arith.addf %get3A_278, %get3A_283 : vector<16xf32>
        %swap3A_285 = arith.constant 1 : i32
        %swap3A_286 = arith.index_cast %swap3A_285 : i32 to index
        %swap3A_287 = arith.index_cast %scan3A_179 : i32 to index
        %swap3A_288 = arith.constant 96 : index
        %swap3A_289 = tpu.vector_load %arg9[%swap3A_286, %swap3A_287, %swap3A_288] {strides = array<i32>} : memref<2x128x128xf32, #tpu.memory_space<vmem>>, vector<16xf32>,
        tpu.vector_store %arg9[%swap3A_286, %swap3A_287, %swap3A_288], %add3A_284 {strides = array<i32>} : memref<2x128x128xf32, #tpu.memory_space<vmem>>, vector<16xf32>,
        %get3A_290 = arith.constant 1 : i32
        %get3A_291 = arith.index_cast %get3A_290 : i32 to index
        %get3A_292 = arith.index_cast %scan3A_179 : i32 to index
        %get3A_293 = arith.constant 112 : index
        %get3A_294 = tpu.vector_load %arg9[%get3A_291, %get3A_292, %get3A_293] {strides = array<i32>} : memref<2x128x128xf32, #tpu.memory_space<vmem>>, vector<16xf32>,
        %get3A_295 = arith.constant 1 : i32
        %get3A_296 = arith.index_cast %get3A_295 : i32 to index
        %get3A_297 = arith.index_cast %scan3A_179 : i32 to index
        %get3A_298 = arith.constant 112 : index
        %get3A_299 = tpu.vector_load %arg10[%get3A_296, %get3A_297, %get3A_298] {strides = array<i32>} : memref<2x128x128xf32, #tpu.memory_space<vmem>>, vector<16xf32>,
        %add3A_300 = arith.addf %get3A_294, %get3A_299 : vector<16xf32>
        %swap3A_301 = arith.constant 1 : i32
        %swap3A_302 = arith.index_cast %swap3A_301 : i32 to index
        %swap3A_303 = arith.index_cast %scan3A_179 : i32 to index
        %swap3A_304 = arith.constant 112 : index
        %swap3A_305 = tpu.vector_load %arg9[%swap3A_302, %swap3A_303, %swap3A_304] {strides = array<i32>} : memref<2x128x128xf32, #tpu.memory_space<vmem>>, vector<16xf32>,
        tpu.vector_store %arg9[%swap3A_302, %swap3A_303, %swap3A_304], %add3A_300 {strides = array<i32>} : memref<2x128x128xf32, #tpu.memory_space<vmem>>, vector<16xf32>,
      }
      %scan3A_139 = arith.constant 128 : i32
      %dma_start3A_140 = arith.constant 1 : i32
      %dma_start3A_141 = arith.constant 0 : i32
      %dma_start3A_142 = arith.constant 0 : i32
      %dma_start3A_143 = tpu.memref_slice %arg9[%dma_start3A_140, %dma_start3A_141, %dma_start3A_142] : memref<2x128x128xf32, #tpu.memory_space<vmem>> -> memref<1x128x128xf32, #tpu.memory_space<vmem>>
      %dma_start3A_144 = tpu.memref_squeeze %dma_start3A_143 : memref<1x128x128xf32, #tpu.memory_space<vmem>> -> memref<128x128xf32, #tpu.memory_space<vmem>>
      %dma_start3A_145 = arith.constant 0 : i32
      %dma_start3A_146 = tpu.memref_slice %arg6[%multiple_of3A_111, %dma_start3A_145] : memref<163840x128xf32, #tpu.memory_space<hbm>> -> memref<128x128xf32, #tpu.memory_space<hbm>>
      %dma_start3A_147 = arith.constant 0 : i32
      %dma_start3A_148 = tpu.memref_slice %arg6[%multiple_of3A_111, %dma_start3A_147] : memref<163840x128xf32, #tpu.memory_space<hbm>> -> memref<128x128xf32, #tpu.memory_space<hbm>>
      %dma_start3A_149 = arith.constant 0 : i32
      %dma_start3A_150 = arith.constant 0 : i32
      %dma_start3A_151 = tpu.memref_slice %arg9[%dma_start3A_140, %dma_start3A_149, %dma_start3A_150] : memref<2x128x128xf32, #tpu.memory_space<vmem>> -> memref<1x128x128xf32, #tpu.memory_space<vmem>>
      %dma_start3A_152 = tpu.memref_squeeze %dma_start3A_151 : memref<1x128x128xf32, #tpu.memory_space<vmem>> -> memref<128x128xf32, #tpu.memory_space<vmem>>
      tpu.enqueue_dma source(%dma_start3A_152 : memref<128x128xf32, #tpu.memory_space<vmem>>) target(%dma_start3A_148 : memref<128x128xf32, #tpu.memory_space<hbm>>) target_semaphore(%arg14 : memref<!tpu.dma_semaphore, #tpu.memory_space<semaphore_mem>>)
      %dma_wait3A_153 = arith.constant 0 : i32
      %dma_wait3A_154 = arith.constant 0 : i32
      %dma_wait3A_155 = arith.constant 0 : i32
      %dma_wait3A_156 = tpu.memref_slice %arg9[%dma_wait3A_153, %dma_wait3A_154, %dma_wait3A_155] : memref<2x128x128xf32, #tpu.memory_space<vmem>> -> memref<1x128x128xf32, #tpu.memory_space<vmem>>
      %dma_wait3A_157 = tpu.memref_squeeze %dma_wait3A_156 : memref<1x128x128xf32, #tpu.memory_space<vmem>> -> memref<128x128xf32, #tpu.memory_space<vmem>>
      %dma_wait3A_158 = arith.constant 0 : i32
      %dma_wait3A_159 = tpu.memref_slice %arg6[%multiple_of3A, %dma_wait3A_158] : memref<163840x128xf32, #tpu.memory_space<hbm>> -> memref<128x128xf32, #tpu.memory_space<hbm>>
      %dma_wait3A_160 = arith.constant 0 : i32
      %dma_wait3A_161 = tpu.memref_slice %arg6[%multiple_of3A, %dma_wait3A_160] : memref<163840x128xf32, #tpu.memory_space<hbm>> -> memref<128x128xf32, #tpu.memory_space<hbm>>
      %dma_wait3A_162 = arith.constant 0 : i32
      %dma_wait3A_163 = arith.constant 0 : i32
      %dma_wait3A_164 = tpu.memref_slice %arg9[%dma_wait3A_153, %dma_wait3A_162, %dma_wait3A_163] : memref<2x128x128xf32, #tpu.memory_space<vmem>> -> memref<1x128x128xf32, #tpu.memory_space<vmem>>
      %dma_wait3A_165 = tpu.memref_squeeze %dma_wait3A_164 : memref<1x128x128xf32, #tpu.memory_space<vmem>> -> memref<128x128xf32, #tpu.memory_space<vmem>>
      tpu.wait_dma2 semaphore(%arg13 : memref<!tpu.dma_semaphore, #tpu.memory_space<semaphore_mem>>) src(%dma_wait3A_165 : memref<128x128xf32, #tpu.memory_space<vmem>>) dst(%dma_wait3A_161 : memref<128x128xf32, #tpu.memory_space<hbm>>)
      %dma_wait3A_166 = arith.constant 1 : i32
      %dma_wait3A_167 = arith.constant 0 : i32
      %dma_wait3A_168 = arith.constant 0 : i32
      %dma_wait3A_169 = tpu.memref_slice %arg9[%dma_wait3A_166, %dma_wait3A_167, %dma_wait3A_168] : memref<2x128x128xf32, #tpu.memory_space<vmem>> -> memref<1x128x128xf32, #tpu.memory_space<vmem>>
      %dma_wait3A_170 = tpu.memref_squeeze %dma_wait3A_169 : memref<1x128x128xf32, #tpu.memory_space<vmem>> -> memref<128x128xf32, #tpu.memory_space<vmem>>
      %dma_wait3A_171 = arith.constant 0 : i32
      %dma_wait3A_172 = tpu.memref_slice %arg6[%multiple_of3A_111, %dma_wait3A_171] : memref<163840x128xf32, #tpu.memory_space<hbm>> -> memref<128x128xf32, #tpu.memory_space<hbm>>
      %dma_wait3A_173 = arith.constant 0 : i32
      %dma_wait3A_174 = tpu.memref_slice %arg6[%multiple_of3A_111, %dma_wait3A_173] : memref<163840x128xf32, #tpu.memory_space<hbm>> -> memref<128x128xf32, #tpu.memory_space<hbm>>
      %dma_wait3A_175 = arith.constant 0 : i32
      %dma_wait3A_176 = arith.constant 0 : i32
      %dma_wait3A_177 = tpu.memref_slice %arg9[%dma_wait3A_166, %dma_wait3A_175, %dma_wait3A_176] : memref<2x128x128xf32, #tpu.memory_space<vmem>> -> memref<1x128x128xf32, #tpu.memory_space<vmem>>
      %dma_wait3A_178 = tpu.memref_squeeze %dma_wait3A_177 : memref<1x128x128xf32, #tpu.memory_space<vmem>> -> memref<128x128xf32, #tpu.memory_space<vmem>>
      tpu.wait_dma2 semaphore(%arg14 : memref<!tpu.dma_semaphore, #tpu.memory_space<semaphore_mem>>) src(%dma_wait3A_178 : memref<128x128xf32, #tpu.memory_space<vmem>>) dst(%dma_wait3A_174 : memref<128x128xf32, #tpu.memory_space<hbm>>)
    }
    %while3A_17 = arith.constant 1 : i32
    scf.for %while3A_18 = %while3A_15 to %while3A_11 step %while3A_17  : i32 {
      %mul3A_19 = arith.constant 2 : i32
      %mul3A_20 = arith.muli %while3A_18, %mul3A_19 : i32
      %add3A_21 = arith.constant 1 : i32
      %add3A_22 = arith.addi %mul3A_20, %add3A_21 : i32
      %dma_start3A = arith.constant 0 : i32
      %dma_start3A_23 = arith.constant 0 : i32
      %dma_start3A_24 = arith.constant 0 : i32
      %dma_start3A_25 = tpu.memref_slice %arg9[%dma_start3A, %dma_start3A_23, %dma_start3A_24] : memref<2x128x128xf32, #tpu.memory_space<vmem>> -> memref<1x128x128xf32, #tpu.memory_space<vmem>>
      %dma_start3A_26 = tpu.memref_squeeze %dma_start3A_25 : memref<1x128x128xf32, #tpu.memory_space<vmem>> -> memref<128x128xf32, #tpu.memory_space<vmem>>
      %dma_start3A_27 = arith.constant 0 : i32
      %dma_start3A_28 = tpu.memref_slice %arg7[%mul3A_20, %dma_start3A_27] : memref<56x128xi32, #tpu.memory_space<vmem>> -> memref<1x128xi32, #tpu.memory_space<vmem>>
      %dma_start3A_29 = tpu.memref_squeeze %dma_start3A_28 : memref<1x128xi32, #tpu.memory_space<vmem>> -> memref<128xi32, #tpu.memory_space<vmem>>
      %dma_start3A_30 = arith.constant 0 : i32
      %dma_start3A_31 = arith.constant 0 : i32
      %dma_start3A_32 = tpu.memref_slice %arg2[%dma_start3A_30, %dma_start3A_31] : memref<10000x128xf32, #tpu.memory_space<hbm>> -> memref<10000x128xf32, #tpu.memory_space<hbm>>
      tpu.enqueue_indirect_dma source(%dma_start3A_32 : memref<10000x128xf32, #tpu.memory_space<hbm>>) target(%dma_start3A_26 : memref<128x128xf32, #tpu.memory_space<vmem>>) offsets(%dma_start3A_29 : memref<128xi32, #tpu.memory_space<vmem>>) semaphore(%arg11 : memref<!tpu.dma_semaphore, #tpu.memory_space<semaphore_mem>>)
      %dma_start3A_33 = arith.constant 0 : i32
      %dma_start3A_34 = arith.constant 0 : i32
      %dma_start3A_35 = arith.constant 0 : i32
      %dma_start3A_36 = tpu.memref_slice %arg10[%dma_start3A_33, %dma_start3A_34, %dma_start3A_35] : memref<2x128x128xf32, #tpu.memory_space<vmem>> -> memref<1x128x128xf32, #tpu.memory_space<vmem>>
      %dma_start3A_37 = tpu.memref_squeeze %dma_start3A_36 : memref<1x128x128xf32, #tpu.memory_space<vmem>> -> memref<128x128xf32, #tpu.memory_space<vmem>>
      %dma_start3A_38 = arith.constant 0 : i32
      %dma_start3A_39 = tpu.memref_slice %arg8[%mul3A_20, %dma_start3A_38] : memref<56x128xi32, #tpu.memory_space<vmem>> -> memref<1x128xi32, #tpu.memory_space<vmem>>
      %dma_start3A_40 = tpu.memref_squeeze %dma_start3A_39 : memref<1x128xi32, #tpu.memory_space<vmem>> -> memref<128xi32, #tpu.memory_space<vmem>>
      %dma_start3A_41 = arith.constant 0 : i32
      %dma_start3A_42 = arith.constant 0 : i32
      %dma_start3A_43 = tpu.memref_slice %arg3[%dma_start3A_41, %dma_start3A_42] : memref<10000x128xf32, #tpu.memory_space<hbm>> -> memref<10000x128xf32, #tpu.memory_space<hbm>>
      tpu.enqueue_indirect_dma source(%dma_start3A_43 : memref<10000x128xf32, #tpu.memory_space<hbm>>) target(%dma_start3A_37 : memref<128x128xf32, #tpu.memory_space<vmem>>) offsets(%dma_start3A_40 : memref<128xi32, #tpu.memory_space<vmem>>) semaphore(%arg11 : memref<!tpu.dma_semaphore, #tpu.memory_space<semaphore_mem>>)
      %dma_start3A_44 = arith.constant 1 : i32
      %dma_start3A_45 = arith.constant 0 : i32
      %dma_start3A_46 = arith.constant 0 : i32
      %dma_start3A_47 = tpu.memref_slice %arg9[%dma_start3A_44, %dma_start3A_45, %dma_start3A_46] : memref<2x128x128xf32, #tpu.memory_space<vmem>> -> memref<1x128x128xf32, #tpu.memory_space<vmem>>
      %dma_start3A_48 = tpu.memref_squeeze %dma_start3A_47 : memref<1x128x128xf32, #tpu.memory_space<vmem>> -> memref<128x128xf32, #tpu.memory_space<vmem>>
      %dma_start3A_49 = arith.constant 0 : i32
      %dma_start3A_50 = tpu.memref_slice %arg7[%add3A_22, %dma_start3A_49] : memref<56x128xi32, #tpu.memory_space<vmem>> -> memref<1x128xi32, #tpu.memory_space<vmem>>
      %dma_start3A_51 = tpu.memref_squeeze %dma_start3A_50 : memref<1x128xi32, #tpu.memory_space<vmem>> -> memref<128xi32, #tpu.memory_space<vmem>>
      %dma_start3A_52 = arith.constant 0 : i32
      %dma_start3A_53 = arith.constant 0 : i32
      %dma_start3A_54 = tpu.memref_slice %arg2[%dma_start3A_52, %dma_start3A_53] : memref<10000x128xf32, #tpu.memory_space<hbm>> -> memref<10000x128xf32, #tpu.memory_space<hbm>>
      tpu.enqueue_indirect_dma source(%dma_start3A_54 : memref<10000x128xf32, #tpu.memory_space<hbm>>) target(%dma_start3A_48 : memref<128x128xf32, #tpu.memory_space<vmem>>) offsets(%dma_start3A_51 : memref<128xi32, #tpu.memory_space<vmem>>) semaphore(%arg12 : memref<!tpu.dma_semaphore, #tpu.memory_space<semaphore_mem>>)
      %dma_start3A_55 = arith.constant 1 : i32
      %dma_start3A_56 = arith.constant 0 : i32
      %dma_start3A_57 = arith.constant 0 : i32
      %dma_start3A_58 = tpu.memref_slice %arg10[%dma_start3A_55, %dma_start3A_56, %dma_start3A_57] : memref<2x128x128xf32, #tpu.memory_space<vmem>> -> memref<1x128x128xf32, #tpu.memory_space<vmem>>
      %dma_start3A_59 = tpu.memref_squeeze %dma_start3A_58 : memref<1x128x128xf32, #tpu.memory_space<vmem>> -> memref<128x128xf32, #tpu.memory_space<vmem>>
      %dma_start3A_60 = arith.constant 0 : i32
      %dma_start3A_61 = tpu.memref_slice %arg8[%add3A_22, %dma_start3A_60] : memref<56x128xi32, #tpu.memory_space<vmem>> -> memref<1x128xi32, #tpu.memory_space<vmem>>
      %dma_start3A_62 = tpu.memref_squeeze %dma_start3A_61 : memref<1x128xi32, #tpu.memory_space<vmem>> -> memref<128xi32, #tpu.memory_space<vmem>>
      %dma_start3A_63 = arith.constant 0 : i32
      %dma_start3A_64 = arith.constant 0 : i32
      %dma_start3A_65 = tpu.memref_slice %arg3[%dma_start3A_63, %dma_start3A_64] : memref<10000x128xf32, #tpu.memory_space<hbm>> -> memref<10000x128xf32, #tpu.memory_space<hbm>>
      tpu.enqueue_indirect_dma source(%dma_start3A_65 : memref<10000x128xf32, #tpu.memory_space<hbm>>) target(%dma_start3A_59 : memref<128x128xf32, #tpu.memory_space<vmem>>) offsets(%dma_start3A_62 : memref<128xi32, #tpu.memory_space<vmem>>) semaphore(%arg12 : memref<!tpu.dma_semaphore, #tpu.memory_space<semaphore_mem>>)
      %add3A_66 = arith.addi %select_n3A, %mul3A_20 : i32
      %mul3A_67 = arith.constant 128 : i32
      %mul3A_68 = arith.muli %add3A_66, %mul3A_67 : i32
      %multiple_of3A = tpu.assume_multiple %mul3A_68, 128 : i32
      %dma_wait3A = arith.constant 0 : i32
      %dma_wait3A_69 = arith.constant 0 : i32
      %dma_wait3A_70 = arith.constant 0 : i32
      %dma_wait3A_71 = tpu.memref_slice %arg9[%dma_wait3A, %dma_wait3A_69, %dma_wait3A_70] : memref<2x128x128xf32, #tpu.memory_space<vmem>> -> memref<1x128x128xf32, #tpu.memory_space<vmem>>
      %dma_wait3A_72 = tpu.memref_squeeze %dma_wait3A_71 : memref<1x128x128xf32, #tpu.memory_space<vmem>> -> memref<128x128xf32, #tpu.memory_space<vmem>>
      %dma_wait3A_73 = arith.constant 0 : i32
      %dma_wait3A_74 = tpu.memref_slice %arg7[%mul3A_20, %dma_wait3A_73] : memref<56x128xi32, #tpu.memory_space<vmem>> -> memref<1x128xi32, #tpu.memory_space<vmem>>
      %dma_wait3A_75 = tpu.memref_squeeze %dma_wait3A_74 : memref<1x128xi32, #tpu.memory_space<vmem>> -> memref<128xi32, #tpu.memory_space<vmem>>
      %dma_wait3A_76 = arith.constant 0 : i32
      %dma_wait3A_77 = arith.constant 0 : i32
      %dma_wait3A_78 = tpu.memref_slice %arg2[%dma_wait3A_76, %dma_wait3A_77] : memref<10000x128xf32, #tpu.memory_space<hbm>> -> memref<10000x128xf32, #tpu.memory_space<hbm>>
      tpu.wait_indirect_dma semaphore(%arg11 : memref<!tpu.dma_semaphore, #tpu.memory_space<semaphore_mem>>) src(%dma_wait3A_78 : memref<10000x128xf32, #tpu.memory_space<hbm>>) dst(%dma_wait3A_72 : memref<128x128xf32, #tpu.memory_space<vmem>>)
      %dma_wait3A_79 = arith.constant 0 : i32
      %dma_wait3A_80 = arith.constant 0 : i32
      %dma_wait3A_81 = arith.constant 0 : i32
      %dma_wait3A_82 = tpu.memref_slice %arg10[%dma_wait3A_79, %dma_wait3A_80, %dma_wait3A_81] : memref<2x128x128xf32, #tpu.memory_space<vmem>> -> memref<1x128x128xf32, #tpu.memory_space<vmem>>
      %dma_wait3A_83 = tpu.memref_squeeze %dma_wait3A_82 : memref<1x128x128xf32, #tpu.memory_space<vmem>> -> memref<128x128xf32, #tpu.memory_space<vmem>>
      %dma_wait3A_84 = arith.constant 0 : i32
      %dma_wait3A_85 = tpu.memref_slice %arg8[%mul3A_20, %dma_wait3A_84] : memref<56x128xi32, #tpu.memory_space<vmem>> -> memref<1x128xi32, #tpu.memory_space<vmem>>
      %dma_wait3A_86 = tpu.memref_squeeze %dma_wait3A_85 : memref<1x128xi32, #tpu.memory_space<vmem>> -> memref<128xi32, #tpu.memory_space<vmem>>
      %dma_wait3A_87 = arith.constant 0 : i32
      %dma_wait3A_88 = arith.constant 0 : i32
      %dma_wait3A_89 = tpu.memref_slice %arg3[%dma_wait3A_87, %dma_wait3A_88] : memref<10000x128xf32, #tpu.memory_space<hbm>> -> memref<10000x128xf32, #tpu.memory_space<hbm>>
      tpu.wait_indirect_dma semaphore(%arg11 : memref<!tpu.dma_semaphore, #tpu.memory_space<semaphore_mem>>) src(%dma_wait3A_89 : memref<10000x128xf32, #tpu.memory_space<hbm>>) dst(%dma_wait3A_83 : memref<128x128xf32, #tpu.memory_space<vmem>>)
      %scan3A = arith.constant 0 : i32
      %scan3A_90 = arith.constant 0 : i32
      %scan3A_91 = arith.constant 128 : i32
      %scan3A_92 = arith.addi %scan3A_90, %scan3A_91 : i32
      %scan3A_93 = arith.constant 1 : i32
      scf.for %scan3A_179 = %scan3A_90 to %scan3A_92 step %scan3A_93  : i32 {
        %get3A = arith.constant 0 : i32
        %get3A_180 = arith.index_cast %get3A : i32 to index
        %get3A_181 = arith.index_cast %scan3A_179 : i32 to index
        %get3A_182 = arith.constant 0 : index
        %get3A_183 = tpu.vector_load %arg9[%get3A_180, %get3A_181, %get3A_182] {strides = array<i32>} : memref<2x128x128xf32, #tpu.memory_space<vmem>>, vector<16xf32>,
        %get3A_184 = arith.constant 0 : i32
        %get3A_185 = arith.index_cast %get3A_184 : i32 to index
        %get3A_186 = arith.index_cast %scan3A_179 : i32 to index
        %get3A_187 = arith.constant 0 : index
        %get3A_188 = tpu.vector_load %arg10[%get3A_185, %get3A_186, %get3A_187] {strides = array<i32>} : memref<2x128x128xf32, #tpu.memory_space<vmem>>, vector<16xf32>,
        %add3A_189 = arith.addf %get3A_183, %get3A_188 : vector<16xf32>
        %swap3A = arith.constant 0 : i32
        %swap3A_190 = arith.index_cast %swap3A : i32 to index
        %swap3A_191 = arith.index_cast %scan3A_179 : i32 to index
        %swap3A_192 = arith.constant 0 : index
        %swap3A_193 = tpu.vector_load %arg9[%swap3A_190, %swap3A_191, %swap3A_192] {strides = array<i32>} : memref<2x128x128xf32, #tpu.memory_space<vmem>>, vector<16xf32>,
        tpu.vector_store %arg9[%swap3A_190, %swap3A_191, %swap3A_192], %add3A_189 {strides = array<i32>} : memref<2x128x128xf32, #tpu.memory_space<vmem>>, vector<16xf32>,
        %get3A_194 = arith.constant 0 : i32
        %get3A_195 = arith.index_cast %get3A_194 : i32 to index
        %get3A_196 = arith.index_cast %scan3A_179 : i32 to index
        %get3A_197 = arith.constant 16 : index
        %get3A_198 = tpu.vector_load %arg9[%get3A_195, %get3A_196, %get3A_197] {strides = array<i32>} : memref<2x128x128xf32, #tpu.memory_space<vmem>>, vector<16xf32>,
        %get3A_199 = arith.constant 0 : i32
        %get3A_200 = arith.index_cast %get3A_199 : i32 to index
        %get3A_201 = arith.index_cast %scan3A_179 : i32 to index
        %get3A_202 = arith.constant 16 : index
        %get3A_203 = tpu.vector_load %arg10[%get3A_200, %get3A_201, %get3A_202] {strides = array<i32>} : memref<2x128x128xf32, #tpu.memory_space<vmem>>, vector<16xf32>,
        %add3A_204 = arith.addf %get3A_198, %get3A_203 : vector<16xf32>
        %swap3A_205 = arith.constant 0 : i32
        %swap3A_206 = arith.index_cast %swap3A_205 : i32 to index
        %swap3A_207 = arith.index_cast %scan3A_179 : i32 to index
        %swap3A_208 = arith.constant 16 : index
        %swap3A_209 = tpu.vector_load %arg9[%swap3A_206, %swap3A_207, %swap3A_208] {strides = array<i32>} : memref<2x128x128xf32, #tpu.memory_space<vmem>>, vector<16xf32>,
        tpu.vector_store %arg9[%swap3A_206, %swap3A_207, %swap3A_208], %add3A_204 {strides = array<i32>} : memref<2x128x128xf32, #tpu.memory_space<vmem>>, vector<16xf32>,
        %get3A_210 = arith.constant 0 : i32
        %get3A_211 = arith.index_cast %get3A_210 : i32 to index
        %get3A_212 = arith.index_cast %scan3A_179 : i32 to index
        %get3A_213 = arith.constant 32 : index
        %get3A_214 = tpu.vector_load %arg9[%get3A_211, %get3A_212, %get3A_213] {strides = array<i32>} : memref<2x128x128xf32, #tpu.memory_space<vmem>>, vector<16xf32>,
        %get3A_215 = arith.constant 0 : i32
        %get3A_216 = arith.index_cast %get3A_215 : i32 to index
        %get3A_217 = arith.index_cast %scan3A_179 : i32 to index
        %get3A_218 = arith.constant 32 : index
        %get3A_219 = tpu.vector_load %arg10[%get3A_216, %get3A_217, %get3A_218] {strides = array<i32>} : memref<2x128x128xf32, #tpu.memory_space<vmem>>, vector<16xf32>,
        %add3A_220 = arith.addf %get3A_214, %get3A_219 : vector<16xf32>
        %swap3A_221 = arith.constant 0 : i32
        %swap3A_222 = arith.index_cast %swap3A_221 : i32 to index
        %swap3A_223 = arith.index_cast %scan3A_179 : i32 to index
        %swap3A_224 = arith.constant 32 : index
        %swap3A_225 = tpu.vector_load %arg9[%swap3A_222, %swap3A_223, %swap3A_224] {strides = array<i32>} : memref<2x128x128xf32, #tpu.memory_space<vmem>>, vector<16xf32>,
        tpu.vector_store %arg9[%swap3A_222, %swap3A_223, %swap3A_224], %add3A_220 {strides = array<i32>} : memref<2x128x128xf32, #tpu.memory_space<vmem>>, vector<16xf32>,
        %get3A_226 = arith.constant 0 : i32
        %get3A_227 = arith.index_cast %get3A_226 : i32 to index
        %get3A_228 = arith.index_cast %scan3A_179 : i32 to index
        %get3A_229 = arith.constant 48 : index
        %get3A_230 = tpu.vector_load %arg9[%get3A_227, %get3A_228, %get3A_229] {strides = array<i32>} : memref<2x128x128xf32, #tpu.memory_space<vmem>>, vector<16xf32>,
        %get3A_231 = arith.constant 0 : i32
        %get3A_232 = arith.index_cast %get3A_231 : i32 to index
        %get3A_233 = arith.index_cast %scan3A_179 : i32 to index
        %get3A_234 = arith.constant 48 : index
        %get3A_235 = tpu.vector_load %arg10[%get3A_232, %get3A_233, %get3A_234] {strides = array<i32>} : memref<2x128x128xf32, #tpu.memory_space<vmem>>, vector<16xf32>,
        %add3A_236 = arith.addf %get3A_230, %get3A_235 : vector<16xf32>
        %swap3A_237 = arith.constant 0 : i32
        %swap3A_238 = arith.index_cast %swap3A_237 : i32 to index
        %swap3A_239 = arith.index_cast %scan3A_179 : i32 to index
        %swap3A_240 = arith.constant 48 : index
        %swap3A_241 = tpu.vector_load %arg9[%swap3A_238, %swap3A_239, %swap3A_240] {strides = array<i32>} : memref<2x128x128xf32, #tpu.memory_space<vmem>>, vector<16xf32>,
        tpu.vector_store %arg9[%swap3A_238, %swap3A_239, %swap3A_240], %add3A_236 {strides = array<i32>} : memref<2x128x128xf32, #tpu.memory_space<vmem>>, vector<16xf32>,
        %get3A_242 = arith.constant 0 : i32
        %get3A_243 = arith.index_cast %get3A_242 : i32 to index
        %get3A_244 = arith.index_cast %scan3A_179 : i32 to index
        %get3A_245 = arith.constant 64 : index
        %get3A_246 = tpu.vector_load %arg9[%get3A_243, %get3A_244, %get3A_245] {strides = array<i32>} : memref<2x128x128xf32, #tpu.memory_space<vmem>>, vector<16xf32>,
        %get3A_247 = arith.constant 0 : i32
        %get3A_248 = arith.index_cast %get3A_247 : i32 to index
        %get3A_249 = arith.index_cast %scan3A_179 : i32 to index
        %get3A_250 = arith.constant 64 : index
        %get3A_251 = tpu.vector_load %arg10[%get3A_248, %get3A_249, %get3A_250] {strides = array<i32>} : memref<2x128x128xf32, #tpu.memory_space<vmem>>, vector<16xf32>,
        %add3A_252 = arith.addf %get3A_246, %get3A_251 : vector<16xf32>
        %swap3A_253 = arith.constant 0 : i32
        %swap3A_254 = arith.index_cast %swap3A_253 : i32 to index
        %swap3A_255 = arith.index_cast %scan3A_179 : i32 to index
        %swap3A_256 = arith.constant 64 : index
        %swap3A_257 = tpu.vector_load %arg9[%swap3A_254, %swap3A_255, %swap3A_256] {strides = array<i32>} : memref<2x128x128xf32, #tpu.memory_space<vmem>>, vector<16xf32>,
        tpu.vector_store %arg9[%swap3A_254, %swap3A_255, %swap3A_256], %add3A_252 {strides = array<i32>} : memref<2x128x128xf32, #tpu.memory_space<vmem>>, vector<16xf32>,
        %get3A_258 = arith.constant 0 : i32
        %get3A_259 = arith.index_cast %get3A_258 : i32 to index
        %get3A_260 = arith.index_cast %scan3A_179 : i32 to index
        %get3A_261 = arith.constant 80 : index
        %get3A_262 = tpu.vector_load %arg9[%get3A_259, %get3A_260, %get3A_261] {strides = array<i32>} : memref<2x128x128xf32, #tpu.memory_space<vmem>>, vector<16xf32>,
        %get3A_263 = arith.constant 0 : i32
        %get3A_264 = arith.index_cast %get3A_263 : i32 to index
        %get3A_265 = arith.index_cast %scan3A_179 : i32 to index
        %get3A_266 = arith.constant 80 : index
        %get3A_267 = tpu.vector_load %arg10[%get3A_264, %get3A_265, %get3A_266] {strides = array<i32>} : memref<2x128x128xf32, #tpu.memory_space<vmem>>, vector<16xf32>,
        %add3A_268 = arith.addf %get3A_262, %get3A_267 : vector<16xf32>
        %swap3A_269 = arith.constant 0 : i32
        %swap3A_270 = arith.index_cast %swap3A_269 : i32 to index
        %swap3A_271 = arith.index_cast %scan3A_179 : i32 to index
        %swap3A_272 = arith.constant 80 : index
        %swap3A_273 = tpu.vector_load %arg9[%swap3A_270, %swap3A_271, %swap3A_272] {strides = array<i32>} : memref<2x128x128xf32, #tpu.memory_space<vmem>>, vector<16xf32>,
        tpu.vector_store %arg9[%swap3A_270, %swap3A_271, %swap3A_272], %add3A_268 {strides = array<i32>} : memref<2x128x128xf32, #tpu.memory_space<vmem>>, vector<16xf32>,
        %get3A_274 = arith.constant 0 : i32
        %get3A_275 = arith.index_cast %get3A_274 : i32 to index
        %get3A_276 = arith.index_cast %scan3A_179 : i32 to index
        %get3A_277 = arith.constant 96 : index
        %get3A_278 = tpu.vector_load %arg9[%get3A_275, %get3A_276, %get3A_277] {strides = array<i32>} : memref<2x128x128xf32, #tpu.memory_space<vmem>>, vector<16xf32>,
        %get3A_279 = arith.constant 0 : i32
        %get3A_280 = arith.index_cast %get3A_279 : i32 to index
        %get3A_281 = arith.index_cast %scan3A_179 : i32 to index
        %get3A_282 = arith.constant 96 : index
        %get3A_283 = tpu.vector_load %arg10[%get3A_280, %get3A_281, %get3A_282] {strides = array<i32>} : memref<2x128x128xf32, #tpu.memory_space<vmem>>, vector<16xf32>,
        %add3A_284 = arith.addf %get3A_278, %get3A_283 : vector<16xf32>
        %swap3A_285 = arith.constant 0 : i32
        %swap3A_286 = arith.index_cast %swap3A_285 : i32 to index
        %swap3A_287 = arith.index_cast %scan3A_179 : i32 to index
        %swap3A_288 = arith.constant 96 : index
        %swap3A_289 = tpu.vector_load %arg9[%swap3A_286, %swap3A_287, %swap3A_288] {strides = array<i32>} : memref<2x128x128xf32, #tpu.memory_space<vmem>>, vector<16xf32>,
        tpu.vector_store %arg9[%swap3A_286, %swap3A_287, %swap3A_288], %add3A_284 {strides = array<i32>} : memref<2x128x128xf32, #tpu.memory_space<vmem>>, vector<16xf32>,
        %get3A_290 = arith.constant 0 : i32
        %get3A_291 = arith.index_cast %get3A_290 : i32 to index
        %get3A_292 = arith.index_cast %scan3A_179 : i32 to index
        %get3A_293 = arith.constant 112 : index
        %get3A_294 = tpu.vector_load %arg9[%get3A_291, %get3A_292, %get3A_293] {strides = array<i32>} : memref<2x128x128xf32, #tpu.memory_space<vmem>>, vector<16xf32>,
        %get3A_295 = arith.constant 0 : i32
        %get3A_296 = arith.index_cast %get3A_295 : i32 to index
        %get3A_297 = arith.index_cast %scan3A_179 : i32 to index
        %get3A_298 = arith.constant 112 : index
        %get3A_299 = tpu.vector_load %arg10[%get3A_296, %get3A_297, %get3A_298] {strides = array<i32>} : memref<2x128x128xf32, #tpu.memory_space<vmem>>, vector<16xf32>,
        %add3A_300 = arith.addf %get3A_294, %get3A_299 : vector<16xf32>
        %swap3A_301 = arith.constant 0 : i32
        %swap3A_302 = arith.index_cast %swap3A_301 : i32 to index
        %swap3A_303 = arith.index_cast %scan3A_179 : i32 to index
        %swap3A_304 = arith.constant 112 : index
        %swap3A_305 = tpu.vector_load %arg9[%swap3A_302, %swap3A_303, %swap3A_304] {strides = array<i32>} : memref<2x128x128xf32, #tpu.memory_space<vmem>>, vector<16xf32>,
        tpu.vector_store %arg9[%swap3A_302, %swap3A_303, %swap3A_304], %add3A_300 {strides = array<i32>} : memref<2x128x128xf32, #tpu.memory_space<vmem>>, vector<16xf32>,
      }
      %scan3A_94 = arith.constant 128 : i32
      %dma_start3A_95 = arith.constant 0 : i32
      %dma_start3A_96 = arith.constant 0 : i32
      %dma_start3A_97 = arith.constant 0 : i32
      %dma_start3A_98 = tpu.memref_slice %arg9[%dma_start3A_95, %dma_start3A_96, %dma_start3A_97] : memref<2x128x128xf32, #tpu.memory_space<vmem>> -> memref<1x128x128xf32, #tpu.memory_space<vmem>>
      %dma_start3A_99 = tpu.memref_squeeze %dma_start3A_98 : memref<1x128x128xf32, #tpu.memory_space<vmem>> -> memref<128x128xf32, #tpu.memory_space<vmem>>
      %dma_start3A_100 = arith.constant 0 : i32
      %dma_start3A_101 = tpu.memref_slice %arg6[%multiple_of3A, %dma_start3A_100] : memref<163840x128xf32, #tpu.memory_space<hbm>> -> memref<128x128xf32, #tpu.memory_space<hbm>>
      %dma_start3A_102 = arith.constant 0 : i32
      %dma_start3A_103 = tpu.memref_slice %arg6[%multiple_of3A, %dma_start3A_102] : memref<163840x128xf32, #tpu.memory_space<hbm>> -> memref<128x128xf32, #tpu.memory_space<hbm>>
      %dma_start3A_104 = arith.constant 0 : i32
      %dma_start3A_105 = arith.constant 0 : i32
      %dma_start3A_106 = tpu.memref_slice %arg9[%dma_start3A_95, %dma_start3A_104, %dma_start3A_105] : memref<2x128x128xf32, #tpu.memory_space<vmem>> -> memref<1x128x128xf32, #tpu.memory_space<vmem>>
      %dma_start3A_107 = tpu.memref_squeeze %dma_start3A_106 : memref<1x128x128xf32, #tpu.memory_space<vmem>> -> memref<128x128xf32, #tpu.memory_space<vmem>>
      tpu.enqueue_dma source(%dma_start3A_107 : memref<128x128xf32, #tpu.memory_space<vmem>>) target(%dma_start3A_103 : memref<128x128xf32, #tpu.memory_space<hbm>>) target_semaphore(%arg13 : memref<!tpu.dma_semaphore, #tpu.memory_space<semaphore_mem>>)
      %add3A_108 = arith.addi %select_n3A, %add3A_22 : i32
      %mul3A_109 = arith.constant 128 : i32
      %mul3A_110 = arith.muli %add3A_108, %mul3A_109 : i32
      %multiple_of3A_111 = tpu.assume_multiple %mul3A_110, 128 : i32
      %dma_wait3A_112 = arith.constant 1 : i32
      %dma_wait3A_113 = arith.constant 0 : i32
      %dma_wait3A_114 = arith.constant 0 : i32
      %dma_wait3A_115 = tpu.memref_slice %arg9[%dma_wait3A_112, %dma_wait3A_113, %dma_wait3A_114] : memref<2x128x128xf32, #tpu.memory_space<vmem>> -> memref<1x128x128xf32, #tpu.memory_space<vmem>>
      %dma_wait3A_116 = tpu.memref_squeeze %dma_wait3A_115 : memref<1x128x128xf32, #tpu.memory_space<vmem>> -> memref<128x128xf32, #tpu.memory_space<vmem>>
      %dma_wait3A_117 = arith.constant 0 : i32
      %dma_wait3A_118 = tpu.memref_slice %arg7[%add3A_22, %dma_wait3A_117] : memref<56x128xi32, #tpu.memory_space<vmem>> -> memref<1x128xi32, #tpu.memory_space<vmem>>
      %dma_wait3A_119 = tpu.memref_squeeze %dma_wait3A_118 : memref<1x128xi32, #tpu.memory_space<vmem>> -> memref<128xi32, #tpu.memory_space<vmem>>
      %dma_wait3A_120 = arith.constant 0 : i32
      %dma_wait3A_121 = arith.constant 0 : i32
      %dma_wait3A_122 = tpu.memref_slice %arg2[%dma_wait3A_120, %dma_wait3A_121] : memref<10000x128xf32, #tpu.memory_space<hbm>> -> memref<10000x128xf32, #tpu.memory_space<hbm>>
      tpu.wait_indirect_dma semaphore(%arg12 : memref<!tpu.dma_semaphore, #tpu.memory_space<semaphore_mem>>) src(%dma_wait3A_122 : memref<10000x128xf32, #tpu.memory_space<hbm>>) dst(%dma_wait3A_116 : memref<128x128xf32, #tpu.memory_space<vmem>>)
      %dma_wait3A_123 = arith.constant 1 : i32
      %dma_wait3A_124 = arith.constant 0 : i32
      %dma_wait3A_125 = arith.constant 0 : i32
      %dma_wait3A_126 = tpu.memref_slice %arg10[%dma_wait3A_123, %dma_wait3A_124, %dma_wait3A_125] : memref<2x128x128xf32, #tpu.memory_space<vmem>> -> memref<1x128x128xf32, #tpu.memory_space<vmem>>
      %dma_wait3A_127 = tpu.memref_squeeze %dma_wait3A_126 : memref<1x128x128xf32, #tpu.memory_space<vmem>> -> memref<128x128xf32, #tpu.memory_space<vmem>>
      %dma_wait3A_128 = arith.constant 0 : i32
      %dma_wait3A_129 = tpu.memref_slice %arg8[%add3A_22, %dma_wait3A_128] : memref<56x128xi32, #tpu.memory_space<vmem>> -> memref<1x128xi32, #tpu.memory_space<vmem>>
      %dma_wait3A_130 = tpu.memref_squeeze %dma_wait3A_129 : memref<1x128xi32, #tpu.memory_space<vmem>> -> memref<128xi32, #tpu.memory_space<vmem>>
      %dma_wait3A_131 = arith.constant 0 : i32
      %dma_wait3A_132 = arith.constant 0 : i32
      %dma_wait3A_133 = tpu.memref_slice %arg3[%dma_wait3A_131, %dma_wait3A_132] : memref<10000x128xf32, #tpu.memory_space<hbm>> -> memref<10000x128xf32, #tpu.memory_space<hbm>>
      tpu.wait_indirect_dma semaphore(%arg12 : memref<!tpu.dma_semaphore, #tpu.memory_space<semaphore_mem>>) src(%dma_wait3A_133 : memref<10000x128xf32, #tpu.memory_space<hbm>>) dst(%dma_wait3A_127 : memref<128x128xf32, #tpu.memory_space<vmem>>)
      %scan3A_134 = arith.constant 0 : i32
      %scan3A_135 = arith.constant 0 : i32
      %scan3A_136 = arith.constant 128 : i32
      %scan3A_137 = arith.addi %scan3A_135, %scan3A_136 : i32
      %scan3A_138 = arith.constant 1 : i32
      scf.for %scan3A_179 = %scan3A_135 to %scan3A_137 step %scan3A_138  : i32 {
        %get3A = arith.constant 1 : i32
        %get3A_180 = arith.index_cast %get3A : i32 to index
        %get3A_181 = arith.index_cast %scan3A_179 : i32 to index
        %get3A_182 = arith.constant 0 : index
        %get3A_183 = tpu.vector_load %arg9[%get3A_180, %get3A_181, %get3A_182] {strides = array<i32>} : memref<2x128x128xf32, #tpu.memory_space<vmem>>, vector<16xf32>,
        %get3A_184 = arith.constant 1 : i32
        %get3A_185 = arith.index_cast %get3A_184 : i32 to index
        %get3A_186 = arith.index_cast %scan3A_179 : i32 to index
        %get3A_187 = arith.constant 0 : index
        %get3A_188 = tpu.vector_load %arg10[%get3A_185, %get3A_186, %get3A_187] {strides = array<i32>} : memref<2x128x128xf32, #tpu.memory_space<vmem>>, vector<16xf32>,
        %add3A_189 = arith.addf %get3A_183, %get3A_188 : vector<16xf32>
        %swap3A = arith.constant 1 : i32
        %swap3A_190 = arith.index_cast %swap3A : i32 to index
        %swap3A_191 = arith.index_cast %scan3A_179 : i32 to index
        %swap3A_192 = arith.constant 0 : index
        %swap3A_193 = tpu.vector_load %arg9[%swap3A_190, %swap3A_191, %swap3A_192] {strides = array<i32>} : memref<2x128x128xf32, #tpu.memory_space<vmem>>, vector<16xf32>,
        tpu.vector_store %arg9[%swap3A_190, %swap3A_191, %swap3A_192], %add3A_189 {strides = array<i32>} : memref<2x128x128xf32, #tpu.memory_space<vmem>>, vector<16xf32>,
        %get3A_194 = arith.constant 1 : i32
        %get3A_195 = arith.index_cast %get3A_194 : i32 to index
        %get3A_196 = arith.index_cast %scan3A_179 : i32 to index
        %get3A_197 = arith.constant 16 : index
        %get3A_198 = tpu.vector_load %arg9[%get3A_195, %get3A_196, %get3A_197] {strides = array<i32>} : memref<2x128x128xf32, #tpu.memory_space<vmem>>, vector<16xf32>,
        %get3A_199 = arith.constant 1 : i32
        %get3A_200 = arith.index_cast %get3A_199 : i32 to index
        %get3A_201 = arith.index_cast %scan3A_179 : i32 to index
        %get3A_202 = arith.constant 16 : index
        %get3A_203 = tpu.vector_load %arg10[%get3A_200, %get3A_201, %get3A_202] {strides = array<i32>} : memref<2x128x128xf32, #tpu.memory_space<vmem>>, vector<16xf32>,
        %add3A_204 = arith.addf %get3A_198, %get3A_203 : vector<16xf32>
        %swap3A_205 = arith.constant 1 : i32
        %swap3A_206 = arith.index_cast %swap3A_205 : i32 to index
        %swap3A_207 = arith.index_cast %scan3A_179 : i32 to index
        %swap3A_208 = arith.constant 16 : index
        %swap3A_209 = tpu.vector_load %arg9[%swap3A_206, %swap3A_207, %swap3A_208] {strides = array<i32>} : memref<2x128x128xf32, #tpu.memory_space<vmem>>, vector<16xf32>,
        tpu.vector_store %arg9[%swap3A_206, %swap3A_207, %swap3A_208], %add3A_204 {strides = array<i32>} : memref<2x128x128xf32, #tpu.memory_space<vmem>>, vector<16xf32>,
        %get3A_210 = arith.constant 1 : i32
        %get3A_211 = arith.index_cast %get3A_210 : i32 to index
        %get3A_212 = arith.index_cast %scan3A_179 : i32 to index
        %get3A_213 = arith.constant 32 : index
        %get3A_214 = tpu.vector_load %arg9[%get3A_211, %get3A_212, %get3A_213] {strides = array<i32>} : memref<2x128x128xf32, #tpu.memory_space<vmem>>, vector<16xf32>,
        %get3A_215 = arith.constant 1 : i32
        %get3A_216 = arith.index_cast %get3A_215 : i32 to index
        %get3A_217 = arith.index_cast %scan3A_179 : i32 to index
        %get3A_218 = arith.constant 32 : index
        %get3A_219 = tpu.vector_load %arg10[%get3A_216, %get3A_217, %get3A_218] {strides = array<i32>} : memref<2x128x128xf32, #tpu.memory_space<vmem>>, vector<16xf32>,
        %add3A_220 = arith.addf %get3A_214, %get3A_219 : vector<16xf32>
        %swap3A_221 = arith.constant 1 : i32
        %swap3A_222 = arith.index_cast %swap3A_221 : i32 to index
        %swap3A_223 = arith.index_cast %scan3A_179 : i32 to index
        %swap3A_224 = arith.constant 32 : index
        %swap3A_225 = tpu.vector_load %arg9[%swap3A_222, %swap3A_223, %swap3A_224] {strides = array<i32>} : memref<2x128x128xf32, #tpu.memory_space<vmem>>, vector<16xf32>,
        tpu.vector_store %arg9[%swap3A_222, %swap3A_223, %swap3A_224], %add3A_220 {strides = array<i32>} : memref<2x128x128xf32, #tpu.memory_space<vmem>>, vector<16xf32>,
        %get3A_226 = arith.constant 1 : i32
        %get3A_227 = arith.index_cast %get3A_226 : i32 to index
        %get3A_228 = arith.index_cast %scan3A_179 : i32 to index
        %get3A_229 = arith.constant 48 : index
        %get3A_230 = tpu.vector_load %arg9[%get3A_227, %get3A_228, %get3A_229] {strides = array<i32>} : memref<2x128x128xf32, #tpu.memory_space<vmem>>, vector<16xf32>,
        %get3A_231 = arith.constant 1 : i32
        %get3A_232 = arith.index_cast %get3A_231 : i32 to index
        %get3A_233 = arith.index_cast %scan3A_179 : i32 to index
        %get3A_234 = arith.constant 48 : index
        %get3A_235 = tpu.vector_load %arg10[%get3A_232, %get3A_233, %get3A_234] {strides = array<i32>} : memref<2x128x128xf32, #tpu.memory_space<vmem>>, vector<16xf32>,
        %add3A_236 = arith.addf %get3A_230, %get3A_235 : vector<16xf32>
        %swap3A_237 = arith.constant 1 : i32
        %swap3A_238 = arith.index_cast %swap3A_237 : i32 to index
        %swap3A_239 = arith.index_cast %scan3A_179 : i32 to index
        %swap3A_240 = arith.constant 48 : index
        %swap3A_241 = tpu.vector_load %arg9[%swap3A_238, %swap3A_239, %swap3A_240] {strides = array<i32>} : memref<2x128x128xf32, #tpu.memory_space<vmem>>, vector<16xf32>,
        tpu.vector_store %arg9[%swap3A_238, %swap3A_239, %swap3A_240], %add3A_236 {strides = array<i32>} : memref<2x128x128xf32, #tpu.memory_space<vmem>>, vector<16xf32>,
        %get3A_242 = arith.constant 1 : i32
        %get3A_243 = arith.index_cast %get3A_242 : i32 to index
        %get3A_244 = arith.index_cast %scan3A_179 : i32 to index
        %get3A_245 = arith.constant 64 : index
        %get3A_246 = tpu.vector_load %arg9[%get3A_243, %get3A_244, %get3A_245] {strides = array<i32>} : memref<2x128x128xf32, #tpu.memory_space<vmem>>, vector<16xf32>,
        %get3A_247 = arith.constant 1 : i32
        %get3A_248 = arith.index_cast %get3A_247 : i32 to index
        %get3A_249 = arith.index_cast %scan3A_179 : i32 to index
        %get3A_250 = arith.constant 64 : index
        %get3A_251 = tpu.vector_load %arg10[%get3A_248, %get3A_249, %get3A_250] {strides = array<i32>} : memref<2x128x128xf32, #tpu.memory_space<vmem>>, vector<16xf32>,
        %add3A_252 = arith.addf %get3A_246, %get3A_251 : vector<16xf32>
        %swap3A_253 = arith.constant 1 : i32
        %swap3A_254 = arith.index_cast %swap3A_253 : i32 to index
        %swap3A_255 = arith.index_cast %scan3A_179 : i32 to index
        %swap3A_256 = arith.constant 64 : index
        %swap3A_257 = tpu.vector_load %arg9[%swap3A_254, %swap3A_255, %swap3A_256] {strides = array<i32>} : memref<2x128x128xf32, #tpu.memory_space<vmem>>, vector<16xf32>,
        tpu.vector_store %arg9[%swap3A_254, %swap3A_255, %swap3A_256], %add3A_252 {strides = array<i32>} : memref<2x128x128xf32, #tpu.memory_space<vmem>>, vector<16xf32>,
        %get3A_258 = arith.constant 1 : i32
        %get3A_259 = arith.index_cast %get3A_258 : i32 to index
        %get3A_260 = arith.index_cast %scan3A_179 : i32 to index
        %get3A_261 = arith.constant 80 : index
        %get3A_262 = tpu.vector_load %arg9[%get3A_259, %get3A_260, %get3A_261] {strides = array<i32>} : memref<2x128x128xf32, #tpu.memory_space<vmem>>, vector<16xf32>,
        %get3A_263 = arith.constant 1 : i32
        %get3A_264 = arith.index_cast %get3A_263 : i32 to index
        %get3A_265 = arith.index_cast %scan3A_179 : i32 to index
        %get3A_266 = arith.constant 80 : index
        %get3A_267 = tpu.vector_load %arg10[%get3A_264, %get3A_265, %get3A_266] {strides = array<i32>} : memref<2x128x128xf32, #tpu.memory_space<vmem>>, vector<16xf32>,
        %add3A_268 = arith.addf %get3A_262, %get3A_267 : vector<16xf32>
        %swap3A_269 = arith.constant 1 : i32
        %swap3A_270 = arith.index_cast %swap3A_269 : i32 to index
        %swap3A_271 = arith.index_cast %scan3A_179 : i32 to index
        %swap3A_272 = arith.constant 80 : index
        %swap3A_273 = tpu.vector_load %arg9[%swap3A_270, %swap3A_271, %swap3A_272] {strides = array<i32>} : memref<2x128x128xf32, #tpu.memory_space<vmem>>, vector<16xf32>,
        tpu.vector_store %arg9[%swap3A_270, %swap3A_271, %swap3A_272], %add3A_268 {strides = array<i32>} : memref<2x128x128xf32, #tpu.memory_space<vmem>>, vector<16xf32>,
        %get3A_274 = arith.constant 1 : i32
        %get3A_275 = arith.index_cast %get3A_274 : i32 to index
        %get3A_276 = arith.index_cast %scan3A_179 : i32 to index
        %get3A_277 = arith.constant 96 : index
        %get3A_278 = tpu.vector_load %arg9[%get3A_275, %get3A_276, %get3A_277] {strides = array<i32>} : memref<2x128x128xf32, #tpu.memory_space<vmem>>, vector<16xf32>,
        %get3A_279 = arith.constant 1 : i32
        %get3A_280 = arith.index_cast %get3A_279 : i32 to index
        %get3A_281 = arith.index_cast %scan3A_179 : i32 to index
        %get3A_282 = arith.constant 96 : index
        %get3A_283 = tpu.vector_load %arg10[%get3A_280, %get3A_281, %get3A_282] {strides = array<i32>} : memref<2x128x128xf32, #tpu.memory_space<vmem>>, vector<16xf32>,
        %add3A_284 = arith.addf %get3A_278, %get3A_283 : vector<16xf32>
        %swap3A_285 = arith.constant 1 : i32
        %swap3A_286 = arith.index_cast %swap3A_285 : i32 to index
        %swap3A_287 = arith.index_cast %scan3A_179 : i32 to index
        %swap3A_288 = arith.constant 96 : index
        %swap3A_289 = tpu.vector_load %arg9[%swap3A_286, %swap3A_287, %swap3A_288] {strides = array<i32>} : memref<2x128x128xf32, #tpu.memory_space<vmem>>, vector<16xf32>,
        tpu.vector_store %arg9[%swap3A_286, %swap3A_287, %swap3A_288], %add3A_284 {strides = array<i32>} : memref<2x128x128xf32, #tpu.memory_space<vmem>>, vector<16xf32>,
        %get3A_290 = arith.constant 1 : i32
        %get3A_291 = arith.index_cast %get3A_290 : i32 to index
        %get3A_292 = arith.index_cast %scan3A_179 : i32 to index
        %get3A_293 = arith.constant 112 : index
        %get3A_294 = tpu.vector_load %arg9[%get3A_291, %get3A_292, %get3A_293] {strides = array<i32>} : memref<2x128x128xf32, #tpu.memory_space<vmem>>, vector<16xf32>,
        %get3A_295 = arith.constant 1 : i32
        %get3A_296 = arith.index_cast %get3A_295 : i32 to index
        %get3A_297 = arith.index_cast %scan3A_179 : i32 to index
        %get3A_298 = arith.constant 112 : index
        %get3A_299 = tpu.vector_load %arg10[%get3A_296, %get3A_297, %get3A_298] {strides = array<i32>} : memref<2x128x128xf32, #tpu.memory_space<vmem>>, vector<16xf32>,
        %add3A_300 = arith.addf %get3A_294, %get3A_299 : vector<16xf32>
        %swap3A_301 = arith.constant 1 : i32
        %swap3A_302 = arith.index_cast %swap3A_301 : i32 to index
        %swap3A_303 = arith.index_cast %scan3A_179 : i32 to index
        %swap3A_304 = arith.constant 112 : index
        %swap3A_305 = tpu.vector_load %arg9[%swap3A_302, %swap3A_303, %swap3A_304] {strides = array<i32>} : memref<2x128x128xf32, #tpu.memory_space<vmem>>, vector<16xf32>,
        tpu.vector_store %arg9[%swap3A_302, %swap3A_303, %swap3A_304], %add3A_300 {strides = array<i32>} : memref<2x128x128xf32, #tpu.memory_space<vmem>>, vector<16xf32>,
      }
      %scan3A_139 = arith.constant 128 : i32
      %dma_start3A_140 = arith.constant 1 : i32
      %dma_start3A_141 = arith.constant 0 : i32
      %dma_start3A_142 = arith.constant 0 : i32
      %dma_start3A_143 = tpu.memref_slice %arg9[%dma_start3A_140, %dma_start3A_141, %dma_start3A_142] : memref<2x128x128xf32, #tpu.memory_space<vmem>> -> memref<1x128x128xf32, #tpu.memory_space<vmem>>
      %dma_start3A_144 = tpu.memref_squeeze %dma_start3A_143 : memref<1x128x128xf32, #tpu.memory_space<vmem>> -> memref<128x128xf32, #tpu.memory_space<vmem>>
      %dma_start3A_145 = arith.constant 0 : i32
      %dma_start3A_146 = tpu.memref_slice %arg6[%multiple_of3A_111, %dma_start3A_145] : memref<163840x128xf32, #tpu.memory_space<hbm>> -> memref<128x128xf32, #tpu.memory_space<hbm>>
      %dma_start3A_147 = arith.constant 0 : i32
      %dma_start3A_148 = tpu.memref_slice %arg6[%multiple_of3A_111, %dma_start3A_147] : memref<163840x128xf32, #tpu.memory_space<hbm>> -> memref<128x128xf32, #tpu.memory_space<hbm>>
      %dma_start3A_149 = arith.constant 0 : i32
      %dma_start3A_150 = arith.constant 0 : i32
      %dma_start3A_151 = tpu.memref_slice %arg9[%dma_start3A_140, %dma_start3A_149, %dma_start3A_150] : memref<2x128x128xf32, #tpu.memory_space<vmem>> -> memref<1x128x128xf32, #tpu.memory_space<vmem>>
      %dma_start3A_152 = tpu.memref_squeeze %dma_start3A_151 : memref<1x128x128xf32, #tpu.memory_space<vmem>> -> memref<128x128xf32, #tpu.memory_space<vmem>>
      tpu.enqueue_dma source(%dma_start3A_152 : memref<128x128xf32, #tpu.memory_space<vmem>>) target(%dma_start3A_148 : memref<128x128xf32, #tpu.memory_space<hbm>>) target_semaphore(%arg14 : memref<!tpu.dma_semaphore, #tpu.memory_space<semaphore_mem>>)
      %dma_wait3A_153 = arith.constant 0 : i32
      %dma_wait3A_154 = arith.constant 0 : i32
      %dma_wait3A_155 = arith.constant 0 : i32
      %dma_wait3A_156 = tpu.memref_slice %arg9[%dma_wait3A_153, %dma_wait3A_154, %dma_wait3A_155] : memref<2x128x128xf32, #tpu.memory_space<vmem>> -> memref<1x128x128xf32, #tpu.memory_space<vmem>>
      %dma_wait3A_157 = tpu.memref_squeeze %dma_wait3A_156 : memref<1x128x128xf32, #tpu.memory_space<vmem>> -> memref<128x128xf32, #tpu.memory_space<vmem>>
      %dma_wait3A_158 = arith.constant 0 : i32
      %dma_wait3A_159 = tpu.memref_slice %arg6[%multiple_of3A, %dma_wait3A_158] : memref<163840x128xf32, #tpu.memory_space<hbm>> -> memref<128x128xf32, #tpu.memory_space<hbm>>
      %dma_wait3A_160 = arith.constant 0 : i32
      %dma_wait3A_161 = tpu.memref_slice %arg6[%multiple_of3A, %dma_wait3A_160] : memref<163840x128xf32, #tpu.memory_space<hbm>> -> memref<128x128xf32, #tpu.memory_space<hbm>>
      %dma_wait3A_162 = arith.constant 0 : i32
      %dma_wait3A_163 = arith.constant 0 : i32
      %dma_wait3A_164 = tpu.memref_slice %arg9[%dma_wait3A_153, %dma_wait3A_162, %dma_wait3A_163] : memref<2x128x128xf32, #tpu.memory_space<vmem>> -> memref<1x128x128xf32, #tpu.memory_space<vmem>>
      %dma_wait3A_165 = tpu.memref_squeeze %dma_wait3A_164 : memref<1x128x128xf32, #tpu.memory_space<vmem>> -> memref<128x128xf32, #tpu.memory_space<vmem>>
      tpu.wait_dma2 semaphore(%arg13 : memref<!tpu.dma_semaphore, #tpu.memory_space<semaphore_mem>>) src(%dma_wait3A_165 : memref<128x128xf32, #tpu.memory_space<vmem>>) dst(%dma_wait3A_161 : memref<128x128xf32, #tpu.memory_space<hbm>>)
      %dma_wait3A_166 = arith.constant 1 : i32
      %dma_wait3A_167 = arith.constant 0 : i32
      %dma_wait3A_168 = arith.constant 0 : i32
      %dma_wait3A_169 = tpu.memref_slice %arg9[%dma_wait3A_166, %dma_wait3A_167, %dma_wait3A_168] : memref<2x128x128xf32, #tpu.memory_space<vmem>> -> memref<1x128x128xf32, #tpu.memory_space<vmem>>
      %dma_wait3A_170 = tpu.memref_squeeze %dma_wait3A_169 : memref<1x128x128xf32, #tpu.memory_space<vmem>> -> memref<128x128xf32, #tpu.memory_space<vmem>>
      %dma_wait3A_171 = arith.constant 0 : i32
      %dma_wait3A_172 = tpu.memref_slice %arg6[%multiple_of3A_111, %dma_wait3A_171] : memref<163840x128xf32, #tpu.memory_space<hbm>> -> memref<128x128xf32, #tpu.memory_space<hbm>>
      %dma_wait3A_173 = arith.constant 0 : i32
      %dma_wait3A_174 = tpu.memref_slice %arg6[%multiple_of3A_111, %dma_wait3A_173] : memref<163840x128xf32, #tpu.memory_space<hbm>> -> memref<128x128xf32, #tpu.memory_space<hbm>>
      %dma_wait3A_175 = arith.constant 0 : i32
      %dma_wait3A_176 = arith.constant 0 : i32
      %dma_wait3A_177 = tpu.memref_slice %arg9[%dma_wait3A_166, %dma_wait3A_175, %dma_wait3A_176] : memref<2x128x128xf32, #tpu.memory_space<vmem>> -> memref<1x128x128xf32, #tpu.memory_space<vmem>>
      %dma_wait3A_178 = tpu.memref_squeeze %dma_wait3A_177 : memref<1x128x128xf32, #tpu.memory_space<vmem>> -> memref<128x128xf32, #tpu.memory_space<vmem>>
      tpu.wait_dma2 semaphore(%arg14 : memref<!tpu.dma_semaphore, #tpu.memory_space<semaphore_mem>>) src(%dma_wait3A_178 : memref<128x128xf32, #tpu.memory_space<vmem>>) dst(%dma_wait3A_174 : memref<128x128xf32, #tpu.memory_space<hbm>>)
    }
    return
  }
}

module attributes {stable_mosaic.version = 14 : i64} {
  func.func @_proj_body(%arg0: i32, %arg1: memref<1000x128xf32, #tpu.memory_space<vmem>>, %arg2: memref<128x128xf32, #tpu.memory_space<vmem>>, %arg3: memref<128x128xf32, #tpu.memory_space<vmem>>, %arg4: memref<1x128xf32, #tpu.memory_space<vmem>>, %arg5: memref<1000x128xf32, #tpu.memory_space<vmem>>, %arg6: memref<1000x128xf32, #tpu.memory_space<vmem>>) attributes {dimension_semantics = [#tpu.dimension_semantics<arbitrary>], iteration_bounds = array<i64: 10>, scalar_prefetch = 0 : i64, scratch_operands = 0 : i64, tpu.core_type = #tpu.core_type<tc>, window_params = [{transform_indices = @transform_0, window_bounds = array<i64: 1000, 128>}, {pipeline_mode = #tpu.pipeline_mode<synchronous>, transform_indices = @transform_1, window_bounds = array<i64: 128, 128>}, {pipeline_mode = #tpu.pipeline_mode<synchronous>, transform_indices = @transform_2, window_bounds = array<i64: 128, 128>}, {pipeline_mode = #tpu.pipeline_mode<synchronous>, transform_indices = @transform_3, window_bounds = array<i64: 1, 128>}, {transform_indices = @transform_4, window_bounds = array<i64: 1000, 128>}, {transform_indices = @transform_5, window_bounds = array<i64: 1000, 128>}]} {
    %get3A = arith.constant 0 : index
    %get3A_0 = arith.constant 0 : index
    %get3A_1 = vector.load %arg1[%get3A, %get3A_0] : memref<1000x128xf32, #tpu.memory_space<vmem>>, vector<1000x128xf32>
    %get3A_2 = arith.constant 0 : index
    %get3A_3 = arith.constant 0 : index
    %get3A_4 = vector.load %arg2[%get3A_2, %get3A_3] : memref<128x128xf32, #tpu.memory_space<vmem>>, vector<128x128xf32>
    %dot_general3A = arith.constant dense<0.000000e+00> : vector<1000x128xf32>
    %dot_general3A_5 = tpu.matmul %get3A_1, %get3A_4, %dot_general3A {dimension_numbers = #tpu.dot_dimension_numbers<[1], [0], [0], [1], [0, 0, 1, 1], [], []>, transpose_lhs_hint = false} : vector<1000x128xf32>, vector<128x128xf32>, vector<1000x128xf32> -> vector<1000x128xf32>
    %get3A_6 = arith.constant 0 : index
    %get3A_7 = arith.constant 0 : index
    %get3A_8 = vector.load %arg4[%get3A_6, %get3A_7] : memref<1x128xf32, #tpu.memory_space<vmem>>, vector<1x128xf32>
    %add3A = vector.broadcast %get3A_8 : vector<1x128xf32> to vector<1000x128xf32>
    %add3A_9 = arith.addf %dot_general3A_5, %add3A : vector<1000x128xf32>
    %swap3A = arith.constant 0 : index
    %swap3A_10 = arith.constant 0 : index
    %swap3A_11 = vector.load %arg5[%swap3A, %swap3A_10] : memref<1000x128xf32, #tpu.memory_space<vmem>>, vector<1000x128xf32>
    tpu.vector_store %arg5[%swap3A, %swap3A_10], %add3A_9 {strides = array<i32>} : memref<1000x128xf32, #tpu.memory_space<vmem>>, vector<1000x128xf32>,
    %get3A_12 = arith.constant 0 : index
    %get3A_13 = arith.constant 0 : index
    %get3A_14 = vector.load %arg3[%get3A_12, %get3A_13] : memref<128x128xf32, #tpu.memory_space<vmem>>, vector<128x128xf32>
    %dot_general3A_15 = arith.constant dense<0.000000e+00> : vector<1000x128xf32>
    %dot_general3A_16 = tpu.matmul %get3A_1, %get3A_14, %dot_general3A_15 {dimension_numbers = #tpu.dot_dimension_numbers<[1], [0], [0], [1], [0, 0, 1, 1], [], []>, transpose_lhs_hint = false} : vector<1000x128xf32>, vector<128x128xf32>, vector<1000x128xf32> -> vector<1000x128xf32>
    %swap3A_17 = arith.constant 0 : index
    %swap3A_18 = arith.constant 0 : index
    %swap3A_19 = vector.load %arg6[%swap3A_17, %swap3A_18] : memref<1000x128xf32, #tpu.memory_space<vmem>>, vector<1000x128xf32>
    tpu.vector_store %arg6[%swap3A_17, %swap3A_18], %dot_general3A_16 {strides = array<i32>} : memref<1000x128xf32, #tpu.memory_space<vmem>>, vector<1000x128xf32>,
    return
  }
  func.func @transform_0(%arg0: i32) -> (i32, i32) {
    %c0_i32 = arith.constant 0 : i32
    %c0_i32_0 = arith.constant 0 : i32
    return %arg0, %c0_i32 : i32, i32
  }
  func.func @transform_1(%arg0: i32) -> (i32, i32) {
    %c0_i32 = arith.constant 0 : i32
    %c0_i32_0 = arith.constant 0 : i32
    %c0_i32_1 = arith.constant 0 : i32
    return %c0_i32, %c0_i32_0 : i32, i32
  }
  func.func @transform_2(%arg0: i32) -> (i32, i32) {
    %c0_i32 = arith.constant 0 : i32
    %c0_i32_0 = arith.constant 0 : i32
    %c0_i32_1 = arith.constant 0 : i32
    return %c0_i32, %c0_i32_0 : i32, i32
  }
  func.func @transform_3(%arg0: i32) -> (i32, i32) {
    %c0_i32 = arith.constant 0 : i32
    %c0_i32_0 = arith.constant 0 : i32
    %c0_i32_1 = arith.constant 0 : i32
    return %c0_i32, %c0_i32_0 : i32, i32
  }
  func.func @transform_4(%arg0: i32) -> (i32, i32) {
    %c0_i32 = arith.constant 0 : i32
    %c0_i32_0 = arith.constant 0 : i32
    return %arg0, %c0_i32 : i32, i32
  }
  func.func @transform_5(%arg0: i32) -> (i32, i32) {
    %c0_i32 = arith.constant 0 : i32
    %c0_i32_0 = arith.constant 0 : i32
    return %arg0, %c0_i32 : i32, i32
  }
}

module attributes {stable_mosaic.version = 14 : i64} {
  func.func @_edge_body(%arg0: i32, %arg1: memref<4096x128xf32, #tpu.memory_space<vmem>>, %arg2: memref<4096x4xf32, #tpu.memory_space<vmem>>, %arg3: memref<128x128xf32, #tpu.memory_space<vmem>>, %arg4: memref<1x128xf32, #tpu.memory_space<vmem>>, %arg5: memref<128x128xf32, #tpu.memory_space<vmem>>, %arg6: memref<1x128xf32, #tpu.memory_space<vmem>>, %arg7: memref<128x8xf32, #tpu.memory_space<vmem>>, %arg8: memref<1x8xf32, #tpu.memory_space<vmem>>, %arg9: memref<1x128xf32, #tpu.memory_space<vmem>>, %arg10: memref<4096x4xf32, #tpu.memory_space<vmem>>, %arg11: memref<4096x4xf32, #tpu.memory_space<vmem>>) attributes {dimension_semantics = [#tpu.dimension_semantics<arbitrary>], iteration_bounds = array<i64: 40>, scalar_prefetch = 0 : i64, scratch_operands = 0 : i64, tpu.core_type = #tpu.core_type<tc>, window_params = [{transform_indices = @transform_0, window_bounds = array<i64: 4096, 128>}, {transform_indices = @transform_1, window_bounds = array<i64: 4096, 4>}, {pipeline_mode = #tpu.pipeline_mode<synchronous>, transform_indices = @transform_2, window_bounds = array<i64: 128, 128>}, {pipeline_mode = #tpu.pipeline_mode<synchronous>, transform_indices = @transform_3, window_bounds = array<i64: 1, 128>}, {pipeline_mode = #tpu.pipeline_mode<synchronous>, transform_indices = @transform_4, window_bounds = array<i64: 128, 128>}, {pipeline_mode = #tpu.pipeline_mode<synchronous>, transform_indices = @transform_5, window_bounds = array<i64: 1, 128>}, {pipeline_mode = #tpu.pipeline_mode<synchronous>, transform_indices = @transform_6, window_bounds = array<i64: 128, 8>}, {pipeline_mode = #tpu.pipeline_mode<synchronous>, transform_indices = @transform_7, window_bounds = array<i64: 1, 8>}, {pipeline_mode = #tpu.pipeline_mode<synchronous>, transform_indices = @transform_8, window_bounds = array<i64: 1, 128>}, {transform_indices = @transform_9, window_bounds = array<i64: 4096, 4>}, {transform_indices = @transform_10, window_bounds = array<i64: 4096, 4>}]} {
    %get3A = arith.constant 0 : index
    %get3A_0 = arith.constant 0 : index
    %get3A_1 = vector.load %arg2[%get3A, %get3A_0] : memref<4096x4xf32, #tpu.memory_space<vmem>>, vector<4096x4xf32>
    %mul3A = arith.mulf %get3A_1, %get3A_1 : vector<4096x4xf32>
    %reduce_sum3A = arith.constant dense<0.000000e+00> : vector<4096xf32>
    %reduce_sum3A_2 = vector.multi_reduction <add>, %mul3A, %reduce_sum3A [1] : vector<4096x4xf32> to vector<4096xf32>
    %broadcast_in_dim3A = vector.shape_cast %reduce_sum3A_2 : vector<4096xf32> to vector<4096x1xf32>
    %max3A = arith.constant 9.99999996E-13 : f32
    %max3A_3 = vector.broadcast %max3A : f32 to vector<4096x1xf32>
    %max3A_4 = arith.maximumf %broadcast_in_dim3A, %max3A_3 : vector<4096x1xf32>
    %sqrt3A = math.sqrt %max3A_4 : vector<4096x1xf32>
    %get3A_5 = arith.constant 0 : index
    %get3A_6 = arith.constant 0 : index
    %get3A_7 = vector.load %arg1[%get3A_5, %get3A_6] : memref<4096x128xf32, #tpu.memory_space<vmem>>, vector<4096x128xf32>
    %get3A_8 = arith.constant 0 : index
    %get3A_9 = arith.constant 0 : index
    %get3A_10 = vector.load %arg9[%get3A_8, %get3A_9] : memref<1x128xf32, #tpu.memory_space<vmem>>, vector<1x128xf32>
    %mul3A_11 = vector.broadcast %sqrt3A : vector<4096x1xf32> to vector<4096x128xf32>
    %mul3A_12 = vector.broadcast %get3A_10 : vector<1x128xf32> to vector<4096x128xf32>
    %mul3A_13 = arith.mulf %mul3A_11, %mul3A_12 : vector<4096x128xf32>
    %add3A = arith.addf %get3A_7, %mul3A_13 : vector<4096x128xf32>
    %mul3A_14 = arith.constant 1.000000e-03 : f32
    %mul3A_15 = vector.broadcast %mul3A_14 : f32 to vector<4096x128xf32>
    %mul3A_16 = arith.mulf %mul3A_15, %add3A : vector<4096x128xf32>
    %max3A_17 = arith.maximumf %add3A, %mul3A_16 : vector<4096x128xf32>
    %get3A_18 = arith.constant 0 : index
    %get3A_19 = arith.constant 0 : index
    %get3A_20 = vector.load %arg3[%get3A_18, %get3A_19] : memref<128x128xf32, #tpu.memory_space<vmem>>, vector<128x128xf32>
    %dot_general3A = arith.constant dense<0.000000e+00> : vector<4096x128xf32>
    %dot_general3A_21 = tpu.matmul %max3A_17, %get3A_20, %dot_general3A {dimension_numbers = #tpu.dot_dimension_numbers<[1], [0], [0], [1], [0, 0, 1, 1], [], []>, transpose_lhs_hint = false} : vector<4096x128xf32>, vector<128x128xf32>, vector<4096x128xf32> -> vector<4096x128xf32>
    %get3A_22 = arith.constant 0 : index
    %get3A_23 = arith.constant 0 : index
    %get3A_24 = vector.load %arg4[%get3A_22, %get3A_23] : memref<1x128xf32, #tpu.memory_space<vmem>>, vector<1x128xf32>
    %add3A_25 = vector.broadcast %get3A_24 : vector<1x128xf32> to vector<4096x128xf32>
    %add3A_26 = arith.addf %dot_general3A_21, %add3A_25 : vector<4096x128xf32>
    %mul3A_27 = arith.constant 1.000000e-03 : f32
    %mul3A_28 = vector.broadcast %mul3A_27 : f32 to vector<4096x128xf32>
    %mul3A_29 = arith.mulf %mul3A_28, %add3A_26 : vector<4096x128xf32>
    %max3A_30 = arith.maximumf %add3A_26, %mul3A_29 : vector<4096x128xf32>
    %get3A_31 = arith.constant 0 : index
    %get3A_32 = arith.constant 0 : index
    %get3A_33 = vector.load %arg5[%get3A_31, %get3A_32] : memref<128x128xf32, #tpu.memory_space<vmem>>, vector<128x128xf32>
    %dot_general3A_34 = arith.constant dense<0.000000e+00> : vector<4096x128xf32>
    %dot_general3A_35 = tpu.matmul %max3A_30, %get3A_33, %dot_general3A_34 {dimension_numbers = #tpu.dot_dimension_numbers<[1], [0], [0], [1], [0, 0, 1, 1], [], []>, transpose_lhs_hint = false} : vector<4096x128xf32>, vector<128x128xf32>, vector<4096x128xf32> -> vector<4096x128xf32>
    %get3A_36 = arith.constant 0 : index
    %get3A_37 = arith.constant 0 : index
    %get3A_38 = vector.load %arg6[%get3A_36, %get3A_37] : memref<1x128xf32, #tpu.memory_space<vmem>>, vector<1x128xf32>
    %add3A_39 = vector.broadcast %get3A_38 : vector<1x128xf32> to vector<4096x128xf32>
    %add3A_40 = arith.addf %dot_general3A_35, %add3A_39 : vector<4096x128xf32>
    %mul3A_41 = arith.constant 1.000000e-03 : f32
    %mul3A_42 = vector.broadcast %mul3A_41 : f32 to vector<4096x128xf32>
    %mul3A_43 = arith.mulf %mul3A_42, %add3A_40 : vector<4096x128xf32>
    %max3A_44 = arith.maximumf %add3A_40, %mul3A_43 : vector<4096x128xf32>
    %get3A_45 = arith.constant 0 : index
    %get3A_46 = arith.constant 0 : index
    %get3A_47 = vector.load %arg7[%get3A_45, %get3A_46] : memref<128x8xf32, #tpu.memory_space<vmem>>, vector<128x8xf32>
    %dot_general3A_48 = arith.constant dense<0.000000e+00> : vector<4096x8xf32>
    %dot_general3A_49 = tpu.matmul %max3A_44, %get3A_47, %dot_general3A_48 {dimension_numbers = #tpu.dot_dimension_numbers<[1], [0], [0], [1], [0, 0, 1, 1], [], []>, transpose_lhs_hint = false} : vector<4096x128xf32>, vector<128x8xf32>, vector<4096x8xf32> -> vector<4096x8xf32>
    %get3A_50 = arith.constant 0 : index
    %get3A_51 = arith.constant 0 : index
    %get3A_52 = vector.load %arg8[%get3A_50, %get3A_51] : memref<1x8xf32, #tpu.memory_space<vmem>>, vector<1x8xf32>
    %add3A_53 = vector.broadcast %get3A_52 : vector<1x8xf32> to vector<4096x8xf32>
    %add3A_54 = arith.addf %dot_general3A_49, %add3A_53 : vector<4096x8xf32>
    %div3A = vector.broadcast %sqrt3A : vector<4096x1xf32> to vector<4096x4xf32>
    %div3A_55 = arith.divf %get3A_1, %div3A : vector<4096x4xf32>
    %slice3A = vector.extract_strided_slice %add3A_54 {offsets = [0, 0], sizes = [4096, 1], strides = [1, 1]} : vector<4096x8xf32> to vector<4096x1xf32>
    %mul3A_56 = arith.constant -5.000000e-01 : f32
    %mul3A_57 = vector.broadcast %mul3A_56 : f32 to vector<4096x1xf32>
    %mul3A_58 = arith.mulf %mul3A_57, %slice3A : vector<4096x1xf32>
    %mul3A_59 = vector.broadcast %mul3A_58 : vector<4096x1xf32> to vector<4096x4xf32>
    %mul3A_60 = arith.mulf %mul3A_59, %div3A_55 : vector<4096x4xf32>
    %swap3A = arith.constant 0 : index
    %swap3A_61 = arith.constant 0 : index
    %swap3A_62 = vector.load %arg10[%swap3A, %swap3A_61] : memref<4096x4xf32, #tpu.memory_space<vmem>>, vector<4096x4xf32>
    tpu.vector_store %arg10[%swap3A, %swap3A_61], %mul3A_60 {strides = array<i32>} : memref<4096x4xf32, #tpu.memory_space<vmem>>, vector<4096x4xf32>,
    %slice3A_63 = vector.extract_strided_slice %add3A_54 {offsets = [0, 1], sizes = [4096, 1], strides = [1, 1]} : vector<4096x8xf32> to vector<4096x1xf32>
    %mul3A_64 = arith.constant 5.000000e-01 : f32
    %mul3A_65 = vector.broadcast %mul3A_64 : f32 to vector<4096x1xf32>
    %mul3A_66 = arith.mulf %mul3A_65, %slice3A_63 : vector<4096x1xf32>
    %mul3A_67 = vector.broadcast %mul3A_66 : vector<4096x1xf32> to vector<4096x4xf32>
    %mul3A_68 = arith.mulf %mul3A_67, %div3A_55 : vector<4096x4xf32>
    %swap3A_69 = arith.constant 0 : index
    %swap3A_70 = arith.constant 0 : index
    %swap3A_71 = vector.load %arg11[%swap3A_69, %swap3A_70] : memref<4096x4xf32, #tpu.memory_space<vmem>>, vector<4096x4xf32>
    tpu.vector_store %arg11[%swap3A_69, %swap3A_70], %mul3A_68 {strides = array<i32>} : memref<4096x4xf32, #tpu.memory_space<vmem>>, vector<4096x4xf32>,
    return
  }
  func.func @transform_0(%arg0: i32) -> (i32, i32) {
    %c0_i32 = arith.constant 0 : i32
    %c0_i32_0 = arith.constant 0 : i32
    return %arg0, %c0_i32 : i32, i32
  }
  func.func @transform_1(%arg0: i32) -> (i32, i32) {
    %c0_i32 = arith.constant 0 : i32
    %c0_i32_0 = arith.constant 0 : i32
    return %arg0, %c0_i32 : i32, i32
  }
  func.func @transform_2(%arg0: i32) -> (i32, i32) {
    %c0_i32 = arith.constant 0 : i32
    %c0_i32_0 = arith.constant 0 : i32
    %c0_i32_1 = arith.constant 0 : i32
    return %c0_i32, %c0_i32_0 : i32, i32
  }
  func.func @transform_3(%arg0: i32) -> (i32, i32) {
    %c0_i32 = arith.constant 0 : i32
    %c0_i32_0 = arith.constant 0 : i32
    %c0_i32_1 = arith.constant 0 : i32
    return %c0_i32, %c0_i32_0 : i32, i32
  }
  func.func @transform_4(%arg0: i32) -> (i32, i32) {
    %c0_i32 = arith.constant 0 : i32
    %c0_i32_0 = arith.constant 0 : i32
    %c0_i32_1 = arith.constant 0 : i32
    return %c0_i32, %c0_i32_0 : i32, i32
  }
  func.func @transform_5(%arg0: i32) -> (i32, i32) {
    %c0_i32 = arith.constant 0 : i32
    %c0_i32_0 = arith.constant 0 : i32
    %c0_i32_1 = arith.constant 0 : i32
    return %c0_i32, %c0_i32_0 : i32, i32
  }
  func.func @transform_6(%arg0: i32) -> (i32, i32) {
    %c0_i32 = arith.constant 0 : i32
    %c0_i32_0 = arith.constant 0 : i32
    %c0_i32_1 = arith.constant 0 : i32
    return %c0_i32, %c0_i32_0 : i32, i32
  }
  func.func @transform_7(%arg0: i32) -> (i32, i32) {
    %c0_i32 = arith.constant 0 : i32
    %c0_i32_0 = arith.constant 0 : i32
    %c0_i32_1 = arith.constant 0 : i32
    return %c0_i32, %c0_i32_0 : i32, i32
  }
  func.func @transform_8(%arg0: i32) -> (i32, i32) {
    %c0_i32 = arith.constant 0 : i32
    %c0_i32_0 = arith.constant 0 : i32
    %c0_i32_1 = arith.constant 0 : i32
    return %c0_i32, %c0_i32_0 : i32, i32
  }
  func.func @transform_9(%arg0: i32) -> (i32, i32) {
    %c0_i32 = arith.constant 0 : i32
    %c0_i32_0 = arith.constant 0 : i32
    return %arg0, %c0_i32 : i32, i32
  }
  func.func @transform_10(%arg0: i32) -> (i32, i32) {
    %c0_i32 = arith.constant 0 : i32
    %c0_i32_0 = arith.constant 0 : i32
    return %arg0, %c0_i32 : i32, i32
  }
}

module attributes {stable_mosaic.version = 14 : i64} {
  func.func @_combine_body(%arg0: i32, %arg1: memref<1x40000xf32, #tpu.memory_space<vmem>>, %arg2: memref<32x40000xf32, #tpu.memory_space<vmem>>, %arg3: memref<1x40000xf32, #tpu.memory_space<vmem>>) attributes {dimension_semantics = [#tpu.dimension_semantics<arbitrary>], iteration_bounds = array<i64: 1>, scalar_prefetch = 0 : i64, scratch_operands = 0 : i64, tpu.core_type = #tpu.core_type<tc>, window_params = [{pipeline_mode = #tpu.pipeline_mode<synchronous>, transform_indices = @transform_0, window_bounds = array<i64: 1, 40000>}, {pipeline_mode = #tpu.pipeline_mode<synchronous>, transform_indices = @transform_1, window_bounds = array<i64: 32, 40000>}, {pipeline_mode = #tpu.pipeline_mode<synchronous>, transform_indices = @transform_2, window_bounds = array<i64: 1, 40000>}]} {
    %get3A = arith.constant 0 : index
    %get3A_0 = arith.constant 0 : index
    %get3A_1 = vector.load %arg2[%get3A, %get3A_0] : memref<32x40000xf32, #tpu.memory_space<vmem>>, vector<32x40000xf32>
    %get3A_2 = arith.constant 0 : index
    %get3A_3 = arith.constant 0 : index
    %get3A_4 = vector.load %arg1[%get3A_2, %get3A_3] : memref<1x40000xf32, #tpu.memory_space<vmem>>, vector<1x40000xf32>
    %reduce_sum3A = arith.constant dense<0.000000e+00> : vector<40000xf32>
    %reduce_sum3A_5 = vector.multi_reduction <add>, %get3A_1, %reduce_sum3A [0] : vector<32x40000xf32> to vector<40000xf32>
    %broadcast_in_dim3A = vector.shape_cast %reduce_sum3A_5 : vector<40000xf32> to vector<1x40000xf32>
    %add3A = arith.addf %get3A_4, %broadcast_in_dim3A : vector<1x40000xf32>
    %swap3A = arith.constant 0 : index
    %swap3A_6 = arith.constant 0 : index
    %swap3A_7 = vector.load %arg3[%swap3A, %swap3A_6] : memref<1x40000xf32, #tpu.memory_space<vmem>>, vector<1x40000xf32>
    tpu.vector_store %arg3[%swap3A, %swap3A_6], %add3A {strides = array<i32>} : memref<1x40000xf32, #tpu.memory_space<vmem>>, vector<1x40000xf32>,
    return
  }
  func.func @transform_0(%arg0: i32) -> (i32, i32) {
    %c0_i32 = arith.constant 0 : i32
    %c0_i32_0 = arith.constant 0 : i32
    %c0_i32_1 = arith.constant 0 : i32
    return %c0_i32, %c0_i32_0 : i32, i32
  }
  func.func @transform_1(%arg0: i32) -> (i32, i32) {
    %c0_i32 = arith.constant 0 : i32
    %c0_i32_0 = arith.constant 0 : i32
    %c0_i32_1 = arith.constant 0 : i32
    return %c0_i32, %c0_i32_0 : i32, i32
  }
  func.func @transform_2(%arg0: i32) -> (i32, i32) {
    %c0_i32 = arith.constant 0 : i32
    %c0_i32_0 = arith.constant 0 : i32
    %c0_i32_1 = arith.constant 0 : i32
    return %c0_i32, %c0_i32_0 : i32, i32
  }
}

</mosaic_0001>

<sc_bundles>
// kernel: kernel.11.cloned.1.call-start
scs
__scs_entry_jumppad:
0x0: {  	(pc) =	sbr.rel $0x88, $3  }
0x1: {  	(tag) =	ssettag $0x0;
	lr =	simm.s32 $0x1  }
0x2: {  	[smem:$0x3F94] =	sst lr;
	_ =	strace $0xD0000000  }
0x3: {  	_ = 	snop  }
0x4: {  	_ = 	snop  }
0x5: {  	_ = 	snop  }
0x6: {  	_ = 	snop  }
0x7: {  	_ = 	snop  }
__scs_overlays_trampoline_lowered:
0x8: {  	[smem:$0x3FA3] =	sst s0  }
0x9: {  	[smem:$0x3FA4] =	sst s1  }
0xa: {  	[smem:$0x3FA5] =	sst s2  }
0xb: {  	[smem:$0x3FA6] =	sst s3  }
0xc: {  	[smem:$0x3FA7] =	sst s4  }
0xd: {  	[smem:$0x3FA8] =	sst s5  }
0xe: {  	[smem:$0x3FA9] =	sst s6  }
0xf: {  	[smem:$0x3FAA] =	sst s7  }
0x10: {  	[smem:$0x3FAB] =	sst s8  }
0x11: {  	[smem:$0x3FAC] =	sst s9;
	s0 =	simm.s32 @!p0 $0x0  }
0x12: {  	s1 =	sld [smem:$0x3F92];
	s0 =	simm.s32 @p0 $0x1  }
0x13: {  	[smem:$0x3FAD] =	sst s0;
	s0 =	simm.s32 @!p1 $0x0  }
0x14: {  	s2 =	sld [smem:$0x3F91];
	s0 =	simm.s32 @p1 $0x1  }
0x15: {  	[smem:$0x3FAE] =	sst s0;
	s0 =	simm.s32 @!p2 $0x0  }
0x16: {  	s3 =	sld [smem:$0x3FDB];
	s0 =	simm.s32 @p2 $0x1  }
0x17: {  	s4 =	simm.s32 $0x1BF5;
	[smem:$0x3FB0] =	sst s0  }
0x18: {  	s0 =	sld [smem:$0x3F93];
	_ =	swait.ge [sflag:s4], $0x0  }
0x19: {  	s7 =	sld [smem:$0x3F94]  }
0x1a: {  	s8 =	sadd.s32 $0xFFFFE003, lr  }
0x1b: {  	s9 =	sadd.s32 $0xFFFFFEF7, lr;
	s5 =	simm.s32 $0xFFFFFFFF;
	p2 =	slt.u32 s8, $0xFFFFF086  }
0x1c: {  	p1 =	slt.u32 s9, $0xF7A;
	s5 =	simm.s32 @!p2 $0x0  }
0x1d: {  	s5 =	simm.s32 @p1 $0x1;
	p0 =	seq.s32 s7, s2  }
0x1e: {  	s7 =	smul.u32 @!p0 $0xF7A, s2;
	p2 =	seq.s32 @!p0 s5, $0x0  }
0x1f: {  	s9 =	smul.u32 $0xF7A, s1;
	s8 =	simm.s32 @!p0 $0x1BF5;
	p2 =	por !p2, p0  }
0x20: {  	[sflag:s8] =	ssyncset.s32 @!p0 $0xFFFFF086;
	s6 =	sadd.s32 @!p0 s3, s7;
	s7 =	simm.s32 @!p0 $0x108  }
0x21: {  	s3 =	sadd.s32 s3, s9;
	s6 =	sadd.s32 @!p0 $0x88, s6;
	s7 =	simm.s32 @p2 $0x1082  }
0x22: {  	[simem:s7], [sflag:s8] =	dma.local @!p0 [hbm:s6], $0xF7A  }
0x23: {  	s9 =	sor.u32 $0xD0000000, s2;
	s6 =	simm.s32 $0x108;
	_ =	swait.ge @!p0 [sflag:s8], $0x0  }
0x24: {  	s3 =	sadd.s32 $0x88, s3;
	s6 =	simm.s32 @!p1 $0x1082;
	[sflag:s4] =	ssyncset.s32 $0xFFFFF086  }
0x25: {  	[simem:s6], [sflag:s4] =	dma.local [hbm:s3], $0xF7A  }
0x26: {  	[smem:$0x3F94] =	sst s1;
	(tag) =	ssettag s2;
	_ =	strace s9  }
0x27: {  	s1 =	sld [smem:$0x3FA4]  }
0x28: {  	s2 =	sld [smem:$0x3FA5]  }
0x29: {  	s4 =	sld [smem:$0x3FA7]  }
0x2a: {  	p0 =	seq.s32 s5, $0x0;
	s5 =	sld [smem:$0x3FA8]  }
0x2b: {  	s6 =	sld [smem:$0x3FA9]  }
0x2c: {  	s7 =	sld [smem:$0x3FAA]  }
0x2d: {  	s3 =	simm.s32 $0x108;
	s8 =	sld [smem:$0x3FAB]  }
0x2e: {  	s3 =	simm.s32 @!p0 $0x1082;
	s9 =	sld [smem:$0x3FAC]  }
0x2f: {  	lr =	sadd.s32 s0, s3;
	s0 =	sld [smem:$0x3FA3]  }
0x30: {  	s3 =	sld [smem:$0x3FA6]  }
0x31: {  	[smem:$0x3FAF] =	sst s10  }
0x32: {  	s10 =	sld [smem:$0x3FAD];
	_ =	sdelay $0x3  }
0x33: {  	p0 =	seq.s32 s10, $0x1;
	s10 =	sld [smem:$0x3FAF];
	_ =	sdelay $0x3  }
0x34: {  	[smem:$0x3FAF] =	sst s10  }
0x35: {  	s10 =	sld [smem:$0x3FAE];
	_ =	sdelay $0x3  }
0x36: {  	p1 =	seq.s32 s10, $0x1;
	s10 =	sld [smem:$0x3FAF];
	_ =	sdelay $0x3  }
0x37: {  	[smem:$0x3FAF] =	sst s10  }
0x38: {  	s10 =	sld [smem:$0x3FB0]  }
0x39: {  	_ = 	snop;
	(pc) =	sbr.ind lr, $3  }
0x3a: {  	_ = 	snop  }
0x3b: {  	_ = 	snop  }
0x3c: {  	p2 =	seq.s32 s10, $0x1;
	s10 =	sld [smem:$0x3FAF]  }
0x3d: {  	_ =	shalt  }
0x3e: {  	_ =	shalt  }
0x3f: {  	_ =	shalt  }
0x40: {  	_ =	shalt  }
0x41: {  	_ =	shalt  }
0x42: {  	_ =	shalt  }
0x43: {  	_ =	shalt  }
0x44: {  	_ =	shalt  }
0x45: {  	_ =	shalt  }
0x46: {  	_ =	shalt  }
0x47: {  	_ =	shalt  }
0x48: {  	_ =	shalt  }
0x49: {  	_ =	shalt  }
0x4a: {  	_ =	shalt  }
0x4b: {  	_ =	shalt  }
0x4c: {  	_ =	shalt  }
0x4d: {  	_ =	shalt  }
0x4e: {  	_ =	shalt  }
0x4f: {  	_ =	shalt  }
0x50: {  	_ =	shalt  }
0x51: {  	_ =	shalt  }
0x52: {  	_ =	shalt  }
0x53: {  	_ =	shalt  }
0x54: {  	_ =	shalt  }
0x55: {  	_ =	shalt  }
0x56: {  	_ =	shalt  }
0x57: {  	_ =	shalt  }
0x58: {  	_ =	shalt  }
0x59: {  	_ =	shalt  }
0x5a: {  	_ =	shalt  }
0x5b: {  	_ =	shalt  }
0x5c: {  	_ =	shalt  }
0x5d: {  	_ =	shalt  }
0x5e: {  	_ =	shalt  }
0x5f: {  	_ =	shalt  }
0x60: {  	_ =	shalt  }
0x61: {  	_ =	shalt  }
0x62: {  	_ =	shalt  }
0x63: {  	_ =	shalt  }
0x64: {  	_ =	shalt  }
0x65: {  	_ =	shalt  }
0x66: {  	_ =	shalt  }
0x67: {  	_ =	shalt  }
0x68: {  	_ =	shalt  }
0x69: {  	_ =	shalt  }
0x6a: {  	_ =	shalt  }
0x6b: {  	_ =	shalt  }
0x6c: {  	_ =	shalt  }
0x6d: {  	_ =	shalt  }
0x6e: {  	_ =	shalt  }
0x6f: {  	_ =	shalt  }
0x70: {  	_ =	shalt  }
0x71: {  	_ =	shalt  }
0x72: {  	_ =	shalt  }
0x73: {  	_ =	shalt  }
0x74: {  	_ =	shalt  }
0x75: {  	_ =	shalt  }
0x76: {  	_ =	shalt  }
0x77: {  	_ =	shalt  }
0x78: {  	_ =	shalt  }
0x79: {  	_ =	shalt  }
0x7a: {  	_ =	shalt  }
0x7b: {  	_ =	shalt  }
0x7c: {  	_ =	shalt  }
0x7d: {  	_ =	shalt  }
0x7e: {  	_ =	shalt  }
0x7f: {  	_ =	shalt  }
0x80: {  	_ =	shalt  }
0x81: {  	_ =	shalt  }
0x82: {  	_ =	shalt  }
0x83: {  	_ =	shalt  }
0x84: {  	_ =	shalt  }
0x85: {  	_ =	shalt  }
0x86: {  	_ =	shalt  }
0x87: {  	_ =	shalt  }
.Lfunc_end0:
.L_simem_size_0:
called_computation.1_lowered:
.L_overlay_start_0:
0x88: {  	s2 =	sld [smem:$0x3FD9]  }
0x89: {  	s3 =	sld [smem:$0x3FFE];
	_ =	sdelay $0x1  }
0x8a: {  	s1 =	srdreg.scid  }
0x8b: {  	s0 =	sand.u32 $0x1, s1  }
0x8c: {  	s17 =	sshll.u32 s0, $0xA;
	s2 =	sadd.s32 s3, s2  }
0x8d: {  	s2 =	sadd.s32 s2, s17  }
0x8e: {  	[smem:$0x3FBB] =	sst s2  }
0x8f: {  	_ = 	snop  }
0x90: {  	(tm) =	ssettm $0x1  }
0x91: {  	s18 =	sld [smem:$0x3FFB];
	_ =	sdelay $0x3  }
0x92: {  	_ =	strace s18  }
0x93: {  	s2 =	sld [smem:$0x3FFC];
	_ =	sdelay $0x3  }
0x94: {  	_ =	strace s2  }
0x95: {  	s2 =	sld [smem:$0x3FFD];
	_ =	sdelay $0x3  }
0x96: {  	_ =	strace s2  }
0x97: {  	_ =	strace $0x8FFFFFFF  }
0x98: {  	s19 =	sld [smem:$0x3FDB];
	_ =	sdelay $0x1  }
0x99: {  	s20 =	simm.s32 $_scs_section_size  }
0x9a: {  	s4 =	simm.s32 $_size__tile_overlayer_lowered;
	s5 =	simm.s32 $_tile_overlayer_lowered  }
0x9b: {  	s6 =	simm.s32 $0x1BFF;
	s21 =	sshll.u32 s5, $0x1;
	s3 =	sadd.s32 s20, s19  }
0x9c: {  	s22 =	simm.s32 $0x0;
	s4 =	sshll.u32 s4, $0x1;
	s5 =	sadd.s32 s21, s3  }
0x9d: {  	[timem:s22], [sflag:s6] =	dma.local [hbm:s5], s4  }
0x9e: {  	_ =	swait.ge [sflag:s6], s4  }
0x9f: {  	s4 =	ssub.s32 $0x0, s4;
	[sflag:s6] =	ssyncset.done $0x0  }
0xa0: {  	[sflag:s6] =	ssyncadd.s32 s4;
	_ =	sdelay $0x1  }
0xa1: {  	s23 =	simm.s32 $0x1B8B  }
0xa2: {  	_ =	swait.ge [sflag:s23], $0x1  }
0xa3: {  	[sflag:s23] =	ssyncset.done $0x0  }
0xa4: {  	[sflag:s23] =	ssyncadd.s32 $0xFFFFFFFF  }
0xa5: {  	s4 =	sld [smem:$0x0]  }
0xa6: {  	s5 =	sand.u32 $0xFFFFFFFE, s1  }
0xa7: {  	p0 =	sne.s32 s1, s5  }
0xa8: {  	s5 =	sshll.u32 @p0 s5, $0xE  }
0xa9: {  	s5 =	sadd.s32 @p0 $0x11B8D, s5;
	s6 =	sshll.u32 @p0 s4, $0x11  }
0xaa: {  	s5 =	sor.u32 @p0 s6, s5  }
0xab: {  	[sflag:s5] =	ssyncadd.remote.s32 @p0 $0x1;
	_ =	sdelay $0x1  }
0xac: {  	s5 =	simm.s32 @p0 $0x1B8D  }
0xad: {  	_ =	swait.eq @p0 [sflag:s5], $0x1  }
0xae: {  	[sflag:s5] =	ssyncadd.s32 @p0 $0xFFFFFFFF  }
0xaf: {  	s6 =	sshll.u32 @!p0 s1, $0xE  }
0xb0: {  	s6 =	sor.u32 @!p0 $0x4000, s6;
	s5 =	simm.s32 @!p0 $0x1B8D  }
0xb1: {  	s4 =	sshll.u32 @!p0 s4, $0x11;
	s6 =	sadd.s32 @!p0 $0x11B8D, s6;
	_ =	swait.eq @!p0 [sflag:s5], $0x1  }
0xb2: {  	s4 =	sor.u32 @!p0 s4, s6;
	[sflag:s5] =	ssyncadd.s32 @!p0 $0xFFFFFFFF  }
0xb3: {  	s25 =	simm.s32 $0x1B8E;
	s24 =	sld [smem:$0x3FFE];
	[sflag:s4] =	ssyncadd.remote.s32 @!p0 $0x1  }
0xb4: {  	s26 =	simm.s32 $execute0_lowered;
	[smem:$0x3FD2] =	sst s25  }
0xb5: {  	s5 =	sshll.u32 s26, $0x1;
	_ =	strace $0x80000049;
	[dreg:$0x1] =	wrdreg $0xFFFFFFFF  }
0xb6: {  	s28 =	simm.s32 $_size_execute0_lowered;
	s3 =	sadd.s32 s3, s5;
	[dreg:$0x0] =	wrdreg $0x0  }
0xb7: {  	s5 =	sshll.u32 s28, $0x1;
	[dreg:$0x2] =	wrdreg s3  }
0xb8: {  	[dreg:$0x3] =	wrdreg s5  }
0xb9: {  	[dreg:$0x4] =	wrdreg $0xC0  }
0xba: {  	_ =	task [dreg:s22], $0x5FFFF  }
0xbb: {  	[dreg:$0x1] =	wrdreg $0xFFFFFFFF  }
0xbc: {  	[dreg:$0x0] =	wrdreg $0x60  }
0xbd: {  	[dreg:$0x2] =	wrdreg s24  }
0xbe: {  	[dreg:$0x3] =	wrdreg $0xA  }
0xbf: {  	_ =	task.clear_ibuf [dreg:s22], $0x4FFFF;
	_ =	strace $0x90000049  }
0xc0: {  	s29 =	simm.s32 $0xA;
	_ =	strace $0x8000004B  }
0xc1: {  	_ =	swait.ge [sflag:s29], $0x1  }
0xc2: {  	[sflag:s29] =	ssyncadd.s32 $0xFFFFFFFF  }
0xc3: {  	_ =	strace $0x9000004B  }
0xc4: {  	_ =	sfence  }
0xc5: {  	s30 =	sld [smem:$0x0];
	_ =	sdelay $0x2  }
0xc6: {  	s31 =	sshll.u32 s1, $0xD;
	s1 =	sshrl.u32 s1, $0x2  }
0xc7: {  	s4 =	sand.u32 $0x4000, s31;
	s1 =	sadd.s32 s1, s30  }
0xc8: {  	s0 =	sor.u32 s4, s0;
	s1 =	sshll.u32 s1, $0x11  }
0xc9: {  	s0 =	sor.u32 s1, s0  }
0xca: {  	s0 =	sadd.s32 $0x8F2B, s0  }
0xcb: {  	[sflag:s0] =	ssyncadd.remote.s32 $0x1  }
0xcc: {  	_ =	sfence.sel $0xFFFF  }
0xcd: {  	[dreg:$0x0] =	wrdreg $0xFFFFFFFF;
	(pc) =	sbr.abs _section_cstart, $3  }
0xce: {  	[dreg:$0x1] =	wrdreg $0xFFFFFFFF  }
0xcf: {  	_ =	task.clear_ibuf [dreg:s22], $0x2FFFF;
	_ =	strace $0x9FFFFFFF  }
0xd0: {  	(tm) =	ssettm $0x7FFFFFFF  }
0xd1: {  	_ =	shalt  }
tec
execute0_lowered:
.L_overlay_start_1:
0x0: {  	(tag) =	ssettag $0x1  }
0x1: {  	v0 =	vlaneseq.u32  }
0x2: {  	v0 =	vmul.u32 $0x80, v0;
	_ =	sdelay $0x1  }
0x3: {  	v1 =	vor.u32 $0x1, v0  }
0x4: {  	s4 =	rddreg [dreg:$0x0];
	s1 =	srdreg.scid;
	v2 =	vor.u32 $0x2, v0;
	v4 =	vor.u32 $0x800, v0;
	v5 =	vor.u32 $0x801, v0  }
0x5: {  	s0 =	rddreg [dreg:$0x1];
	s2 =	simm.s32 $0x0;
	s10 =	simm.s32 $0x6800;
	v6 =	vor.u32 $0x802, v0;
	v7 =	vor.u32 $0x803, v0;
	v8 =	vor.u32 $0x1000, v0  }
0x6: {  	s11 =	simm.s32 $0x2800;
	s12 =	simm.s32 $0x0;
	s5 =	sand.u32 $0x1, s1;
	v9 =	vor.u32 $0x1001, v0;
	v10 =	vor.u32 $0x1002, v0;
	v11 =	vor.u32 $0x1003, v0  }
0x7: {  	s1 =	stileid.u32;
	s3 =	sshll.u32 s5, $0x4;
	s7 =	smul.u32 $0x140000, s5;
	v12 =	vor.u32 $0x1800, v0;
	v13 =	vor.u32 $0x1801, v0;
	v14 =	vor.u32 $0x1802, v0  }
0x8: {  	[smem:$0x7FF] =	sst s2;
	s9 =	smul.u32 $0x14000, s1;
	s3 =	sor.u32 s1, s3;
	v15 =	vor.u32 $0x1803, v0;
	v16 =	vor.u32 $0x2000, v0;
	v17 =	vor.u32 $0x2001, v0  }
0x9: {  	_ =	strace $0x8000004A;
	s5 =	ssub.s32 $0x2, s5;
	v18 =	vor.u32 $0x2002, v0;
	v19 =	vor.u32 $0x2003, v0;
	v20 =	vor.u32 $0x2800, v0;
	s6 =	smul.u32 $0x280, s3  }
0xa: {  	s8 =	sshrl.u32 s5, $0x1;
	v21 =	vor.u32 $0x2801, v0;
	v22 =	vor.u32 $0x2802, v0;
	v23 =	vor.u32 $0x2803, v0;
	s3 =	sadd.s32 $0x2DA400, s4;
	s7 =	sadd.s32 s7, s4  }
0xb: {  	v24 =	vor.u32 $0x3000, v0;
	v25 =	vor.u32 $0x3001, v0;
	v26 =	vor.u32 $0x3002, v0;
	s8 =	ssub.s32 s5, s8;
	s7 =	sadd.s32 s9, s7;
	s6 =	sadd.s32 s6, s4  }
0xc: {  	v3 =	vor.u32 $0x3, v0;
	v27 =	vor.u32 $0x3003, v0;
	v28 =	vor.u32 $0x3800, v0;
	s9 =	simm.s32 $0x1400;
	s7 =	sadd.s32 $0x2DB800, s7;
	s4 =	sadd.s32 $0x7000, s6  }
0xd: {  	v29 =	vor.u32 $0x3801, v0;
	v30 =	vor.u32 $0x3802, v0;
	v31 =	vor.u32 $0x3803, v0;
	s5 =	sadd.s32 $0x2000, s6;
	s6 =	smax.u32 s8, $0x1;
	s8 =	simm.s32 $0x1  }
.LBB2_1:
0xe: {  	[tilespmem:s2], [sflag:$0x1] =	stream.linear.gather [hbm4b:s4+s2], $0x1400, $0x38;
	[tilespmem:$0x10480] =	vst v63  }
0xf: {  	_ =	swait.ge [sflag:s8], $0x1400  }
0x10: {  	[sflag:s8] =	ssyncset.done $0x0  }
0x11: {  	[sflag:s8] =	ssyncadd.s32 $0xFFFFEC00  }
0x12: {  	[tilespmem:s9], [sflag:$0x1] =	stream.linear.gather [hbm4b:s5+s2], $0x1400, $0x38;
	[tilespmem:$0x10480] =	vst v63  }
0x13: {  	_ =	swait.ge [sflag:s8], $0x1400  }
0x14: {  	[sflag:s8] =	ssyncset.done $0x0  }
0x15: {  	[sflag:s8] =	ssyncadd.s32 $0xFFFFEC00  }
0x16: {  	[tilespmem:s10], [sflag:$0x1] =	stream.linear.gather [hbm4b:s3+s2], $0x9C80, $0x38;
	[tilespmem:$0x10480] =	vst v63  }
0x17: {  	_ =	swait.ge [sflag:s8], $0x9C80  }
0x18: {  	[sflag:s8] =	ssyncset.done $0x0  }
0x19: {  	s13 =	smov.u32 s7;
	s14 =	simm.s32 $0x0;
	[sflag:s8] =	ssyncadd.s32 $0xFFFF6380  }
.LBB2_2:
0x1a: {  	s15 =	sshra.s32 s14, $0x2  }
0x1b: {  	v32 =	vld [tilespmem:s15+$0x0]  }
0x1c: {  	v33 =	vld [tilespmem:s15+$0x1400];
	_ =	sdelay $0x3  }
0x1d: {  	v32 =	vshll.u32 v32, $0x2  }
0x1e: {  	v33 =	vshll.u32 v33, $0x2;
	_ =	sdelay $0x3  }
0x1f: {  	v34 =	vld.idx.msk [tilespmem:v32+s10+$0x0], $0xffff  }
0x20: {  	v35 =	vld.idx.msk [tilespmem:v33+s10+$0x0], $0xffff;
	_ =	sdelay $0x2  }
0x21: {  	v36 =	vor.u32 $0x1, v32  }
0x22: {  	v37 =	vor.u32 $0x1, v33  }
0x23: {  	v34 =	vsub.f32 v34, v35;
	_ =	sdelay $0x1  }
0x24: {  	[tilespmem:v0+s11+$0x0] =	vst.idx.msk $0xffff, v34  }
0x25: {  	v34 =	vld.idx.msk [tilespmem:v36+s10+$0x0], $0xffff  }
0x26: {  	v53 =	vld.idx.msk [tilespmem:v37+s10+$0x0], $0xffff;
	_ =	sdelay $0x2  }
0x27: {  	v54 =	vor.u32 $0x2, v32  }
0x28: {  	v55 =	vor.u32 $0x2, v33  }
0x29: {  	v34 =	vsub.f32 v34, v53;
	_ =	sdelay $0x1  }
0x2a: {  	[tilespmem:v1+s11+$0x0] =	vst.idx.msk $0xffff, v34  }
0x2b: {  	v34 =	vld.idx.msk [tilespmem:v54+s10+$0x0], $0xffff  }
0x2c: {  	v56 =	vld.idx.msk [tilespmem:v55+s10+$0x0], $0xffff;
	_ =	sdelay $0x2  }
0x2d: {  	v32 =	vor.u32 $0x3, v32  }
0x2e: {  	v33 =	vor.u32 $0x3, v33  }
0x2f: {  	v34 =	vsub.f32 v34, v56;
	_ =	sdelay $0x1  }
0x30: {  	[tilespmem:v2+s11+$0x0] =	vst.idx.msk $0xffff, v34  }
0x31: {  	v32 =	vld.idx.msk [tilespmem:v32+s10+$0x0], $0xffff  }
0x32: {  	v33 =	vld.idx.msk [tilespmem:v33+s10+$0x0], $0xffff;
	_ =	sdelay $0x4  }
0x33: {  	v32 =	vsub.f32 v32, v33;
	_ =	sdelay $0x1  }
0x34: {  	[tilespmem:v3+s11+$0x0] =	vst.idx.msk $0xffff, v32  }
0x35: {  	v32 =	vld [tilespmem:s15+$0x10]  }
0x36: {  	v57 =	vld [tilespmem:s15+$0x1410];
	_ =	sdelay $0x3  }
0x37: {  	v32 =	vshll.u32 v32, $0x2  }
0x38: {  	v33 =	vshll.u32 v57, $0x2;
	_ =	sdelay $0x3  }
0x39: {  	v34 =	vld.idx.msk [tilespmem:v32+s10+$0x0], $0xffff  }
0x3a: {  	v58 =	vld.idx.msk [tilespmem:v33+s10+$0x0], $0xffff;
	_ =	sdelay $0x2  }
0x3b: {  	v59 =	vor.u32 $0x1, v32  }
0x3c: {  	v60 =	vor.u32 $0x1, v33  }
0x3d: {  	v34 =	vsub.f32 v34, v58;
	_ =	sdelay $0x1  }
0x3e: {  	[tilespmem:v4+s11+$0x0] =	vst.idx.msk $0xffff, v34  }
0x3f: {  	v34 =	vld.idx.msk [tilespmem:v59+s10+$0x0], $0xffff  }
0x40: {  	v61 =	vld.idx.msk [tilespmem:v60+s10+$0x0], $0xffff;
	_ =	sdelay $0x2  }
0x41: {  	v62 =	vor.u32 $0x2, v32  }
0x42: {  	v63 =	vor.u32 $0x2, v33  }
0x43: {  	v34 =	vsub.f32 v34, v61;
	_ =	sdelay $0x1  }
0x44: {  	[tilespmem:v5+s11+$0x0] =	vst.idx.msk $0xffff, v34  }
0x45: {  	v34 =	vld.idx.msk [tilespmem:v62+s10+$0x0], $0xffff  }
0x46: {  	v40 =	vld.idx.msk [tilespmem:v63+s10+$0x0], $0xffff;
	_ =	sdelay $0x2  }
0x47: {  	v32 =	vor.u32 $0x3, v32  }
0x48: {  	v33 =	vor.u32 $0x3, v33  }
0x49: {  	v34 =	vsub.f32 v34, v40;
	_ =	sdelay $0x1  }
0x4a: {  	[tilespmem:v6+s11+$0x0] =	vst.idx.msk $0xffff, v34  }
0x4b: {  	v32 =	vld.idx.msk [tilespmem:v32+s10+$0x0], $0xffff  }
0x4c: {  	v33 =	vld.idx.msk [tilespmem:v33+s10+$0x0], $0xffff;
	_ =	sdelay $0x4  }
0x4d: {  	v32 =	vsub.f32 v32, v33;
	_ =	sdelay $0x1  }
0x4e: {  	[tilespmem:v7+s11+$0x0] =	vst.idx.msk $0xffff, v32  }
0x4f: {  	v32 =	vld [tilespmem:s15+$0x20]  }
0x50: {  	v41 =	vld [tilespmem:s15+$0x1420];
	_ =	sdelay $0x3  }
0x51: {  	v32 =	vshll.u32 v32, $0x2  }
0x52: {  	v33 =	vshll.u32 v41, $0x2;
	_ =	sdelay $0x3  }
0x53: {  	v34 =	vld.idx.msk [tilespmem:v32+s10+$0x0], $0xffff  }
0x54: {  	v42 =	vld.idx.msk [tilespmem:v33+s10+$0x0], $0xffff;
	_ =	sdelay $0x2  }
0x55: {  	v43 =	vor.u32 $0x1, v32  }
0x56: {  	v44 =	vor.u32 $0x1, v33  }
0x57: {  	v34 =	vsub.f32 v34, v42;
	_ =	sdelay $0x1  }
0x58: {  	[tilespmem:v8+s11+$0x0] =	vst.idx.msk $0xffff, v34  }
0x59: {  	v34 =	vld.idx.msk [tilespmem:v43+s10+$0x0], $0xffff  }
0x5a: {  	v45 =	vld.idx.msk [tilespmem:v44+s10+$0x0], $0xffff;
	_ =	sdelay $0x2  }
0x5b: {  	v46 =	vor.u32 $0x2, v32  }
0x5c: {  	v47 =	vor.u32 $0x2, v33  }
0x5d: {  	v34 =	vsub.f32 v34, v45;
	_ =	sdelay $0x1  }
0x5e: {  	[tilespmem:v9+s11+$0x0] =	vst.idx.msk $0xffff, v34  }
0x5f: {  	v34 =	vld.idx.msk [tilespmem:v46+s10+$0x0], $0xffff  }
0x60: {  	v48 =	vld.idx.msk [tilespmem:v47+s10+$0x0], $0xffff;
	_ =	sdelay $0x2  }
0x61: {  	v32 =	vor.u32 $0x3, v32  }
0x62: {  	v33 =	vor.u32 $0x3, v33  }
0x63: {  	v34 =	vsub.f32 v34, v48;
	_ =	sdelay $0x1  }
0x64: {  	[tilespmem:v10+s11+$0x0] =	vst.idx.msk $0xffff, v34  }
0x65: {  	v32 =	vld.idx.msk [tilespmem:v32+s10+$0x0], $0xffff  }
0x66: {  	v33 =	vld.idx.msk [tilespmem:v33+s10+$0x0], $0xffff;
	_ =	sdelay $0x4  }
0x67: {  	v32 =	vsub.f32 v32, v33;
	_ =	sdelay $0x1  }
0x68: {  	[tilespmem:v11+s11+$0x0] =	vst.idx.msk $0xffff, v32  }
0x69: {  	v32 =	vld [tilespmem:s15+$0x30]  }
0x6a: {  	v49 =	vld [tilespmem:s15+$0x1430];
	_ =	sdelay $0x3  }
0x6b: {  	v32 =	vshll.u32 v32, $0x2  }
0x6c: {  	v33 =	vshll.u32 v49, $0x2;
	_ =	sdelay $0x3  }
0x6d: {  	v34 =	vld.idx.msk [tilespmem:v32+s10+$0x0], $0xffff  }
0x6e: {  	v50 =	vld.idx.msk [tilespmem:v33+s10+$0x0], $0xffff;
	_ =	sdelay $0x2  }
0x6f: {  	v51 =	vor.u32 $0x1, v32  }
0x70: {  	v52 =	vor.u32 $0x1, v33  }
0x71: {  	v34 =	vsub.f32 v34, v50;
	_ =	sdelay $0x1  }
0x72: {  	[tilespmem:v12+s11+$0x0] =	vst.idx.msk $0xffff, v34  }
0x73: {  	v34 =	vld.idx.msk [tilespmem:v51+s10+$0x0], $0xffff  }
0x74: {  	v53 =	vld.idx.msk [tilespmem:v52+s10+$0x0], $0xffff;
	_ =	sdelay $0x2  }
0x75: {  	v54 =	vor.u32 $0x2, v32  }
0x76: {  	v55 =	vor.u32 $0x2, v33  }
0x77: {  	v34 =	vsub.f32 v34, v53;
	_ =	sdelay $0x1  }
0x78: {  	[tilespmem:v13+s11+$0x0] =	vst.idx.msk $0xffff, v34  }
0x79: {  	v34 =	vld.idx.msk [tilespmem:v54+s10+$0x0], $0xffff  }
0x7a: {  	v56 =	vld.idx.msk [tilespmem:v55+s10+$0x0], $0xffff;
	_ =	sdelay $0x2  }
0x7b: {  	v32 =	vor.u32 $0x3, v32  }
0x7c: {  	v33 =	vor.u32 $0x3, v33  }
0x7d: {  	v34 =	vsub.f32 v34, v56;
	_ =	sdelay $0x1  }
0x7e: {  	[tilespmem:v14+s11+$0x0] =	vst.idx.msk $0xffff, v34  }
0x7f: {  	v32 =	vld.idx.msk [tilespmem:v32+s10+$0x0], $0xffff  }
0x80: {  	v33 =	vld.idx.msk [tilespmem:v33+s10+$0x0], $0xffff;
	_ =	sdelay $0x4  }
0x81: {  	v32 =	vsub.f32 v32, v33;
	_ =	sdelay $0x1  }
0x82: {  	[tilespmem:v15+s11+$0x0] =	vst.idx.msk $0xffff, v32  }
0x83: {  	v32 =	vld [tilespmem:s15+$0x40]  }
0x84: {  	v57 =	vld [tilespmem:s15+$0x1440];
	_ =	sdelay $0x3  }
0x85: {  	v32 =	vshll.u32 v32, $0x2  }
0x86: {  	v33 =	vshll.u32 v57, $0x2;
	_ =	sdelay $0x3  }
0x87: {  	v34 =	vld.idx.msk [tilespmem:v32+s10+$0x0], $0xffff  }
0x88: {  	v58 =	vld.idx.msk [tilespmem:v33+s10+$0x0], $0xffff;
	_ =	sdelay $0x2  }
0x89: {  	v59 =	vor.u32 $0x1, v32  }
0x8a: {  	v60 =	vor.u32 $0x1, v33  }
0x8b: {  	v34 =	vsub.f32 v34, v58;
	_ =	sdelay $0x1  }
0x8c: {  	[tilespmem:v16+s11+$0x0] =	vst.idx.msk $0xffff, v34  }
0x8d: {  	v34 =	vld.idx.msk [tilespmem:v59+s10+$0x0], $0xffff  }
0x8e: {  	v61 =	vld.idx.msk [tilespmem:v60+s10+$0x0], $0xffff;
	_ =	sdelay $0x2  }
0x8f: {  	v62 =	vor.u32 $0x2, v32  }
0x90: {  	v63 =	vor.u32 $0x2, v33  }
0x91: {  	v34 =	vsub.f32 v34, v61;
	_ =	sdelay $0x1  }
0x92: {  	[tilespmem:v17+s11+$0x0] =	vst.idx.msk $0xffff, v34  }
0x93: {  	v34 =	vld.idx.msk [tilespmem:v62+s10+$0x0], $0xffff  }
0x94: {  	v39 =	vld.idx.msk [tilespmem:v63+s10+$0x0], $0xffff;
	_ =	sdelay $0x2  }
0x95: {  	v32 =	vor.u32 $0x3, v32  }
0x96: {  	v33 =	vor.u32 $0x3, v33  }
0x97: {  	v34 =	vsub.f32 v34, v39;
	_ =	sdelay $0x1  }
0x98: {  	[tilespmem:v18+s11+$0x0] =	vst.idx.msk $0xffff, v34  }
0x99: {  	v32 =	vld.idx.msk [tilespmem:v32+s10+$0x0], $0xffff  }
0x9a: {  	v33 =	vld.idx.msk [tilespmem:v33+s10+$0x0], $0xffff;
	_ =	sdelay $0x4  }
0x9b: {  	v32 =	vsub.f32 v32, v33;
	_ =	sdelay $0x1  }
0x9c: {  	[tilespmem:v19+s11+$0x0] =	vst.idx.msk $0xffff, v32  }
0x9d: {  	v32 =	vld [tilespmem:s15+$0x50]  }
0x9e: {  	v40 =	vld [tilespmem:s15+$0x1450];
	_ =	sdelay $0x3  }
0x9f: {  	v32 =	vshll.u32 v32, $0x2  }
0xa0: {  	v33 =	vshll.u32 v40, $0x2;
	_ =	sdelay $0x3  }
0xa1: {  	v34 =	vld.idx.msk [tilespmem:v32+s10+$0x0], $0xffff  }
0xa2: {  	v41 =	vld.idx.msk [tilespmem:v33+s10+$0x0], $0xffff;
	_ =	sdelay $0x2  }
0xa3: {  	v42 =	vor.u32 $0x1, v32  }
0xa4: {  	v43 =	vor.u32 $0x1, v33  }
0xa5: {  	v34 =	vsub.f32 v34, v41;
	_ =	sdelay $0x1  }
0xa6: {  	[tilespmem:v20+s11+$0x0] =	vst.idx.msk $0xffff, v34  }
0xa7: {  	v34 =	vld.idx.msk [tilespmem:v42+s10+$0x0], $0xffff  }
0xa8: {  	v44 =	vld.idx.msk [tilespmem:v43+s10+$0x0], $0xffff;
	_ =	sdelay $0x2  }
0xa9: {  	v45 =	vor.u32 $0x2, v32  }
0xaa: {  	v46 =	vor.u32 $0x2, v33  }
0xab: {  	v34 =	vsub.f32 v34, v44;
	_ =	sdelay $0x1  }
0xac: {  	[tilespmem:v21+s11+$0x0] =	vst.idx.msk $0xffff, v34  }
0xad: {  	v34 =	vld.idx.msk [tilespmem:v45+s10+$0x0], $0xffff  }
0xae: {  	v47 =	vld.idx.msk [tilespmem:v46+s10+$0x0], $0xffff;
	_ =	sdelay $0x2  }
0xaf: {  	v32 =	vor.u32 $0x3, v32  }
0xb0: {  	v33 =	vor.u32 $0x3, v33  }
0xb1: {  	v34 =	vsub.f32 v34, v47;
	_ =	sdelay $0x1  }
0xb2: {  	[tilespmem:v22+s11+$0x0] =	vst.idx.msk $0xffff, v34  }
0xb3: {  	v32 =	vld.idx.msk [tilespmem:v32+s10+$0x0], $0xffff  }
0xb4: {  	v33 =	vld.idx.msk [tilespmem:v33+s10+$0x0], $0xffff;
	_ =	sdelay $0x4  }
0xb5: {  	v32 =	vsub.f32 v32, v33;
	_ =	sdelay $0x1  }
0xb6: {  	[tilespmem:v23+s11+$0x0] =	vst.idx.msk $0xffff, v32  }
0xb7: {  	v32 =	vld [tilespmem:s15+$0x60]  }
0xb8: {  	v48 =	vld [tilespmem:s15+$0x1460];
	_ =	sdelay $0x3  }
0xb9: {  	v32 =	vshll.u32 v32, $0x2  }
0xba: {  	v33 =	vshll.u32 v48, $0x2;
	_ =	sdelay $0x3  }
0xbb: {  	v34 =	vld.idx.msk [tilespmem:v32+s10+$0x0], $0xffff  }
0xbc: {  	v49 =	vld.idx.msk [tilespmem:v33+s10+$0x0], $0xffff;
	_ =	sdelay $0x2  }
0xbd: {  	v50 =	vor.u32 $0x1, v32  }
0xbe: {  	v51 =	vor.u32 $0x1, v33  }
0xbf: {  	v34 =	vsub.f32 v34, v49;
	_ =	sdelay $0x1  }
0xc0: {  	[tilespmem:v24+s11+$0x0] =	vst.idx.msk $0xffff, v34  }
0xc1: {  	v34 =	vld.idx.msk [tilespmem:v50+s10+$0x0], $0xffff  }
0xc2: {  	v52 =	vld.idx.msk [tilespmem:v51+s10+$0x0], $0xffff;
	_ =	sdelay $0x2  }
0xc3: {  	v53 =	vor.u32 $0x2, v32  }
0xc4: {  	v54 =	vor.u32 $0x2, v33  }
0xc5: {  	v34 =	vsub.f32 v34, v52;
	_ =	sdelay $0x1  }
0xc6: {  	[tilespmem:v25+s11+$0x0] =	vst.idx.msk $0xffff, v34  }
0xc7: {  	v34 =	vld.idx.msk [tilespmem:v53+s10+$0x0], $0xffff  }
0xc8: {  	v55 =	vld.idx.msk [tilespmem:v54+s10+$0x0], $0xffff;
	_ =	sdelay $0x2  }
0xc9: {  	v32 =	vor.u32 $0x3, v32  }
0xca: {  	v33 =	vor.u32 $0x3, v33  }
0xcb: {  	v34 =	vsub.f32 v34, v55;
	_ =	sdelay $0x1  }
0xcc: {  	[tilespmem:v26+s11+$0x0] =	vst.idx.msk $0xffff, v34  }
0xcd: {  	v32 =	vld.idx.msk [tilespmem:v32+s10+$0x0], $0xffff  }
0xce: {  	v33 =	vld.idx.msk [tilespmem:v33+s10+$0x0], $0xffff;
	_ =	sdelay $0x4  }
0xcf: {  	v32 =	vsub.f32 v32, v33;
	_ =	sdelay $0x1  }
0xd0: {  	[tilespmem:v27+s11+$0x0] =	vst.idx.msk $0xffff, v32  }
0xd1: {  	v32 =	vld [tilespmem:s15+$0x70]  }
0xd2: {  	v56 =	vld [tilespmem:s15+$0x1470];
	_ =	sdelay $0x3  }
0xd3: {  	v32 =	vshll.u32 v32, $0x2  }
0xd4: {  	v33 =	vshll.u32 v56, $0x2;
	_ =	sdelay $0x3  }
0xd5: {  	v34 =	vld.idx.msk [tilespmem:v32+s10+$0x0], $0xffff  }
0xd6: {  	v57 =	vld.idx.msk [tilespmem:v33+s10+$0x0], $0xffff;
	_ =	sdelay $0x2  }
0xd7: {  	v58 =	vor.u32 $0x1, v32  }
0xd8: {  	v59 =	vor.u32 $0x1, v33  }
0xd9: {  	v34 =	vsub.f32 v34, v57;
	_ =	sdelay $0x1  }
0xda: {  	[tilespmem:v28+s11+$0x0] =	vst.idx.msk $0xffff, v34  }
0xdb: {  	v34 =	vld.idx.msk [tilespmem:v58+s10+$0x0], $0xffff  }
0xdc: {  	v60 =	vld.idx.msk [tilespmem:v59+s10+$0x0], $0xffff;
	_ =	sdelay $0x2  }
0xdd: {  	v61 =	vor.u32 $0x2, v32  }
0xde: {  	v62 =	vor.u32 $0x2, v33  }
0xdf: {  	v34 =	vsub.f32 v34, v60;
	_ =	sdelay $0x1  }
0xe0: {  	[tilespmem:v29+s11+$0x0] =	vst.idx.msk $0xffff, v34  }
0xe1: {  	v34 =	vld.idx.msk [tilespmem:v61+s10+$0x0], $0xffff  }
0xe2: {  	v63 =	vld.idx.msk [tilespmem:v62+s10+$0x0], $0xffff;
	_ =	sdelay $0x2  }
0xe3: {  	v32 =	vor.u32 $0x3, v32  }
0xe4: {  	v33 =	vor.u32 $0x3, v33  }
0xe5: {  	v34 =	vsub.f32 v34, v63;
	_ =	sdelay $0x1  }
0xe6: {  	[tilespmem:v30+s11+$0x0] =	vst.idx.msk $0xffff, v34  }
0xe7: {  	v32 =	vld.idx.msk [tilespmem:v32+s10+$0x0], $0xffff  }
0xe8: {  	v33 =	vld.idx.msk [tilespmem:v33+s10+$0x0], $0xffff;
	_ =	sdelay $0x4  }
0xe9: {  	v32 =	vsub.f32 v32, v33  }
0xea: {  	p0 =	sne.s32 s14, $0x4E00  }
.Ltmp0:
0xeb: {  	[tilespmem:v31+s11+$0x0] =	vst.idx.msk $0xffff, v32;
	(pc) =	sbr.rel @p0 .LBB2_2-.Ltmp0, $4  }
0xec: {  	[hbm4b:s13+s2] =	stream.linear.scatter [tilespmem:s11], [sflag:$0x1], $0x4000, $0x38;
	[tilespmem:$0x10480] =	vst v63  }
0xed: {  	_ =	swait.ge [sflag:s8], $0x4000  }
0xee: {  	[sflag:s8] =	ssyncset.done $0x0  }
0xef: {  	s14 =	sadd.s32 $0x200, s14;
	s13 =	sadd.s32 $0x800, s13;
	[sflag:s8] =	ssyncadd.s32 $0xFFFFC000  }
0xf0: {  	s12 =	sadd.s32 $0x1, s12  }
0xf1: {  	p0 =	sne.s32 s12, s6  }
.Ltmp1:
0xf2: {  	_ = 	snop;
	(pc) =	sbr.rel @p0 .LBB2_1-.Ltmp1, $1  }
0xf3: {  	_ =	sdelay $0x3  }
0xf4: {  	_ =	sfence.sel $0x180000  }
0xf5: {  	[bflag:$0x0] =	sbarrier.arrive $0xFFFF  }
0xf6: {  	p0 =	sne.s32 s1, $0x0;
	_ =	strace $0x9000004A  }
0xf7: {  	s0 =	sadd.s32 @!p0 $0x100000, s0;
	[bflag:$0x2] =	sbarrier.arrive $0xFFFF  }
0xf8: {  	[sflag:s0] =	ssyncadd.tile.s32 @!p0 $0x1;
	_ =	shalt  }
.Lfunc_end2:
_tile_overlayer_lowered:
.L_overlay_start_2:
0xf9: {  	(tag) =	ssettag $0x2  }
0xfa: {  	s0 =	rddreg [dreg:$0x0];
	s2 =	stileid.u32  }
0xfb: {  	s1 =	rddreg [dreg:$0x1];
	p0 =	sne.s32 s2, $0x0  }
0xfc: {  	s3 =	rddreg [dreg:$0x2];
	[bflag:$0x3] =	sbarrier.arrive $0xFFFF;
	s2 =	simm.s32 @!p0 $0x1C01  }
0xfd: {  	[timem:s3], [sflag:s2] =	dma.local @!p0 [hbm:s0], s1  }
0xfe: {  	s0 =	simm.s32 @!p0 $0x1  }
0xff: {  	_ =	swait.ge @!p0 [sflag:s0], s1  }
0x100: {  	s1 =	ssub.s32 @!p0 $0x0, s1;
	[sflag:s0] =	ssyncset.done @!p0 $0x0  }
0x101: {  	[sflag:s0] =	ssyncadd.s32 @!p0 s1  }
0x102: {  	[bflag:$0x3] =	sbarrier.arrive $0xFFFF  }
0x103: {  	_ =	shalt  }

// kernel: kernel.14.cloned.1.call-start
scs
__scs_entry_jumppad:
0x0: {  	(pc) =	sbr.rel $0x88, $3  }
0x1: {  	(tag) =	ssettag $0x0;
	lr =	simm.s32 $0x1  }
0x2: {  	[smem:$0x3F94] =	sst lr;
	_ =	strace $0xD0000000  }
0x3: {  	_ = 	snop  }
0x4: {  	_ = 	snop  }
0x5: {  	_ = 	snop  }
0x6: {  	_ = 	snop  }
0x7: {  	_ = 	snop  }
__scs_overlays_trampoline_lowered:
0x8: {  	[smem:$0x3FA3] =	sst s0  }
0x9: {  	[smem:$0x3FA4] =	sst s1  }
0xa: {  	[smem:$0x3FA5] =	sst s2  }
0xb: {  	[smem:$0x3FA6] =	sst s3  }
0xc: {  	[smem:$0x3FA7] =	sst s4  }
0xd: {  	[smem:$0x3FA8] =	sst s5  }
0xe: {  	[smem:$0x3FA9] =	sst s6  }
0xf: {  	[smem:$0x3FAA] =	sst s7  }
0x10: {  	[smem:$0x3FAB] =	sst s8  }
0x11: {  	[smem:$0x3FAC] =	sst s9;
	s0 =	simm.s32 @!p0 $0x0  }
0x12: {  	s1 =	sld [smem:$0x3F92];
	s0 =	simm.s32 @p0 $0x1  }
0x13: {  	[smem:$0x3FAD] =	sst s0;
	s0 =	simm.s32 @!p1 $0x0  }
0x14: {  	s2 =	sld [smem:$0x3F91];
	s0 =	simm.s32 @p1 $0x1  }
0x15: {  	[smem:$0x3FAE] =	sst s0;
	s0 =	simm.s32 @!p2 $0x0  }
0x16: {  	s3 =	sld [smem:$0x3FDB];
	s0 =	simm.s32 @p2 $0x1  }
0x17: {  	s4 =	simm.s32 $0x1BF5;
	[smem:$0x3FB0] =	sst s0  }
0x18: {  	s0 =	sld [smem:$0x3F93];
	_ =	swait.ge [sflag:s4], $0x0  }
0x19: {  	s7 =	sld [smem:$0x3F94]  }
0x1a: {  	s8 =	sadd.s32 $0xFFFFE003, lr  }
0x1b: {  	s9 =	sadd.s32 $0xFFFFFEF7, lr;
	s5 =	simm.s32 $0xFFFFFFFF;
	p2 =	slt.u32 s8, $0xFFFFF086  }
0x1c: {  	p1 =	slt.u32 s9, $0xF7A;
	s5 =	simm.s32 @!p2 $0x0  }
0x1d: {  	s5 =	simm.s32 @p1 $0x1;
	p0 =	seq.s32 s7, s2  }
0x1e: {  	s7 =	smul.u32 @!p0 $0xF7A, s2;
	p2 =	seq.s32 @!p0 s5, $0x0  }
0x1f: {  	s9 =	smul.u32 $0xF7A, s1;
	s8 =	simm.s32 @!p0 $0x1BF5;
	p2 =	por !p2, p0  }
0x20: {  	[sflag:s8] =	ssyncset.s32 @!p0 $0xFFFFF086;
	s6 =	sadd.s32 @!p0 s3, s7;
	s7 =	simm.s32 @!p0 $0x108  }
0x21: {  	s3 =	sadd.s32 s3, s9;
	s6 =	sadd.s32 @!p0 $0x88, s6;
	s7 =	simm.s32 @p2 $0x1082  }
0x22: {  	[simem:s7], [sflag:s8] =	dma.local @!p0 [hbm:s6], $0xF7A  }
0x23: {  	s9 =	sor.u32 $0xD0000000, s2;
	s6 =	simm.s32 $0x108;
	_ =	swait.ge @!p0 [sflag:s8], $0x0  }
0x24: {  	s3 =	sadd.s32 $0x88, s3;
	s6 =	simm.s32 @!p1 $0x1082;
	[sflag:s4] =	ssyncset.s32 $0xFFFFF086  }
0x25: {  	[simem:s6], [sflag:s4] =	dma.local [hbm:s3], $0xF7A  }
0x26: {  	[smem:$0x3F94] =	sst s1;
	(tag) =	ssettag s2;
	_ =	strace s9  }
0x27: {  	s1 =	sld [smem:$0x3FA4]  }
0x28: {  	s2 =	sld [smem:$0x3FA5]  }
0x29: {  	s4 =	sld [smem:$0x3FA7]  }
0x2a: {  	p0 =	seq.s32 s5, $0x0;
	s5 =	sld [smem:$0x3FA8]  }
0x2b: {  	s6 =	sld [smem:$0x3FA9]  }
0x2c: {  	s7 =	sld [smem:$0x3FAA]  }
0x2d: {  	s3 =	simm.s32 $0x108;
	s8 =	sld [smem:$0x3FAB]  }
0x2e: {  	s3 =	simm.s32 @!p0 $0x1082;
	s9 =	sld [smem:$0x3FAC]  }
0x2f: {  	lr =	sadd.s32 s0, s3;
	s0 =	sld [smem:$0x3FA3]  }
0x30: {  	s3 =	sld [smem:$0x3FA6]  }
0x31: {  	[smem:$0x3FAF] =	sst s10  }
0x32: {  	s10 =	sld [smem:$0x3FAD];
	_ =	sdelay $0x3  }
0x33: {  	p0 =	seq.s32 s10, $0x1;
	s10 =	sld [smem:$0x3FAF];
	_ =	sdelay $0x3  }
0x34: {  	[smem:$0x3FAF] =	sst s10  }
0x35: {  	s10 =	sld [smem:$0x3FAE];
	_ =	sdelay $0x3  }
0x36: {  	p1 =	seq.s32 s10, $0x1;
	s10 =	sld [smem:$0x3FAF];
	_ =	sdelay $0x3  }
0x37: {  	[smem:$0x3FAF] =	sst s10  }
0x38: {  	s10 =	sld [smem:$0x3FB0]  }
0x39: {  	_ = 	snop;
	(pc) =	sbr.ind lr, $3  }
0x3a: {  	_ = 	snop  }
0x3b: {  	_ = 	snop  }
0x3c: {  	p2 =	seq.s32 s10, $0x1;
	s10 =	sld [smem:$0x3FAF]  }
0x3d: {  	_ =	shalt  }
0x3e: {  	_ =	shalt  }
0x3f: {  	_ =	shalt  }
0x40: {  	_ =	shalt  }
0x41: {  	_ =	shalt  }
0x42: {  	_ =	shalt  }
0x43: {  	_ =	shalt  }
0x44: {  	_ =	shalt  }
0x45: {  	_ =	shalt  }
0x46: {  	_ =	shalt  }
0x47: {  	_ =	shalt  }
0x48: {  	_ =	shalt  }
0x49: {  	_ =	shalt  }
0x4a: {  	_ =	shalt  }
0x4b: {  	_ =	shalt  }
0x4c: {  	_ =	shalt  }
0x4d: {  	_ =	shalt  }
0x4e: {  	_ =	shalt  }
0x4f: {  	_ =	shalt  }
0x50: {  	_ =	shalt  }
0x51: {  	_ =	shalt  }
0x52: {  	_ =	shalt  }
0x53: {  	_ =	shalt  }
0x54: {  	_ =	shalt  }
0x55: {  	_ =	shalt  }
0x56: {  	_ =	shalt  }
0x57: {  	_ =	shalt  }
0x58: {  	_ =	shalt  }
0x59: {  	_ =	shalt  }
0x5a: {  	_ =	shalt  }
0x5b: {  	_ =	shalt  }
0x5c: {  	_ =	shalt  }
0x5d: {  	_ =	shalt  }
0x5e: {  	_ =	shalt  }
0x5f: {  	_ =	shalt  }
0x60: {  	_ =	shalt  }
0x61: {  	_ =	shalt  }
0x62: {  	_ =	shalt  }
0x63: {  	_ =	shalt  }
0x64: {  	_ =	shalt  }
0x65: {  	_ =	shalt  }
0x66: {  	_ =	shalt  }
0x67: {  	_ =	shalt  }
0x68: {  	_ =	shalt  }
0x69: {  	_ =	shalt  }
0x6a: {  	_ =	shalt  }
0x6b: {  	_ =	shalt  }
0x6c: {  	_ =	shalt  }
0x6d: {  	_ =	shalt  }
0x6e: {  	_ =	shalt  }
0x6f: {  	_ =	shalt  }
0x70: {  	_ =	shalt  }
0x71: {  	_ =	shalt  }
0x72: {  	_ =	shalt  }
0x73: {  	_ =	shalt  }
0x74: {  	_ =	shalt  }
0x75: {  	_ =	shalt  }
0x76: {  	_ =	shalt  }
0x77: {  	_ =	shalt  }
0x78: {  	_ =	shalt  }
0x79: {  	_ =	shalt  }
0x7a: {  	_ =	shalt  }
0x7b: {  	_ =	shalt  }
0x7c: {  	_ =	shalt  }
0x7d: {  	_ =	shalt  }
0x7e: {  	_ =	shalt  }
0x7f: {  	_ =	shalt  }
0x80: {  	_ =	shalt  }
0x81: {  	_ =	shalt  }
0x82: {  	_ =	shalt  }
0x83: {  	_ =	shalt  }
0x84: {  	_ =	shalt  }
0x85: {  	_ =	shalt  }
0x86: {  	_ =	shalt  }
0x87: {  	_ =	shalt  }
.Lfunc_end0:
.L_simem_size_0:
called_computation.2_lowered:
.L_overlay_start_0:
0x88: {  	s2 =	sld [smem:$0x3FD9]  }
0x89: {  	s3 =	sld [smem:$0x3FFE];
	_ =	sdelay $0x1  }
0x8a: {  	s1 =	srdreg.scid  }
0x8b: {  	s0 =	sand.u32 $0x1, s1  }
0x8c: {  	s16 =	sshll.u32 s0, $0xA;
	s2 =	sadd.s32 s3, s2  }
0x8d: {  	s2 =	sadd.s32 s2, s16  }
0x8e: {  	[smem:$0x3FBB] =	sst s2  }
0x8f: {  	_ = 	snop  }
0x90: {  	(tm) =	ssettm $0x1  }
0x91: {  	s17 =	sld [smem:$0x3FFB];
	_ =	sdelay $0x3  }
0x92: {  	_ =	strace s17  }
0x93: {  	s2 =	sld [smem:$0x3FFC];
	_ =	sdelay $0x3  }
0x94: {  	_ =	strace s2  }
0x95: {  	s2 =	sld [smem:$0x3FFD];
	_ =	sdelay $0x3  }
0x96: {  	_ =	strace s2  }
0x97: {  	_ =	strace $0x8FFFFFFF  }
0x98: {  	s18 =	sld [smem:$0x3FDB];
	_ =	sdelay $0x1  }
0x99: {  	s19 =	simm.s32 $_scs_section_size  }
0x9a: {  	s4 =	simm.s32 $_size__tile_overlayer_lowered;
	s5 =	simm.s32 $_tile_overlayer_lowered  }
0x9b: {  	s22 =	simm.s32 $0x1BFF;
	s21 =	sshll.u32 s5, $0x1;
	s2 =	sadd.s32 s19, s18  }
0x9c: {  	s6 =	simm.s32 $0x0;
	s20 =	sshll.u32 s4, $0x1;
	s4 =	sadd.s32 s21, s2  }
0x9d: {  	[timem:s6], [sflag:s22] =	dma.local [hbm:s4], s20  }
0x9e: {  	_ =	swait.ge [sflag:s22], s20  }
0x9f: {  	s3 =	ssub.s32 $0x0, s20;
	[sflag:s22] =	ssyncset.done $0x0  }
0xa0: {  	[sflag:s22] =	ssyncadd.s32 s3;
	_ =	sdelay $0x1  }
0xa1: {  	s23 =	simm.s32 $0x1B8B  }
0xa2: {  	_ =	swait.ge [sflag:s23], $0x1  }
0xa3: {  	[sflag:s23] =	ssyncset.done $0x0  }
0xa4: {  	s25 =	simm.s32 $0x1B8E;
	s24 =	sld [smem:$0x3FFE];
	[sflag:s23] =	ssyncadd.s32 $0xFFFFFFFF  }
0xa5: {  	s26 =	simm.s32 $execute0_lowered;
	[smem:$0x3FD2] =	sst s25  }
0xa6: {  	s4 =	sshll.u32 s26, $0x1;
	_ =	strace $0x8000004C;
	[dreg:$0x1] =	wrdreg $0xFFFFFFFF  }
0xa7: {  	s28 =	simm.s32 $_size_execute0_lowered;
	s2 =	sadd.s32 s2, s4;
	[dreg:$0x0] =	wrdreg $0x0  }
0xa8: {  	s4 =	sshll.u32 s28, $0x1;
	[dreg:$0x2] =	wrdreg s2  }
0xa9: {  	[dreg:$0x3] =	wrdreg s4  }
0xaa: {  	[dreg:$0x4] =	wrdreg $0xC0  }
0xab: {  	_ =	task [dreg:s6], $0x5FFFF  }
0xac: {  	[dreg:$0x1] =	wrdreg $0xFFFFFFFF  }
0xad: {  	[dreg:$0x0] =	wrdreg $0x60  }
0xae: {  	[dreg:$0x2] =	wrdreg s24  }
0xaf: {  	[dreg:$0x3] =	wrdreg $0x9  }
0xb0: {  	_ =	task.clear_ibuf [dreg:s6], $0x4FFFF;
	_ =	strace $0x9000004C  }
0xb1: {  	s29 =	simm.s32 $0x9;
	_ =	strace $0x8000004E  }
0xb2: {  	_ =	swait.ge [sflag:s29], $0x1  }
0xb3: {  	[sflag:s29] =	ssyncadd.s32 $0xFFFFFFFF  }
0xb4: {  	_ =	strace $0x9000004E  }
0xb5: {  	_ =	sfence  }
0xb6: {  	s30 =	sld [smem:$0x0];
	_ =	sdelay $0x2  }
0xb7: {  	s31 =	sshll.u32 s1, $0xD;
	s1 =	sshrl.u32 s1, $0x2  }
0xb8: {  	s3 =	sand.u32 $0x4000, s31;
	s1 =	sadd.s32 s1, s30  }
0xb9: {  	s0 =	sor.u32 s3, s0;
	s1 =	sshll.u32 s1, $0x11  }
0xba: {  	s0 =	sor.u32 s1, s0  }
0xbb: {  	s0 =	sadd.s32 $0x8F2B, s0  }
0xbc: {  	[sflag:s0] =	ssyncadd.remote.s32 $0x1  }
0xbd: {  	_ =	sfence.sel $0xFFFF  }
0xbe: {  	[dreg:$0x0] =	wrdreg $0xFFFFFFFF;
	(pc) =	sbr.abs _section_cstart, $3  }
0xbf: {  	[dreg:$0x1] =	wrdreg $0xFFFFFFFF  }
0xc0: {  	_ =	task.clear_ibuf [dreg:s6], $0x2FFFF;
	_ =	strace $0x9FFFFFFF  }
0xc1: {  	(tm) =	ssettm $0x7FFFFFFF  }
tec
execute0_lowered:
.L_overlay_start_1:
0x0: {  	(tag) =	ssettag $0x1  }
0x1: {  	s7 =	rddreg [dreg:$0x0]  }
0x2: {  	s0 =	srdreg.scid;
	s1 =	rddreg [dreg:$0x1]  }
0x3: {  	s2 =	simm.s32 $0x0;
	s13 =	simm.s32 $0x80;
	s14 =	simm.s32 $0x100  }
0x4: {  	s15 =	simm.s32 $0x4100;
	s16 =	simm.s32 $0x400;
	s6 =	sand.u32 $0x1, s0  }
0x5: {  	v0 =	vlaneseq.u32;
	s17 =	simm.s32 $0x0;
	s0 =	stileid.u32;
	s3 =	smul.u32 $0xA00000, s6  }
0x6: {  	[smem:$0x7FF] =	sst s2;
	v0 =	vmul.u32 $0x80, v0;
	s4 =	smul.u32 $0xA0000, s0;
	s5 =	sshll.u32 s6, $0x4  }
0x7: {  	_ =	strace $0x8000004D;
	s26 =	sshll.u32 s0, $0x7;
	s12 =	smul.u32 $0x2800, s6  }
0x8: {  	s28 =	ssub.s32 $0x2, s6;
	s31 =	smul.u32 $0x280, s0;
	s25 =	sor.u32 s0, s5;
	v1 =	vor.u32 $0x1, v0;
	v2 =	vor.u32 $0x2, v0  }
0x9: {  	s10 =	sand.u32 $0x380, s26;
	v3 =	vor.u32 $0x800, v0;
	v4 =	vor.u32 $0x801, v0;
	v5 =	vor.u32 $0x802, v0;
	s3 =	sadd.s32 s4, s3;
	s4 =	sshrl.u32 s25, $0x3  }
0xa: {  	s5 =	sadd.s32 $0xC000, s7;
	s11 =	sshrl.u32 s28, $0x1;
	v6 =	vor.u32 $0x1000, v0;
	v7 =	vor.u32 $0x1001, v0;
	v8 =	vor.u32 $0x1002, v0;
	s8 =	smul.u32 $0x4E400, s4  }
0xb: {  	v9 =	vor.u32 $0x1800, v0;
	v10 =	vor.u32 $0x1801, v0;
	v11 =	vor.u32 $0x1802, v0;
	s30 =	ssub.s32 s28, s11;
	s11 =	simm.s32 $0x8100;
	s3 =	sshrl.u32 s3, $0x3  }
0xc: {  	v12 =	vor.u32 $0x2000, v0;
	v13 =	vor.u32 $0x2001, v0;
	v14 =	vor.u32 $0x2002, v0;
	s4 =	sadd.s32 $0x2000, s7;
	s9 =	sadd.s32 s3, s7;
	s8 =	sor.u32 s10, s8  }
0xd: {  	v15 =	vor.u32 $0x2800, v0;
	v16 =	vor.u32 $0x2801, v0;
	v17 =	vor.u32 $0x2802, v0;
	s3 =	sadd.s32 $0x7000, s7;
	s10 =	sadd.s32 s31, s12;
	s8 =	sshrl.u32 s8, $0x3  }
0xe: {  	v18 =	vor.u32 $0x3000, v0;
	v19 =	vor.u32 $0x3001, v0;
	v20 =	vor.u32 $0x3002, v0;
	s12 =	simm.s32 $0x1;
	s29 =	sadd.s32 s8, s7;
	s8 =	sadd.s32 $0x7DB800, s9  }
0xf: {  	v21 =	vor.u32 $0x3800, v0;
	v22 =	vor.u32 $0x3801, v0;
	v23 =	vor.u32 $0x3802, v0;
	s7 =	smax.u32 s30, $0x1;
	s9 =	sadd.s32 $0x55B800, s9;
	s6 =	sadd.s32 $0xD400, s29  }
.LBB2_1:
0x10: {  	[tilespmem:s11], [sflag:$0x1] =	stream.linear.gather [hbm4b:s5+s2], $0x9C80, $0x38;
	[tilespmem:$0x11D80] =	vst v63  }
0x11: {  	_ =	swait.ge [sflag:s12], $0x9C80  }
0x12: {  	s18 =	simm.s32 $0x0;
	[sflag:s12] =	ssyncset.done $0x0  }
0x13: {  	s19 =	smov.u32 s9;
	s20 =	smov.u32 s8;
	[sflag:s12] =	ssyncadd.s32 $0xFFFF6380  }
.LBB2_2:
0x14: {  	s21 =	sadd.s32 s18, s10  }
0x15: {  	s22 =	sand.u32 $0x70, s18;
	s21 =	sand.u32 $0xFFFFF80, s21  }
0x16: {  	s21 =	sor.u32 s22, s21  }
0x17: {  	s22 =	sadd.s32 s3, s21  }
0x18: {  	[tilespmem:s2], [sflag:$0x1] =	stream.linear.gather [hbm4b:s22+s2], $0x80, $0x38;
	[tilespmem:$0x11D80] =	vst v63  }
0x19: {  	_ =	swait.ge [sflag:s12], $0x80  }
0x1a: {  	[sflag:s12] =	ssyncset.done $0x0  }
0x1b: {  	s21 =	sadd.s32 s4, s21;
	[sflag:s12] =	ssyncadd.s32 $0xFFFFFF80  }
0x1c: {  	[tilespmem:s13], [sflag:$0x1] =	stream.linear.gather [hbm4b:s21+s2], $0x80, $0x38;
	[tilespmem:$0x11D80] =	vst v63  }
0x1d: {  	_ =	swait.ge [sflag:s12], $0x80  }
0x1e: {  	[sflag:s12] =	ssyncset.done $0x0  }
0x1f: {  	[sflag:s12] =	ssyncadd.s32 $0xFFFFFF80  }
0x20: {  	[tilespmem:s14], [sflag:$0x1] =	stream.linear.gather [hbm4b:s19+s2], $0x4000, $0x38;
	[tilespmem:$0x11D80] =	vst v63  }
0x21: {  	_ =	swait.ge [sflag:s12], $0x4000  }
0x22: {  	[sflag:s12] =	ssyncset.done $0x0  }
0x23: {  	[sflag:s12] =	ssyncadd.s32 $0xFFFFC000  }
0x24: {  	[tilespmem:s15], [sflag:$0x1] =	stream.linear.gather [hbm4b:s20+s2], $0x4000, $0x38;
	[tilespmem:$0x11D80] =	vst v63  }
0x25: {  	_ =	swait.ge [sflag:s12], $0x4000  }
0x26: {  	[sflag:s12] =	ssyncset.done $0x0  }
0x27: {  	[sflag:s12] =	ssyncadd.s32 $0xFFFFC000  }
0x28: {  	v24 =	vld [tilespmem:$0x0];
	_ =	sdelay $0x4  }
0x29: {  	v25 =	vld.idx.msk [tilespmem:v0+s14+$0x0], $0xffff;
	v24 =	vshll.u32 v24, $0x2;
	_ =	sdelay $0x4  }
0x2a: {  	[tilespmem:v24+s11+$0x0] =	vst.idx.add.f32.msk $0xffff, v25  }
0x2b: {  	v26 =	vor.u32 $0x1, v24;
	v25 =	vld.idx.msk [tilespmem:v1+s14+$0x0], $0xffff;
	_ =	sdelay $0x4  }
0x2c: {  	[tilespmem:v26+s11+$0x0] =	vst.idx.add.f32.msk $0xffff, v25  }
0x2d: {  	v24 =	vor.u32 $0x2, v24;
	v25 =	vld.idx.msk [tilespmem:v2+s14+$0x0], $0xffff;
	_ =	sdelay $0x4  }
0x2e: {  	[tilespmem:v24+s11+$0x0] =	vst.idx.add.f32.msk $0xffff, v25  }
0x2f: {  	v24 =	vld [tilespmem:$0x10];
	_ =	sdelay $0x4  }
0x30: {  	v25 =	vld.idx.msk [tilespmem:v3+s14+$0x0], $0xffff;
	v24 =	vshll.u32 v24, $0x2;
	_ =	sdelay $0x4  }
0x31: {  	[tilespmem:v24+s11+$0x0] =	vst.idx.add.f32.msk $0xffff, v25  }
0x32: {  	v49 =	vor.u32 $0x1, v24;
	v25 =	vld.idx.msk [tilespmem:v4+s14+$0x0], $0xffff;
	_ =	sdelay $0x4  }
0x33: {  	[tilespmem:v49+s11+$0x0] =	vst.idx.add.f32.msk $0xffff, v25  }
0x34: {  	v24 =	vor.u32 $0x2, v24;
	v25 =	vld.idx.msk [tilespmem:v5+s14+$0x0], $0xffff;
	_ =	sdelay $0x4  }
0x35: {  	[tilespmem:v24+s11+$0x0] =	vst.idx.add.f32.msk $0xffff, v25  }
0x36: {  	v24 =	vld [tilespmem:$0x20];
	_ =	sdelay $0x4  }
0x37: {  	v25 =	vld.idx.msk [tilespmem:v6+s14+$0x0], $0xffff;
	v24 =	vshll.u32 v24, $0x2;
	_ =	sdelay $0x4  }
0x38: {  	[tilespmem:v24+s11+$0x0] =	vst.idx.add.f32.msk $0xffff, v25  }
0x39: {  	v50 =	vor.u32 $0x1, v24;
	v25 =	vld.idx.msk [tilespmem:v7+s14+$0x0], $0xffff;
	_ =	sdelay $0x4  }
0x3a: {  	[tilespmem:v50+s11+$0x0] =	vst.idx.add.f32.msk $0xffff, v25  }
0x3b: {  	v24 =	vor.u32 $0x2, v24;
	v25 =	vld.idx.msk [tilespmem:v8+s14+$0x0], $0xffff;
	_ =	sdelay $0x4  }
0x3c: {  	[tilespmem:v24+s11+$0x0] =	vst.idx.add.f32.msk $0xffff, v25  }
0x3d: {  	v24 =	vld [tilespmem:$0x30];
	_ =	sdelay $0x4  }
0x3e: {  	v25 =	vld.idx.msk [tilespmem:v9+s14+$0x0], $0xffff;
	v24 =	vshll.u32 v24, $0x2;
	_ =	sdelay $0x4  }
0x3f: {  	[tilespmem:v24+s11+$0x0] =	vst.idx.add.f32.msk $0xffff, v25  }
0x40: {  	v51 =	vor.u32 $0x1, v24;
	v25 =	vld.idx.msk [tilespmem:v10+s14+$0x0], $0xffff;
	_ =	sdelay $0x4  }
0x41: {  	[tilespmem:v51+s11+$0x0] =	vst.idx.add.f32.msk $0xffff, v25  }
0x42: {  	v24 =	vor.u32 $0x2, v24;
	v25 =	vld.idx.msk [tilespmem:v11+s14+$0x0], $0xffff;
	_ =	sdelay $0x4  }
0x43: {  	[tilespmem:v24+s11+$0x0] =	vst.idx.add.f32.msk $0xffff, v25  }
0x44: {  	v24 =	vld [tilespmem:$0x40];
	_ =	sdelay $0x4  }
0x45: {  	v25 =	vld.idx.msk [tilespmem:v12+s14+$0x0], $0xffff;
	v24 =	vshll.u32 v24, $0x2;
	_ =	sdelay $0x4  }
0x46: {  	[tilespmem:v24+s11+$0x0] =	vst.idx.add.f32.msk $0xffff, v25  }
0x47: {  	v52 =	vor.u32 $0x1, v24;
	v25 =	vld.idx.msk [tilespmem:v13+s14+$0x0], $0xffff;
	_ =	sdelay $0x4  }
0x48: {  	[tilespmem:v52+s11+$0x0] =	vst.idx.add.f32.msk $0xffff, v25  }
0x49: {  	v24 =	vor.u32 $0x2, v24;
	v25 =	vld.idx.msk [tilespmem:v14+s14+$0x0], $0xffff;
	_ =	sdelay $0x4  }
0x4a: {  	[tilespmem:v24+s11+$0x0] =	vst.idx.add.f32.msk $0xffff, v25  }
0x4b: {  	v24 =	vld [tilespmem:$0x50];
	_ =	sdelay $0x4  }
0x4c: {  	v25 =	vld.idx.msk [tilespmem:v15+s14+$0x0], $0xffff;
	v24 =	vshll.u32 v24, $0x2;
	_ =	sdelay $0x4  }
0x4d: {  	[tilespmem:v24+s11+$0x0] =	vst.idx.add.f32.msk $0xffff, v25  }
0x4e: {  	v53 =	vor.u32 $0x1, v24;
	v25 =	vld.idx.msk [tilespmem:v16+s14+$0x0], $0xffff;
	_ =	sdelay $0x4  }
0x4f: {  	[tilespmem:v53+s11+$0x0] =	vst.idx.add.f32.msk $0xffff, v25  }
0x50: {  	v24 =	vor.u32 $0x2, v24;
	v25 =	vld.idx.msk [tilespmem:v17+s14+$0x0], $0xffff;
	_ =	sdelay $0x4  }
0x51: {  	[tilespmem:v24+s11+$0x0] =	vst.idx.add.f32.msk $0xffff, v25  }
0x52: {  	v24 =	vld [tilespmem:$0x60];
	_ =	sdelay $0x4  }
0x53: {  	v25 =	vld.idx.msk [tilespmem:v18+s14+$0x0], $0xffff;
	v24 =	vshll.u32 v24, $0x2;
	_ =	sdelay $0x4  }
0x54: {  	[tilespmem:v24+s11+$0x0] =	vst.idx.add.f32.msk $0xffff, v25  }
0x55: {  	v54 =	vor.u32 $0x1, v24;
	v25 =	vld.idx.msk [tilespmem:v19+s14+$0x0], $0xffff;
	_ =	sdelay $0x4  }
0x56: {  	[tilespmem:v54+s11+$0x0] =	vst.idx.add.f32.msk $0xffff, v25  }
0x57: {  	v24 =	vor.u32 $0x2, v24;
	v25 =	vld.idx.msk [tilespmem:v20+s14+$0x0], $0xffff;
	_ =	sdelay $0x4  }
0x58: {  	[tilespmem:v24+s11+$0x0] =	vst.idx.add.f32.msk $0xffff, v25  }
0x59: {  	v24 =	vld [tilespmem:$0x70];
	_ =	sdelay $0x4  }
0x5a: {  	v25 =	vld.idx.msk [tilespmem:v21+s14+$0x0], $0xffff;
	v24 =	vshll.u32 v24, $0x2;
	_ =	sdelay $0x4  }
0x5b: {  	[tilespmem:v24+s11+$0x0] =	vst.idx.add.f32.msk $0xffff, v25  }
0x5c: {  	v55 =	vor.u32 $0x1, v24;
	v25 =	vld.idx.msk [tilespmem:v22+s14+$0x0], $0xffff;
	_ =	sdelay $0x4  }
0x5d: {  	[tilespmem:v55+s11+$0x0] =	vst.idx.add.f32.msk $0xffff, v25  }
0x5e: {  	v24 =	vor.u32 $0x2, v24;
	v25 =	vld.idx.msk [tilespmem:v23+s14+$0x0], $0xffff;
	_ =	sdelay $0x4  }
0x5f: {  	[tilespmem:v24+s11+$0x0] =	vst.idx.add.f32.msk $0xffff, v25  }
0x60: {  	v24 =	vld [tilespmem:$0x80];
	_ =	sdelay $0x4  }
0x61: {  	v25 =	vld.idx.msk [tilespmem:v0+s15+$0x0], $0xffff;
	v24 =	vshll.u32 v24, $0x2;
	_ =	sdelay $0x4  }
0x62: {  	[tilespmem:v24+s11+$0x0] =	vst.idx.add.f32.msk $0xffff, v25  }
0x63: {  	v56 =	vor.u32 $0x1, v24;
	v25 =	vld.idx.msk [tilespmem:v1+s15+$0x0], $0xffff;
	_ =	sdelay $0x4  }
0x64: {  	[tilespmem:v56+s11+$0x0] =	vst.idx.add.f32.msk $0xffff, v25  }
0x65: {  	v24 =	vor.u32 $0x2, v24;
	v25 =	vld.idx.msk [tilespmem:v2+s15+$0x0], $0xffff;
	_ =	sdelay $0x4  }
0x66: {  	[tilespmem:v24+s11+$0x0] =	vst.idx.add.f32.msk $0xffff, v25  }
0x67: {  	v24 =	vld [tilespmem:$0x90];
	_ =	sdelay $0x4  }
0x68: {  	v25 =	vld.idx.msk [tilespmem:v3+s15+$0x0], $0xffff;
	v24 =	vshll.u32 v24, $0x2;
	_ =	sdelay $0x4  }
0x69: {  	[tilespmem:v24+s11+$0x0] =	vst.idx.add.f32.msk $0xffff, v25  }
0x6a: {  	v57 =	vor.u32 $0x1, v24;
	v25 =	vld.idx.msk [tilespmem:v4+s15+$0x0], $0xffff;
	_ =	sdelay $0x4  }
0x6b: {  	[tilespmem:v57+s11+$0x0] =	vst.idx.add.f32.msk $0xffff, v25  }
0x6c: {  	v24 =	vor.u32 $0x2, v24;
	v25 =	vld.idx.msk [tilespmem:v5+s15+$0x0], $0xffff;
	_ =	sdelay $0x4  }
0x6d: {  	[tilespmem:v24+s11+$0x0] =	vst.idx.add.f32.msk $0xffff, v25  }
0x6e: {  	v24 =	vld [tilespmem:$0xA0];
	_ =	sdelay $0x4  }
0x6f: {  	v25 =	vld.idx.msk [tilespmem:v6+s15+$0x0], $0xffff;
	v24 =	vshll.u32 v24, $0x2;
	_ =	sdelay $0x4  }
0x70: {  	[tilespmem:v24+s11+$0x0] =	vst.idx.add.f32.msk $0xffff, v25  }
0x71: {  	v58 =	vor.u32 $0x1, v24;
	v25 =	vld.idx.msk [tilespmem:v7+s15+$0x0], $0xffff;
	_ =	sdelay $0x4  }
0x72: {  	[tilespmem:v58+s11+$0x0] =	vst.idx.add.f32.msk $0xffff, v25  }
0x73: {  	v24 =	vor.u32 $0x2, v24;
	v25 =	vld.idx.msk [tilespmem:v8+s15+$0x0], $0xffff;
	_ =	sdelay $0x4  }
0x74: {  	[tilespmem:v24+s11+$0x0] =	vst.idx.add.f32.msk $0xffff, v25  }
0x75: {  	v24 =	vld [tilespmem:$0xB0];
	_ =	sdelay $0x4  }
0x76: {  	v25 =	vld.idx.msk [tilespmem:v9+s15+$0x0], $0xffff;
	v24 =	vshll.u32 v24, $0x2;
	_ =	sdelay $0x4  }
0x77: {  	[tilespmem:v24+s11+$0x0] =	vst.idx.add.f32.msk $0xffff, v25  }
0x78: {  	v59 =	vor.u32 $0x1, v24;
	v25 =	vld.idx.msk [tilespmem:v10+s15+$0x0], $0xffff;
	_ =	sdelay $0x4  }
0x79: {  	[tilespmem:v59+s11+$0x0] =	vst.idx.add.f32.msk $0xffff, v25  }
0x7a: {  	v24 =	vor.u32 $0x2, v24;
	v25 =	vld.idx.msk [tilespmem:v11+s15+$0x0], $0xffff;
	_ =	sdelay $0x4  }
0x7b: {  	[tilespmem:v24+s11+$0x0] =	vst.idx.add.f32.msk $0xffff, v25  }
0x7c: {  	v24 =	vld [tilespmem:$0xC0];
	_ =	sdelay $0x4  }
0x7d: {  	v25 =	vld.idx.msk [tilespmem:v12+s15+$0x0], $0xffff;
	v24 =	vshll.u32 v24, $0x2;
	_ =	sdelay $0x4  }
0x7e: {  	[tilespmem:v24+s11+$0x0] =	vst.idx.add.f32.msk $0xffff, v25  }
0x7f: {  	v60 =	vor.u32 $0x1, v24;
	v25 =	vld.idx.msk [tilespmem:v13+s15+$0x0], $0xffff;
	_ =	sdelay $0x4  }
0x80: {  	[tilespmem:v60+s11+$0x0] =	vst.idx.add.f32.msk $0xffff, v25  }
0x81: {  	v24 =	vor.u32 $0x2, v24;
	v25 =	vld.idx.msk [tilespmem:v14+s15+$0x0], $0xffff;
	_ =	sdelay $0x4  }
0x82: {  	[tilespmem:v24+s11+$0x0] =	vst.idx.add.f32.msk $0xffff, v25  }
0x83: {  	v24 =	vld [tilespmem:$0xD0];
	_ =	sdelay $0x4  }
0x84: {  	v25 =	vld.idx.msk [tilespmem:v15+s15+$0x0], $0xffff;
	v24 =	vshll.u32 v24, $0x2;
	_ =	sdelay $0x4  }
0x85: {  	[tilespmem:v24+s11+$0x0] =	vst.idx.add.f32.msk $0xffff, v25  }
0x86: {  	v61 =	vor.u32 $0x1, v24;
	v25 =	vld.idx.msk [tilespmem:v16+s15+$0x0], $0xffff;
	_ =	sdelay $0x4  }
0x87: {  	[tilespmem:v61+s11+$0x0] =	vst.idx.add.f32.msk $0xffff, v25  }
0x88: {  	v24 =	vor.u32 $0x2, v24;
	v25 =	vld.idx.msk [tilespmem:v17+s15+$0x0], $0xffff;
	_ =	sdelay $0x4  }
0x89: {  	[tilespmem:v24+s11+$0x0] =	vst.idx.add.f32.msk $0xffff, v25  }
0x8a: {  	v24 =	vld [tilespmem:$0xE0];
	_ =	sdelay $0x4  }
0x8b: {  	v25 =	vld.idx.msk [tilespmem:v18+s15+$0x0], $0xffff;
	v24 =	vshll.u32 v24, $0x2;
	_ =	sdelay $0x4  }
0x8c: {  	[tilespmem:v24+s11+$0x0] =	vst.idx.add.f32.msk $0xffff, v25  }
0x8d: {  	v62 =	vor.u32 $0x1, v24;
	v25 =	vld.idx.msk [tilespmem:v19+s15+$0x0], $0xffff;
	_ =	sdelay $0x4  }
0x8e: {  	[tilespmem:v62+s11+$0x0] =	vst.idx.add.f32.msk $0xffff, v25  }
0x8f: {  	v24 =	vor.u32 $0x2, v24;
	v25 =	vld.idx.msk [tilespmem:v20+s15+$0x0], $0xffff;
	_ =	sdelay $0x4  }
0x90: {  	[tilespmem:v24+s11+$0x0] =	vst.idx.add.f32.msk $0xffff, v25  }
0x91: {  	v24 =	vld [tilespmem:$0xF0];
	_ =	sdelay $0x4  }
0x92: {  	v25 =	vld.idx.msk [tilespmem:v21+s15+$0x0], $0xffff;
	v24 =	vshll.u32 v24, $0x2;
	_ =	sdelay $0x4  }
0x93: {  	[tilespmem:v24+s11+$0x0] =	vst.idx.add.f32.msk $0xffff, v25  }
0x94: {  	v63 =	vor.u32 $0x1, v24;
	v25 =	vld.idx.msk [tilespmem:v22+s15+$0x0], $0xffff;
	_ =	sdelay $0x4  }
0x95: {  	[tilespmem:v63+s11+$0x0] =	vst.idx.add.f32.msk $0xffff, v25  }
0x96: {  	p0 =	sne.s32 s18, $0x270;
	v24 =	vor.u32 $0x2, v24;
	v25 =	vld.idx.msk [tilespmem:v23+s15+$0x0], $0xffff  }
.Ltmp0:
0x97: {  	_ = 	snop;
	(pc) =	sbr.rel @p0 .LBB2_2-.Ltmp0, $2  }
0x98: {  	_ =	sdelay $0x2  }
0x99: {  	s18 =	sadd.s32 $0x10, s18;
	s19 =	sadd.s32 $0x800, s19;
	s20 =	sadd.s32 $0x800, s20;
	[tilespmem:v24+s11+$0x0] =	vst.idx.add.f32.msk $0xffff, v25  }
0x9a: {  	s17 =	sadd.s32 $0x1, s17  }
0x9b: {  	p0 =	sne.s32 s17, s7  }
.Ltmp1:
0x9c: {  	_ = 	snop;
	(pc) =	sbr.rel @p0 .LBB2_1-.Ltmp1, $4  }
0x9d: {  	[hbm4b:s6+s13] =	stream.strided.scatter [tilespmem:s11], [sflag:$0x1], $0x9C80, s16, s13, $0x38;
	[tilespmem:$0x11D80] =	vst v63  }
0x9e: {  	_ =	swait.ge [sflag:s12], $0x9C80  }
0x9f: {  	[sflag:s12] =	ssyncset.done $0x0  }
0xa0: {  	[sflag:s12] =	ssyncadd.s32 $0xFFFF6380  }
0xa1: {  	_ =	sfence.sel $0x180000  }
0xa2: {  	[bflag:$0x0] =	sbarrier.arrive $0xFFFF  }
0xa3: {  	p0 =	sne.s32 s0, $0x0;
	_ =	strace $0x9000004D  }
0xa4: {  	s0 =	sadd.s32 @!p0 $0x100000, s1;
	[bflag:$0x2] =	sbarrier.arrive $0xFFFF  }
0xa5: {  	[sflag:s0] =	ssyncadd.tile.s32 @!p0 $0x1;
	_ =	shalt  }
.Lfunc_end2:
_tile_overlayer_lowered:
.L_overlay_start_2:
0xa6: {  	(tag) =	ssettag $0x2  }
0xa7: {  	s0 =	rddreg [dreg:$0x0];
	s2 =	stileid.u32  }
0xa8: {  	s1 =	rddreg [dreg:$0x1];
	p0 =	sne.s32 s2, $0x0  }
0xa9: {  	s3 =	rddreg [dreg:$0x2];
	[bflag:$0x3] =	sbarrier.arrive $0xFFFF;
	s2 =	simm.s32 @!p0 $0x1C01  }
0xaa: {  	[timem:s3], [sflag:s2] =	dma.local @!p0 [hbm:s0], s1  }
0xab: {  	s0 =	simm.s32 @!p0 $0x1  }
0xac: {  	_ =	swait.ge @!p0 [sflag:s0], s1  }
0xad: {  	s1 =	ssub.s32 @!p0 $0x0, s1;
	[sflag:s0] =	ssyncset.done @!p0 $0x0  }
0xae: {  	[sflag:s0] =	ssyncadd.s32 @!p0 s1  }
0xaf: {  	[bflag:$0x3] =	sbarrier.arrive $0xFFFF  }
0xb0: {  	_ =	shalt  }

// kernel: kernel.8.cloned.1.call-start
scs
__scs_entry_jumppad:
0x0: {  	(pc) =	sbr.rel $0x88, $3  }
0x1: {  	(tag) =	ssettag $0x0;
	lr =	simm.s32 $0x1  }
0x2: {  	[smem:$0x3F94] =	sst lr;
	_ =	strace $0xD0000000  }
0x3: {  	_ = 	snop  }
0x4: {  	_ = 	snop  }
0x5: {  	_ = 	snop  }
0x6: {  	_ = 	snop  }
0x7: {  	_ = 	snop  }
__scs_overlays_trampoline_lowered:
0x8: {  	[smem:$0x3FA3] =	sst s0  }
0x9: {  	[smem:$0x3FA4] =	sst s1  }
0xa: {  	[smem:$0x3FA5] =	sst s2  }
0xb: {  	[smem:$0x3FA6] =	sst s3  }
0xc: {  	[smem:$0x3FA7] =	sst s4  }
0xd: {  	[smem:$0x3FA8] =	sst s5  }
0xe: {  	[smem:$0x3FA9] =	sst s6  }
0xf: {  	[smem:$0x3FAA] =	sst s7  }
0x10: {  	[smem:$0x3FAB] =	sst s8  }
0x11: {  	[smem:$0x3FAC] =	sst s9;
	s0 =	simm.s32 @!p0 $0x0  }
0x12: {  	s1 =	sld [smem:$0x3F92];
	s0 =	simm.s32 @p0 $0x1  }
0x13: {  	[smem:$0x3FAD] =	sst s0;
	s0 =	simm.s32 @!p1 $0x0  }
0x14: {  	s2 =	sld [smem:$0x3F91];
	s0 =	simm.s32 @p1 $0x1  }
0x15: {  	[smem:$0x3FAE] =	sst s0;
	s0 =	simm.s32 @!p2 $0x0  }
0x16: {  	s3 =	sld [smem:$0x3FDB];
	s0 =	simm.s32 @p2 $0x1  }
0x17: {  	s4 =	simm.s32 $0x1BF5;
	[smem:$0x3FB0] =	sst s0  }
0x18: {  	s0 =	sld [smem:$0x3F93];
	_ =	swait.ge [sflag:s4], $0x0  }
0x19: {  	s7 =	sld [smem:$0x3F94]  }
0x1a: {  	s8 =	sadd.s32 $0xFFFFE003, lr  }
0x1b: {  	s9 =	sadd.s32 $0xFFFFFEF7, lr;
	s5 =	simm.s32 $0xFFFFFFFF;
	p2 =	slt.u32 s8, $0xFFFFF086  }
0x1c: {  	p1 =	slt.u32 s9, $0xF7A;
	s5 =	simm.s32 @!p2 $0x0  }
0x1d: {  	s5 =	simm.s32 @p1 $0x1;
	p0 =	seq.s32 s7, s2  }
0x1e: {  	s7 =	smul.u32 @!p0 $0xF7A, s2;
	p2 =	seq.s32 @!p0 s5, $0x0  }
0x1f: {  	s9 =	smul.u32 $0xF7A, s1;
	s8 =	simm.s32 @!p0 $0x1BF5;
	p2 =	por !p2, p0  }
0x20: {  	[sflag:s8] =	ssyncset.s32 @!p0 $0xFFFFF086;
	s6 =	sadd.s32 @!p0 s3, s7;
	s7 =	simm.s32 @!p0 $0x108  }
0x21: {  	s3 =	sadd.s32 s3, s9;
	s6 =	sadd.s32 @!p0 $0x88, s6;
	s7 =	simm.s32 @p2 $0x1082  }
0x22: {  	[simem:s7], [sflag:s8] =	dma.local @!p0 [hbm:s6], $0xF7A  }
0x23: {  	s9 =	sor.u32 $0xD0000000, s2;
	s6 =	simm.s32 $0x108;
	_ =	swait.ge @!p0 [sflag:s8], $0x0  }
0x24: {  	s3 =	sadd.s32 $0x88, s3;
	s6 =	simm.s32 @!p1 $0x1082;
	[sflag:s4] =	ssyncset.s32 $0xFFFFF086  }
0x25: {  	[simem:s6], [sflag:s4] =	dma.local [hbm:s3], $0xF7A  }
0x26: {  	[smem:$0x3F94] =	sst s1;
	(tag) =	ssettag s2;
	_ =	strace s9  }
0x27: {  	s1 =	sld [smem:$0x3FA4]  }
0x28: {  	s2 =	sld [smem:$0x3FA5]  }
0x29: {  	s4 =	sld [smem:$0x3FA7]  }
0x2a: {  	p0 =	seq.s32 s5, $0x0;
	s5 =	sld [smem:$0x3FA8]  }
0x2b: {  	s6 =	sld [smem:$0x3FA9]  }
0x2c: {  	s7 =	sld [smem:$0x3FAA]  }
0x2d: {  	s3 =	simm.s32 $0x108;
	s8 =	sld [smem:$0x3FAB]  }
0x2e: {  	s3 =	simm.s32 @!p0 $0x1082;
	s9 =	sld [smem:$0x3FAC]  }
0x2f: {  	lr =	sadd.s32 s0, s3;
	s0 =	sld [smem:$0x3FA3]  }
0x30: {  	s3 =	sld [smem:$0x3FA6]  }
0x31: {  	[smem:$0x3FAF] =	sst s10  }
0x32: {  	s10 =	sld [smem:$0x3FAD];
	_ =	sdelay $0x3  }
0x33: {  	p0 =	seq.s32 s10, $0x1;
	s10 =	sld [smem:$0x3FAF];
	_ =	sdelay $0x3  }
0x34: {  	[smem:$0x3FAF] =	sst s10  }
0x35: {  	s10 =	sld [smem:$0x3FAE];
	_ =	sdelay $0x3  }
0x36: {  	p1 =	seq.s32 s10, $0x1;
	s10 =	sld [smem:$0x3FAF];
	_ =	sdelay $0x3  }
0x37: {  	[smem:$0x3FAF] =	sst s10  }
0x38: {  	s10 =	sld [smem:$0x3FB0]  }
0x39: {  	_ = 	snop;
	(pc) =	sbr.ind lr, $3  }
0x3a: {  	_ = 	snop  }
0x3b: {  	_ = 	snop  }
0x3c: {  	p2 =	seq.s32 s10, $0x1;
	s10 =	sld [smem:$0x3FAF]  }
0x3d: {  	_ =	shalt  }
0x3e: {  	_ =	shalt  }
0x3f: {  	_ =	shalt  }
0x40: {  	_ =	shalt  }
0x41: {  	_ =	shalt  }
0x42: {  	_ =	shalt  }
0x43: {  	_ =	shalt  }
0x44: {  	_ =	shalt  }
0x45: {  	_ =	shalt  }
0x46: {  	_ =	shalt  }
0x47: {  	_ =	shalt  }
0x48: {  	_ =	shalt  }
0x49: {  	_ =	shalt  }
0x4a: {  	_ =	shalt  }
0x4b: {  	_ =	shalt  }
0x4c: {  	_ =	shalt  }
0x4d: {  	_ =	shalt  }
0x4e: {  	_ =	shalt  }
0x4f: {  	_ =	shalt  }
0x50: {  	_ =	shalt  }
0x51: {  	_ =	shalt  }
0x52: {  	_ =	shalt  }
0x53: {  	_ =	shalt  }
0x54: {  	_ =	shalt  }
0x55: {  	_ =	shalt  }
0x56: {  	_ =	shalt  }
0x57: {  	_ =	shalt  }
0x58: {  	_ =	shalt  }
0x59: {  	_ =	shalt  }
0x5a: {  	_ =	shalt  }
0x5b: {  	_ =	shalt  }
0x5c: {  	_ =	shalt  }
0x5d: {  	_ =	shalt  }
0x5e: {  	_ =	shalt  }
0x5f: {  	_ =	shalt  }
0x60: {  	_ =	shalt  }
0x61: {  	_ =	shalt  }
0x62: {  	_ =	shalt  }
0x63: {  	_ =	shalt  }
0x64: {  	_ =	shalt  }
0x65: {  	_ =	shalt  }
0x66: {  	_ =	shalt  }
0x67: {  	_ =	shalt  }
0x68: {  	_ =	shalt  }
0x69: {  	_ =	shalt  }
0x6a: {  	_ =	shalt  }
0x6b: {  	_ =	shalt  }
0x6c: {  	_ =	shalt  }
0x6d: {  	_ =	shalt  }
0x6e: {  	_ =	shalt  }
0x6f: {  	_ =	shalt  }
0x70: {  	_ =	shalt  }
0x71: {  	_ =	shalt  }
0x72: {  	_ =	shalt  }
0x73: {  	_ =	shalt  }
0x74: {  	_ =	shalt  }
0x75: {  	_ =	shalt  }
0x76: {  	_ =	shalt  }
0x77: {  	_ =	shalt  }
0x78: {  	_ =	shalt  }
0x79: {  	_ =	shalt  }
0x7a: {  	_ =	shalt  }
0x7b: {  	_ =	shalt  }
0x7c: {  	_ =	shalt  }
0x7d: {  	_ =	shalt  }
0x7e: {  	_ =	shalt  }
0x7f: {  	_ =	shalt  }
0x80: {  	_ =	shalt  }
0x81: {  	_ =	shalt  }
0x82: {  	_ =	shalt  }
0x83: {  	_ =	shalt  }
0x84: {  	_ =	shalt  }
0x85: {  	_ =	shalt  }
0x86: {  	_ =	shalt  }
0x87: {  	_ =	shalt  }
.Lfunc_end0:
.L_simem_size_0:
called_computation_lowered:
.L_overlay_start_0:
0x88: {  	s2 =	sld [smem:$0x3FD9]  }
0x89: {  	s3 =	sld [smem:$0x3FFE];
	_ =	sdelay $0x1  }
0x8a: {  	s1 =	srdreg.scid  }
0x8b: {  	s0 =	sand.u32 $0x1, s1  }
0x8c: {  	s16 =	sshll.u32 s0, $0xA;
	s2 =	sadd.s32 s3, s2  }
0x8d: {  	s2 =	sadd.s32 s2, s16  }
0x8e: {  	[smem:$0x3FBB] =	sst s2  }
0x8f: {  	_ = 	snop  }
0x90: {  	(tm) =	ssettm $0x1  }
0x91: {  	s17 =	sld [smem:$0x3FFB];
	_ =	sdelay $0x3  }
0x92: {  	_ =	strace s17  }
0x93: {  	s2 =	sld [smem:$0x3FFC];
	_ =	sdelay $0x3  }
0x94: {  	_ =	strace s2  }
0x95: {  	s2 =	sld [smem:$0x3FFD];
	_ =	sdelay $0x3  }
0x96: {  	_ =	strace s2  }
0x97: {  	_ =	strace $0x8FFFFFFF  }
0x98: {  	s18 =	sld [smem:$0x3FDB];
	_ =	sdelay $0x1  }
0x99: {  	s19 =	simm.s32 $_scs_section_size  }
0x9a: {  	s4 =	simm.s32 $_size__tile_overlayer_lowered;
	s5 =	simm.s32 $_tile_overlayer_lowered  }
0x9b: {  	s22 =	simm.s32 $0x1BFF;
	s21 =	sshll.u32 s5, $0x1;
	s2 =	sadd.s32 s19, s18  }
0x9c: {  	s6 =	simm.s32 $0x0;
	s20 =	sshll.u32 s4, $0x1;
	s4 =	sadd.s32 s21, s2  }
0x9d: {  	[timem:s6], [sflag:s22] =	dma.local [hbm:s4], s20  }
0x9e: {  	_ =	swait.ge [sflag:s22], s20  }
0x9f: {  	s3 =	ssub.s32 $0x0, s20;
	[sflag:s22] =	ssyncset.done $0x0  }
0xa0: {  	[sflag:s22] =	ssyncadd.s32 s3;
	_ =	sdelay $0x1  }
0xa1: {  	s23 =	simm.s32 $0x1B8B  }
0xa2: {  	_ =	swait.ge [sflag:s23], $0x1  }
0xa3: {  	[sflag:s23] =	ssyncset.done $0x0  }
0xa4: {  	s25 =	simm.s32 $0x1B8E;
	s24 =	sld [smem:$0x3FFE];
	[sflag:s23] =	ssyncadd.s32 $0xFFFFFFFF  }
0xa5: {  	s26 =	simm.s32 $execute0_lowered;
	[smem:$0x3FD2] =	sst s25  }
0xa6: {  	s4 =	sshll.u32 s26, $0x1;
	_ =	strace $0x80000046;
	[dreg:$0x1] =	wrdreg $0xFFFFFFFF  }
0xa7: {  	s28 =	simm.s32 $_size_execute0_lowered;
	s2 =	sadd.s32 s2, s4;
	[dreg:$0x0] =	wrdreg $0x0  }
0xa8: {  	s4 =	sshll.u32 s28, $0x1;
	[dreg:$0x2] =	wrdreg s2  }
0xa9: {  	[dreg:$0x3] =	wrdreg s4  }
0xaa: {  	[dreg:$0x4] =	wrdreg $0xC0  }
0xab: {  	_ =	task [dreg:s6], $0x5FFFF  }
0xac: {  	[dreg:$0x1] =	wrdreg $0xFFFFFFFF  }
0xad: {  	[dreg:$0x0] =	wrdreg $0x60  }
0xae: {  	[dreg:$0x2] =	wrdreg s24  }
0xaf: {  	[dreg:$0x3] =	wrdreg $0x9  }
0xb0: {  	_ =	task.clear_ibuf [dreg:s6], $0x4FFFF;
	_ =	strace $0x90000046  }
0xb1: {  	s29 =	simm.s32 $0x9;
	_ =	strace $0x80000048  }
0xb2: {  	_ =	swait.ge [sflag:s29], $0x1  }
0xb3: {  	[sflag:s29] =	ssyncadd.s32 $0xFFFFFFFF  }
0xb4: {  	_ =	strace $0x90000048  }
0xb5: {  	_ =	sfence  }
0xb6: {  	s30 =	sld [smem:$0x0];
	_ =	sdelay $0x2  }
0xb7: {  	s31 =	sshll.u32 s1, $0xD;
	s1 =	sshrl.u32 s1, $0x2  }
0xb8: {  	s3 =	sand.u32 $0x4000, s31;
	s1 =	sadd.s32 s1, s30  }
0xb9: {  	s0 =	sor.u32 s3, s0;
	s1 =	sshll.u32 s1, $0x11  }
0xba: {  	s0 =	sor.u32 s1, s0  }
0xbb: {  	s0 =	sadd.s32 $0x8F2B, s0  }
0xbc: {  	[sflag:s0] =	ssyncadd.remote.s32 $0x1  }
0xbd: {  	_ =	sfence.sel $0xFFFF  }
0xbe: {  	[dreg:$0x0] =	wrdreg $0xFFFFFFFF;
	(pc) =	sbr.abs _section_cstart, $3  }
0xbf: {  	[dreg:$0x1] =	wrdreg $0xFFFFFFFF  }
0xc0: {  	_ =	task.clear_ibuf [dreg:s6], $0x2FFFF;
	_ =	strace $0x9FFFFFFF  }
0xc1: {  	(tm) =	ssettm $0x7FFFFFFF  }
tec
execute0_lowered:
.L_overlay_start_1:
0x0: {  	(tag) =	ssettag $0x1  }
0x1: {  	s7 =	rddreg [dreg:$0x0]  }
0x2: {  	s0 =	rddreg [dreg:$0x1]  }
0x3: {  	s1 =	stileid.u32;
	s3 =	srdreg.scid;
	s2 =	simm.s32 $0x0  }
0x4: {  	s12 =	simm.s32 $0x1C00;
	s13 =	simm.s32 $0x80;
	s14 =	simm.s32 $0x3800  }
0x5: {  	s15 =	simm.s32 $0xB800;
	s16 =	simm.s32 $0x7800;
	s17 =	simm.s32 $0xF800  }
0x6: {  	s18 =	simm.s32 $0x1;
	s19 =	simm.s32 $0x2;
	s20 =	simm.s32 $0x3  }
0x7: {  	s21 =	simm.s32 $0x4;
	s22 =	simm.s32 $0x0;
	s4 =	smul.u32 $0x38, s1  }
0x8: {  	s6 =	sand.u32 $0x1, s3;
	s3 =	smul.u32 $0x18, s1;
	[smem:$0x7FF] =	sst s2  }
0x9: {  	p0 =	seq.s32 s6, $0x0;
	_ =	strace $0x80000047;
	s5 =	sadd.s32 $0x180, s4  }
0xa: {  	s9 =	ssub.s32 $0x2, s6;
	s6 =	simm.s32 $0x1C;
	s3 =	smov.u32 @p0 s5  }
0xb: {  	s4 =	sadd.s32 $0xC000, s7;
	s31 =	sshrl.u32 s9, $0x1;
	s8 =	sshll.u32 s3, $0x4  }
0xc: {  	s6 =	simm.s32 @!p0 $0xC;
	s5 =	sadd.s32 $0x33200, s7;
	s10 =	sadd.s32 s8, s7  }
0xd: {  	s11 =	ssub.s32 s9, s31;
	s7 =	sadd.s32 $0x5A400, s7;
	s8 =	sadd.s32 $0x7000, s10  }
0xe: {  	s9 =	sadd.s32 $0x2000, s10;
	s10 =	smax.u32 s11, $0x1;
	s11 =	simm.s32 $0x5  }
.LBB2_1:
0xf: {  	[tilespmem:s2], [sflag:$0x5] =	stream.linear.gather [hbm4b:s8+s2], $0x1C00, $0x38;
	[tilespmem:$0x13800] =	vst v63  }
0x10: {  	_ =	swait.ge [sflag:s11], $0x1C00  }
0x11: {  	[sflag:s11] =	ssyncset.done $0x0  }
0x12: {  	[sflag:s11] =	ssyncadd.s32 $0xFFFFE400  }
0x13: {  	[tilespmem:s12], [sflag:$0x5] =	stream.linear.gather [hbm4b:s9+s2], $0x1C00, $0x38;
	[tilespmem:$0x13800] =	vst v63  }
0x14: {  	_ =	swait.ge [sflag:s11], $0x1C00  }
0x15: {  	[sflag:s11] =	ssyncset.done $0x0  }
0x16: {  	s23 =	simm.s32 $0x0;
	[sflag:s11] =	ssyncadd.s32 $0xFFFFE400  }
.LBB2_2:
0x17: {  	s25 =	sshll.u32 s23, $0x8  }
0x18: {  	[tilespmem:s14], [sflag:$0x1] =	stream.indirect.gather [hbm4b:s4+s13], $0x80, s25, s13, $0xb8;
	[tilespmem:$0x13800] =	vst v63  }
0x19: {  	s24 =	sshllo.u32 s23, $0x1;
	s25 =	sadd.s32 $0x1C00, s25  }
0x1a: {  	[tilespmem:s15], [sflag:$0x1] =	stream.indirect.gather [hbm4b:s5+s13], $0x80, s25, s13, $0xb8;
	[tilespmem:$0x13800] =	vst v63  }
0x1b: {  	s31 =	sshll.u32 s24, $0x7  }
0x1c: {  	[tilespmem:s16], [sflag:$0x2] =	stream.indirect.gather [hbm4b:s4+s13], $0x80, s31, s13, $0xb8;
	[tilespmem:$0x13800] =	vst v63  }
0x1d: {  	s25 =	sadd.s32 $0x1C00, s31  }
0x1e: {  	[tilespmem:s17], [sflag:$0x2] =	stream.indirect.gather [hbm4b:s5+s13], $0x80, s25, s13, $0xb8;
	[tilespmem:$0x13800] =	vst v63  }
0x1f: {  	_ =	swait.ge [sflag:s18], $0x4000  }
0x20: {  	[sflag:s18] =	ssyncset.done $0x0  }
0x21: {  	[sflag:s18] =	ssyncadd.s32 $0xFFFFC000  }
0x22: {  	_ =	swait.ge [sflag:s18], $0x4000  }
0x23: {  	[sflag:s18] =	ssyncset.done $0x0  }
0x24: {  	s25 =	simm.s32 $0x0;
	[sflag:s18] =	ssyncadd.s32 $0xFFFFC000  }
0x25: {  	v7 =	vld [tilespmem:s25+$0xB800]  }
0x26: {  	v11 =	vld [tilespmem:s25+$0xB810]  }
0x27: {  	v5 =	vld [tilespmem:s25+$0xB820]  }
0x28: {  	v4 =	vld [tilespmem:s25+$0xB830]  }
0x29: {  	v3 =	vld [tilespmem:s25+$0xB840]  }
0x2a: {  	v2 =	vld [tilespmem:s25+$0xB850]  }
0x2b: {  	v1 =	vld [tilespmem:s25+$0xB860]  }
0x2c: {  	v0 =	vld [tilespmem:s25+$0xB870]  }
0x2d: {  	v12 =	vld [tilespmem:s25+$0x3800]  }
0x2e: {  	v13 =	vld [tilespmem:s25+$0x3810]  }
0x2f: {  	v10 =	vld [tilespmem:s25+$0x3820]  }
0x30: {  	v9 =	vld [tilespmem:s25+$0x3830]  }
0x31: {  	v8 =	vld [tilespmem:s25+$0x3840]  }
0x32: {  	v6 =	vld [tilespmem:s25+$0x3850];
	v12 =	vadd.f32 v7, v12  }
0x33: {  	s26 =	sshll.u32 s23, $0x1;
	s28 =	simm.s32 $0x200;
	v11 =	vadd.f32 v11, v13;
	v7 =	vld [tilespmem:s25+$0x3860]  }
.LBB2_3:
0x34: {  	s29 =	sshra.s32 s28, $0x2;
	p0 =	sne.s32 s28, $0xFE00;
	[tilespmem:s25+$0x3800] =	vst v12;
	v5 =	vadd.f32 v5, v10;
	v10 =	vld [tilespmem:s25+$0x3870]  }
0x35: {  	v12 =	vld [tilespmem:s29+$0xB800];
	[tilespmem:s25+$0x3810] =	vst v11;
	v4 =	vadd.f32 v4, v9  }
0x36: {  	v11 =	vld [tilespmem:s29+$0xB810];
	[tilespmem:s25+$0x3820] =	vst v5;
	v3 =	vadd.f32 v3, v8  }
0x37: {  	v5 =	vld [tilespmem:s29+$0xB820];
	[tilespmem:s25+$0x3830] =	vst v4;
	v2 =	vadd.f32 v2, v6  }
0x38: {  	v4 =	vld [tilespmem:s29+$0xB830];
	[tilespmem:s25+$0x3840] =	vst v3;
	v1 =	vadd.f32 v1, v7  }
0x39: {  	v3 =	vld [tilespmem:s29+$0xB840];
	[tilespmem:s25+$0x3850] =	vst v2;
	v0 =	vadd.f32 v0, v10  }
0x3a: {  	v2 =	vld [tilespmem:s29+$0xB850];
	[tilespmem:s25+$0x3860] =	vst v1  }
0x3b: {  	v1 =	vld [tilespmem:s29+$0xB860];
	[tilespmem:s25+$0x3870] =	vst v0;
	s25 =	smov.u32 s29  }
0x3c: {  	v0 =	vld [tilespmem:s25+$0xB870]  }
0x3d: {  	v6 =	vld [tilespmem:s25+$0x3800]  }
0x3e: {  	v7 =	vld [tilespmem:s25+$0x3810]  }
.Ltmp0:
0x3f: {  	v10 =	vld [tilespmem:s25+$0x3820];
	(pc) =	sbr.rel @p0 .LBB2_3-.Ltmp0, $4  }
0x40: {  	v9 =	vld [tilespmem:s25+$0x3830]  }
0x41: {  	v8 =	vld [tilespmem:s25+$0x3840]  }
0x42: {  	v12 =	vadd.f32 v12, v6;
	v6 =	vld [tilespmem:s25+$0x3850]  }
0x43: {  	s28 =	sadd.s32 $0x200, s28;
	v11 =	vadd.f32 v11, v7;
	v7 =	vld [tilespmem:s25+$0x3860]  }
0x44: {  	[tilespmem:s25+$0x3800] =	vst v12;
	v5 =	vadd.f32 v5, v10;
	v10 =	vld [tilespmem:s25+$0x3870]  }
0x45: {  	[tilespmem:s25+$0x3810] =	vst v11;
	v4 =	vadd.f32 v4, v9  }
0x46: {  	[tilespmem:s25+$0x3820] =	vst v5;
	v3 =	vadd.f32 v3, v8  }
0x47: {  	[tilespmem:s25+$0x3830] =	vst v4;
	v2 =	vadd.f32 v2, v6  }
0x48: {  	s26 =	sadd.s32 s3, s26;
	[tilespmem:s25+$0x3840] =	vst v3;
	v1 =	vadd.f32 v1, v7  }
0x49: {  	s26 =	sshll.u32 s26, $0xB;
	[tilespmem:s25+$0x3850] =	vst v2;
	v0 =	vadd.f32 v0, v10  }
0x4a: {  	s26 =	sand.u32 $0x1FFFF000, s26;
	[tilespmem:s25+$0x3860] =	vst v1  }
0x4b: {  	s31 =	simm.s32 $0x0;
	s30 =	sadd.s32 s7, s26;
	[tilespmem:s25+$0x3870] =	vst v0  }
0x4c: {  	[hbm4b:s30+s31] =	stream.linear.scatter [tilespmem:s14], [sflag:$0x3], $0x4000, $0x38;
	[tilespmem:$0x13800] =	vst v63  }
0x4d: {  	_ =	swait.ge [sflag:s19], $0x4000  }
0x4e: {  	[sflag:s19] =	ssyncset.done $0x0  }
0x4f: {  	[sflag:s19] =	ssyncadd.s32 $0xFFFFC000  }
0x50: {  	_ =	swait.ge [sflag:s19], $0x4000  }
0x51: {  	[sflag:s19] =	ssyncset.done $0x0  }
0x52: {  	s25 =	simm.s32 $0x0;
	[sflag:s19] =	ssyncadd.s32 $0xFFFFC000  }
0x53: {  	v7 =	vld [tilespmem:s25+$0xF800]  }
0x54: {  	v11 =	vld [tilespmem:s25+$0xF810]  }
0x55: {  	v5 =	vld [tilespmem:s25+$0xF820]  }
0x56: {  	v4 =	vld [tilespmem:s25+$0xF830]  }
0x57: {  	v3 =	vld [tilespmem:s25+$0xF840]  }
0x58: {  	v2 =	vld [tilespmem:s25+$0xF850]  }
0x59: {  	v1 =	vld [tilespmem:s25+$0xF860]  }
0x5a: {  	v0 =	vld [tilespmem:s25+$0xF870]  }
0x5b: {  	v12 =	vld [tilespmem:s25+$0x7800]  }
0x5c: {  	v13 =	vld [tilespmem:s25+$0x7810]  }
0x5d: {  	v10 =	vld [tilespmem:s25+$0x7820]  }
0x5e: {  	v9 =	vld [tilespmem:s25+$0x7830]  }
0x5f: {  	v8 =	vld [tilespmem:s25+$0x7840]  }
0x60: {  	v6 =	vld [tilespmem:s25+$0x7850];
	v12 =	vadd.f32 v7, v12  }
0x61: {  	s26 =	simm.s32 $0x200;
	v11 =	vadd.f32 v11, v13;
	v7 =	vld [tilespmem:s25+$0x7860]  }
.LBB2_5:
0x62: {  	s28 =	sshra.s32 s26, $0x2;
	p0 =	sne.s32 s26, $0xFE00;
	[tilespmem:s25+$0x7800] =	vst v12;
	v5 =	vadd.f32 v5, v10;
	v10 =	vld [tilespmem:s25+$0x7870]  }
0x63: {  	v12 =	vld [tilespmem:s28+$0xF800];
	[tilespmem:s25+$0x7810] =	vst v11;
	v4 =	vadd.f32 v4, v9  }
0x64: {  	v11 =	vld [tilespmem:s28+$0xF810];
	[tilespmem:s25+$0x7820] =	vst v5;
	v3 =	vadd.f32 v3, v8  }
0x65: {  	v5 =	vld [tilespmem:s28+$0xF820];
	[tilespmem:s25+$0x7830] =	vst v4;
	v2 =	vadd.f32 v2, v6  }
0x66: {  	v4 =	vld [tilespmem:s28+$0xF830];
	[tilespmem:s25+$0x7840] =	vst v3;
	v1 =	vadd.f32 v1, v7  }
0x67: {  	v3 =	vld [tilespmem:s28+$0xF840];
	[tilespmem:s25+$0x7850] =	vst v2;
	v0 =	vadd.f32 v0, v10  }
0x68: {  	v2 =	vld [tilespmem:s28+$0xF850];
	[tilespmem:s25+$0x7860] =	vst v1  }
0x69: {  	v1 =	vld [tilespmem:s28+$0xF860];
	[tilespmem:s25+$0x7870] =	vst v0;
	s25 =	smov.u32 s28  }
0x6a: {  	v0 =	vld [tilespmem:s25+$0xF870]  }
0x6b: {  	v6 =	vld [tilespmem:s25+$0x7800]  }
0x6c: {  	v7 =	vld [tilespmem:s25+$0x7810]  }
.Ltmp1:
0x6d: {  	v10 =	vld [tilespmem:s25+$0x7820];
	(pc) =	sbr.rel @p0 .LBB2_5-.Ltmp1, $4  }
0x6e: {  	v9 =	vld [tilespmem:s25+$0x7830]  }
0x6f: {  	v8 =	vld [tilespmem:s25+$0x7840]  }
0x70: {  	v12 =	vadd.f32 v12, v6;
	v6 =	vld [tilespmem:s25+$0x7850]  }
0x71: {  	s26 =	sadd.s32 $0x200, s26;
	v11 =	vadd.f32 v11, v7;
	v7 =	vld [tilespmem:s25+$0x7860]  }
0x72: {  	[tilespmem:s25+$0x7800] =	vst v12;
	v5 =	vadd.f32 v5, v10;
	v63 =	vld [tilespmem:s25+$0x7870]  }
0x73: {  	[tilespmem:s25+$0x7810] =	vst v11;
	v4 =	vadd.f32 v4, v9  }
0x74: {  	[tilespmem:s25+$0x7820] =	vst v5;
	v3 =	vadd.f32 v3, v8  }
0x75: {  	[tilespmem:s25+$0x7830] =	vst v4;
	v2 =	vadd.f32 v2, v6  }
0x76: {  	[tilespmem:s25+$0x7840] =	vst v3;
	v1 =	vadd.f32 v1, v7  }
0x77: {  	s24 =	sadd.s32 s3, s24;
	[tilespmem:s25+$0x7850] =	vst v2;
	v0 =	vadd.f32 v0, v63  }
0x78: {  	s24 =	sshll.u32 s24, $0xB;
	[tilespmem:s25+$0x7860] =	vst v1  }
0x79: {  	s23 =	sadd.s32 $0x1, s23;
	s24 =	sadd.s32 s7, s24;
	[tilespmem:s25+$0x7870] =	vst v0  }
0x7a: {  	[hbm4b:s24+s2] =	stream.linear.scatter [tilespmem:s16], [sflag:$0x4], $0x4000, $0x38;
	[tilespmem:$0x13800] =	vst v63  }
0x7b: {  	p0 =	sne.s32 s23, s6;
	_ =	swait.ge [sflag:s20], $0x4000  }
.Ltmp2:
0x7c: {  	[sflag:s20] =	ssyncset.done $0x0;
	(pc) =	sbr.rel @p0 .LBB2_2-.Ltmp2, $4  }
0x7d: {  	[sflag:s20] =	ssyncadd.s32 $0xFFFFC000  }
0x7e: {  	_ =	swait.ge [sflag:s21], $0x4000  }
0x7f: {  	[sflag:s21] =	ssyncset.done $0x0  }
0x80: {  	[sflag:s21] =	ssyncadd.s32 $0xFFFFC000  }
0x81: {  	s22 =	sadd.s32 $0x1, s22  }
0x82: {  	p0 =	sne.s32 s22, s10  }
.Ltmp3:
0x83: {  	_ = 	snop;
	(pc) =	sbr.rel @p0 .LBB2_1-.Ltmp3, $1  }
0x84: {  	_ =	sdelay $0x3  }
0x85: {  	_ =	sfence.sel $0x180000  }
0x86: {  	[bflag:$0x0] =	sbarrier.arrive $0xFFFF  }
0x87: {  	p0 =	sne.s32 s1, $0x0;
	_ =	strace $0x90000047  }
0x88: {  	s0 =	sadd.s32 @!p0 $0x100000, s0;
	[bflag:$0x2] =	sbarrier.arrive $0xFFFF  }
0x89: {  	[sflag:s0] =	ssyncadd.tile.s32 @!p0 $0x1;
	_ =	shalt  }
.Lfunc_end2:
_tile_overlayer_lowered:
.L_overlay_start_2:
0x8a: {  	(tag) =	ssettag $0x2  }
0x8b: {  	s0 =	rddreg [dreg:$0x0];
	s2 =	stileid.u32  }
0x8c: {  	s1 =	rddreg [dreg:$0x1];
	p0 =	sne.s32 s2, $0x0  }
0x8d: {  	s3 =	rddreg [dreg:$0x2];
	[bflag:$0x3] =	sbarrier.arrive $0xFFFF;
	s2 =	simm.s32 @!p0 $0x1C05  }
0x8e: {  	[timem:s3], [sflag:s2] =	dma.local @!p0 [hbm:s0], s1  }
0x8f: {  	s0 =	simm.s32 @!p0 $0x5  }
0x90: {  	_ =	swait.ge @!p0 [sflag:s0], s1  }
0x91: {  	s1 =	ssub.s32 @!p0 $0x0, s1;
	[sflag:s0] =	ssyncset.done @!p0 $0x0  }
0x92: {  	[sflag:s0] =	ssyncadd.s32 @!p0 s1  }
0x93: {  	[bflag:$0x3] =	sbarrier.arrive $0xFFFF  }
0x94: {  	_ =	shalt  }

</sc_bundles>
